<compile_context>
chip_gen: v7x
topology: tpu7x:2x2x1
jax: 0.10.2.dev20260603
libtpu: 0.0.44.dev20260713+nightly
codegen_flags: <defaults>
</compile_context>

<pallas_src>
import functools

import jax
import jax.numpy as jnp
from jax import lax
from jax.experimental import pallas as pl
from jax.experimental.pallas import tpu as pltpu
from jax.experimental.pallas import tpu_sc as plsc

NC = 2
NS = 16
CH = 128

f32 = jnp.float32
i32 = jnp.int32


def _mesh():
    return plsc.VectorSubcoreMesh(core_axis_name="c", subcore_axis_name="s",
                                  num_cores=NC, num_subcores=NS)



def _deg_body(colp, zeros, out, idx_v, ones_v, deg_sh, *, n_pad, k):
    c = lax.axis_index("c")
    s = lax.axis_index("s")
    sl = n_pad // NS
    pltpu.sync_copy(zeros.at[pl.ds(s * sl, sl)], deg_sh.at[pl.ds(s * sl, sl)])
    pltpu.sync_copy(colp.at[c].at[s], idx_v)
    for i in range(CH // 16):
        ones_v[pl.ds(i * 16, 16)] = jnp.full((16,), 1.0, f32)
    plsc.subcore_barrier()

    def body(j, _):
        pltpu.sync_copy(ones_v, deg_sh.at[idx_v.at[j]], add=True)
        return ()

    lax.fori_loop(0, k, body, ())
    plsc.subcore_barrier()
    pltpu.sync_copy(deg_sh.at[pl.ds(s * sl, sl)],
                    out.at[c].at[pl.ds(s * sl, sl)])


def _seg_body(yp, gidx, sidx, zeros, out, gidx_v, sidx_v, msg_v, y_sh, s_sh,
              gsem, ssem, *, n_pad, k4):
    c = lax.axis_index("c")
    s = lax.axis_index("s")
    k = k4 // 4
    sl = (n_pad * 4) // NS
    sl1 = n_pad // NS
    pltpu.sync_copy(zeros.at[pl.ds(s * sl, sl)], s_sh.at[pl.ds(s * sl, sl)])
    for f in range(4):
        pltpu.sync_copy(yp.at[f].at[pl.ds(s * sl1, sl1)],
                        y_sh.at[pl.ds(f * n_pad + s * sl1, sl1)])
    pltpu.sync_copy(gidx.at[c].at[s], gidx_v)
    pltpu.sync_copy(sidx.at[c].at[s], sidx_v)
    plsc.subcore_barrier()

    def gidx_at(j):
        return gidx_v.at[j]

    def sidx_at(j):
        return sidx_v.at[j]

    for g in range(4):
        pltpu.async_copy(y_sh.at[gidx_at(g)], msg_v.at[g], gsem)

    def body(j, _):
        b = lax.rem(j, 8)
        bn = lax.rem(j + 4, 8)

        @pl.when(j >= 4)
        def _():
            pltpu.make_async_copy(
                msg_v.at[bn], s_sh.at[sidx_at(j - 4)], ssem).wait()

        @pl.when(j + 4 < k4)
        def _():
            pltpu.async_copy(y_sh.at[gidx_at(j + 4)], msg_v.at[bn], gsem)

        pltpu.make_async_copy(y_sh.at[gidx_at(j)], msg_v.at[b], gsem).wait()
        pltpu.async_copy(msg_v.at[b], s_sh.at[sidx_at(j)], ssem, add=True)
        return ()

    lax.fori_loop(0, k4, body, ())
    for g in range(4):
        pltpu.make_async_copy(
            msg_v.at[lax.rem(k4 - 4 + g, 8)],
            s_sh.at[sidx_at(k4 - 4 + g)], ssem).wait()
    plsc.subcore_barrier()
    for f in range(4):
        pltpu.sync_copy(s_sh.at[pl.ds(f * n_pad + s * sl1, sl1)],
                        out.at[c].at[f].at[pl.ds(s * sl1, sl1)])



_TDIMS = (((0,), (0,)), ((), ()))


def _tc1_body(x_ref, w1_ref, degp_ref, y_ref, dinv_ref):
    deg = degp_ref[0:1, :] + degp_ref[1:2, :] + 1.0
    dv = lax.rsqrt(deg)
    xwt = lax.dot_general(w1_ref[...], x_ref[...], (((0,), (1,)), ((), ())),
                          preferred_element_type=f32)
    y_ref[...] = xwt * dv
    dinv_ref[...] = dv


def _tc2_body(sp_ref, y_ref, dinv_ref, b_ref, w_ref, y2_ref):
    s = sp_ref[0] + sp_ref[1]
    dv = dinv_ref[...]
    h = jnp.tanh(dv * (s + y_ref[...]) + b_ref[...])
    y2_ref[...] = lax.dot_general(w_ref[...], h, _TDIMS,
                                  preferred_element_type=f32) * dv


def _tc3_body(sp_ref, y_ref, dinv_ref, b_ref, wc_ref, bc_ref,
              out_ref, h_ref):
    s = sp_ref[0] + sp_ref[1]
    dv = dinv_ref[...]
    ht = jnp.tanh(dv * (s + y_ref[...]) + b_ref[...])
    h = ht.T
    h_ref[...] = h
    out_ref[...] = jnp.dot(h, wc_ref[...], preferred_element_type=f32) + bc_ref[...]



def kernel(x, edge_index, W1, b1, W2, b2, Wc, bc):
    n, d = x.shape
    h_dim = W1.shape[1]
    c_dim = Wc.shape[1]
    e = edge_index.shape[1]

    n_pad = ((n // (NS * 128)) + 1) * (NS * 128)
    k = -(-e // (NC * NS * CH))
    k = ((k + 7) // 8) * 8
    e_pad = NC * NS * k * CH

    row = edge_index[0]
    col = edge_index[1]
    pad = e_pad - e
    colp = jnp.concatenate(
        [col, n + (jnp.arange(pad, dtype=i32) % (n_pad - n))])
    colp = colp.reshape(NC, NS, k, CH)

    rowp = jnp.concatenate(
        [row, (jnp.arange(pad, dtype=i32) % n)]).reshape(NC, NS, k, CH)
    four = jnp.arange(4, dtype=i32).reshape(1, 1, 4, 1, 1)
    k4 = 4 * k
    gidx = (rowp[:, :, None] + four * n_pad).reshape(NC, NS, k4, CH)
    sidx = (colp[:, :, None] + four * n_pad).reshape(NC, NS, k4, CH)

    zeros1 = jnp.zeros((n_pad,), f32)
    zeros4 = jnp.zeros((n_pad * 4,), f32)

    mesh = _mesh()

    deg_call = pl.kernel(
        functools.partial(_deg_body, n_pad=n_pad, k=k),
        out_type=jax.ShapeDtypeStruct((NC, n_pad), f32),
        mesh=mesh,
        scratch_types=[
            pltpu.VMEM((k, CH), i32),
            pltpu.VMEM((CH,), f32),
            pltpu.VMEM_SHARED((n_pad,), f32),
        ],
    )
    degp = deg_call(colp, zeros1)

    seg_call = pl.kernel(
        functools.partial(_seg_body, n_pad=n_pad, k4=k4),
        out_type=jax.ShapeDtypeStruct((NC, 4, n_pad), f32),
        mesh=mesh,
        scratch_types=[
            pltpu.VMEM((k4, CH), i32),
            pltpu.VMEM((k4, CH), i32),
            pltpu.VMEM((8, CH), f32),
            pltpu.VMEM_SHARED((n_pad * 4,), f32),
            pltpu.VMEM_SHARED((n_pad * 4,), f32),
            pltpu.SemaphoreType.DMA,
            pltpu.SemaphoreType.DMA,
        ],
    )

    bm = 2048
    grid = n_pad // bm

    y1, dinv = pl.pallas_call(
        _tc1_body,
        grid=(grid,),
        in_specs=[
            pl.BlockSpec((bm, d), lambda i: (i, 0)),
            pl.BlockSpec((d, h_dim), lambda i: (0, 0)),
            pl.BlockSpec((NC, bm), lambda i: (0, i)),
        ],
        out_specs=[
            pl.BlockSpec((h_dim, bm), lambda i: (0, i)),
            pl.BlockSpec((1, bm), lambda i: (0, i)),
        ],
        out_shape=[
            jax.ShapeDtypeStruct((h_dim, n_pad), f32),
            jax.ShapeDtypeStruct((1, n_pad), f32),
        ],
    )(x, W1, degp)

    s1p = seg_call(y1, gidx, sidx, zeros4)

    y2 = pl.pallas_call(
        _tc2_body,
        grid=(grid,),
        in_specs=[
            pl.BlockSpec((NC, h_dim, bm), lambda i: (0, 0, i)),
            pl.BlockSpec((h_dim, bm), lambda i: (0, i)),
            pl.BlockSpec((1, bm), lambda i: (0, i)),
            pl.BlockSpec((h_dim, 1), lambda i: (0, 0)),
            pl.BlockSpec((h_dim, h_dim), lambda i: (0, 0)),
        ],
        out_specs=pl.BlockSpec((h_dim, bm), lambda i: (0, i)),
        out_shape=jax.ShapeDtypeStruct((h_dim, n_pad), f32),
    )(s1p, y1, dinv, b1.reshape(h_dim, 1), W2)

    s2p = seg_call(y2, gidx, sidx, zeros4)

    out, h2 = pl.pallas_call(
        _tc3_body,
        grid=(grid,),
        in_specs=[
            pl.BlockSpec((NC, h_dim, bm), lambda i: (0, 0, i)),
            pl.BlockSpec((h_dim, bm), lambda i: (0, i)),
            pl.BlockSpec((1, bm), lambda i: (0, i)),
            pl.BlockSpec((h_dim, 1), lambda i: (0, 0)),
            pl.BlockSpec((h_dim, c_dim), lambda i: (0, 0)),
            pl.BlockSpec((1, c_dim), lambda i: (0, 0)),
        ],
        out_specs=[
            pl.BlockSpec((bm, c_dim), lambda i: (i, 0)),
            pl.BlockSpec((bm, h_dim), lambda i: (i, 0)),
        ],
        out_shape=[
            jax.ShapeDtypeStruct((n, c_dim), f32),
            jax.ShapeDtypeStruct((n, h_dim), f32),
        ],
    )(s2p, y2, dinv, b2.reshape(h_dim, 1), Wc, bc.reshape(1, c_dim))

    return (out, h2)

# --- scband reference (transcript-rebuilt; emitter-appended) ---
"""Pipeline reference for scband-gcn-5987184410903 (READ-ONLY COPY).

The authoritative reference and input builder live on the scoring server;
editing this copy changes nothing except your own understanding.
"""

import jax, jax.numpy as jnp
import numpy as np

N = 10000
E = 320000
D = 128
H = 4
C = 4


def gcn_conv(x, edge_index, W, b):
    n = x.shape[0]
    row = edge_index[0]
    col = edge_index[1]
    loop = jnp.arange(n, dtype=row.dtype)
    row = jnp.concatenate([row, loop])
    col = jnp.concatenate([col, loop])
    xw = x @ W
    deg = jnp.zeros((n,), dtype=xw.dtype).at[col].add(1.0)
    dinv = jnp.where(deg > 0, deg ** -0.5, 0.0)
    norm = dinv[row] * dinv[col]
    msg = xw[row] * norm[:, None]
    out = jnp.zeros((n, xw.shape[1]), dtype=xw.dtype).at[col].add(msg)
    return out + b


def setup_inputs(seed: int = 0):
    key = jax.random.key(seed)
    ks = jax.random.split(key, 8)
    x = jax.random.normal(ks[0], (N, D), dtype=jnp.float32)
    edge_index = jax.random.randint(ks[1], (2, E), 0, N, dtype=jnp.int32)
    W1 = jax.random.normal(ks[2], (D, H), dtype=jnp.float32) * (1.0 / np.sqrt(D))
    b1 = jnp.zeros((H,), dtype=jnp.float32)
    W2 = jax.random.normal(ks[3], (H, H), dtype=jnp.float32) * (1.0 / np.sqrt(H))
    b2 = jnp.zeros((H,), dtype=jnp.float32)
    Wc = jax.random.normal(ks[4], (H, C), dtype=jnp.float32) * (1.0 / np.sqrt(H))
    bc = jnp.zeros((C,), dtype=jnp.float32)
    return {"x": x, "edge_index": edge_index, "W1": W1, "b1": b1, "W2": W2, "b2": b2, "Wc": Wc, "bc": bc}


def reference(x, edge_index, W1, b1, W2, b2, Wc, bc):
    h = gcn_conv(x, edge_index, W1, b1)
    h = jnp.tanh(h)
    h = gcn_conv(h, edge_index, W2, b2)
    h = jnp.tanh(h)
    out = h @ Wc + bc
    return (out, h)

if __name__ == "__main__":
    import jax
    _d = setup_inputs()
    print(jax.jit(kernel)(*tuple(_d.values())))

</pallas_src>

<mosaic_0001>
#map = affine_map<(d0, d1) -> (0, 0, 0, 0)>
#map1 = affine_map<(d0, d1) -> (0)>
#map2 = affine_map<(d0, d1) -> (0, 0)>
module attributes {stable_mosaic.version = 14 : i64} {
  func.func @_deg_body(%arg0: i32, %arg1: i32, %arg2: memref<2x16x80x128xi32, #tpu.memory_space<hbm>>, %arg3: memref<10240xf32, #tpu.memory_space<hbm>>, %arg4: memref<2x10240xf32, #tpu.memory_space<hbm>>, %arg5: memref<80x128xi32, #tpu.memory_space<vmem>>, %arg6: memref<128xf32, #tpu.memory_space<vmem>>, %arg7: memref<10240xf32, #tpu.memory_space<vmem_shared>>) attributes {dimension_semantics = [#tpu.dimension_semantics<core_parallel>, #tpu.dimension_semantics<subcore_parallel>], iteration_bounds = array<i64: 2, 16>, scalar_prefetch = 0 : i64, scratch_operands = 3 : i64, tpu.core_type = #tpu.core_type<sc_vector_subcore>, window_params = [{transform_indices = #map}, {transform_indices = #map1}, {transform_indices = #map2}]} {
    %mul3A = arith.constant 640 : i32
    %mul3A_0 = arith.muli %arg1, %mul3A : i32
    %mul3A_1 = arith.constant 640 : i32
    %mul3A_2 = arith.muli %arg1, %mul3A_1 : i32
    "tpu.region"() ({
      %run_scoped3A = tpu.sem_alloc : memref<!tpu.dma_semaphore, #tpu.memory_space<semaphore_mem>>
      %dma_start3A = tpu.memref_slice %arg7[%mul3A_2] : memref<10240xf32, #tpu.memory_space<vmem_shared>> -> memref<640xf32, #tpu.memory_space<vmem_shared>>
      %dma_start3A_58 = tpu.memref_slice %arg3[%mul3A_0] : memref<10240xf32, #tpu.memory_space<hbm>> -> memref<640xf32, #tpu.memory_space<hbm>>
      tpu.enqueue_dma source(%dma_start3A_58 : memref<640xf32, #tpu.memory_space<hbm>>) target(%dma_start3A : memref<640xf32, #tpu.memory_space<vmem_shared>>) target_semaphore(%run_scoped3A : memref<!tpu.dma_semaphore, #tpu.memory_space<semaphore_mem>>)
      %dma_wait3A = tpu.memref_slice %arg7[%mul3A_2] : memref<10240xf32, #tpu.memory_space<vmem_shared>> -> memref<640xf32, #tpu.memory_space<vmem_shared>>
      %dma_wait3A_59 = tpu.memref_slice %arg3[%mul3A_0] : memref<10240xf32, #tpu.memory_space<hbm>> -> memref<640xf32, #tpu.memory_space<hbm>>
      tpu.wait_dma2 semaphore(%run_scoped3A : memref<!tpu.dma_semaphore, #tpu.memory_space<semaphore_mem>>) src(%dma_wait3A_59 : memref<640xf32, #tpu.memory_space<hbm>>) dst(%dma_wait3A : memref<640xf32, #tpu.memory_space<vmem_shared>>)
      tpu.yield
    }) : () -> ()
    "tpu.region"() ({
      %run_scoped3A = tpu.sem_alloc : memref<!tpu.dma_semaphore, #tpu.memory_space<semaphore_mem>>
      %dma_start3A = arith.constant 0 : i32
      %dma_start3A_58 = arith.constant 0 : i32
      %dma_start3A_59 = arith.constant 0 : i32
      %dma_start3A_60 = tpu.memref_slice %arg2[%arg0, %dma_start3A, %dma_start3A_58, %dma_start3A_59] : memref<2x16x80x128xi32, #tpu.memory_space<hbm>> -> memref<1x16x80x128xi32, #tpu.memory_space<hbm>>
      %dma_start3A_61 = tpu.memref_squeeze %dma_start3A_60 : memref<1x16x80x128xi32, #tpu.memory_space<hbm>> -> memref<16x80x128xi32, #tpu.memory_space<hbm>>
      %dma_start3A_62 = arith.constant 0 : i32
      %dma_start3A_63 = arith.constant 0 : i32
      %dma_start3A_64 = tpu.memref_slice %dma_start3A_61[%arg1, %dma_start3A_62, %dma_start3A_63] : memref<16x80x128xi32, #tpu.memory_space<hbm>> -> memref<1x80x128xi32, #tpu.memory_space<hbm>>
      %dma_start3A_65 = tpu.memref_squeeze %dma_start3A_64 : memref<1x80x128xi32, #tpu.memory_space<hbm>> -> memref<80x128xi32, #tpu.memory_space<hbm>>
      %dma_start3A_66 = arith.constant 0 : i32
      %dma_start3A_67 = arith.constant 0 : i32
      %dma_start3A_68 = arith.constant 0 : i32
      %dma_start3A_69 = tpu.memref_slice %arg2[%arg0, %dma_start3A_66, %dma_start3A_67, %dma_start3A_68] : memref<2x16x80x128xi32, #tpu.memory_space<hbm>> -> memref<1x16x80x128xi32, #tpu.memory_space<hbm>>
      %dma_start3A_70 = tpu.memref_squeeze %dma_start3A_69 : memref<1x16x80x128xi32, #tpu.memory_space<hbm>> -> memref<16x80x128xi32, #tpu.memory_space<hbm>>
      %dma_start3A_71 = arith.constant 0 : i32
      %dma_start3A_72 = arith.constant 0 : i32
      %dma_start3A_73 = tpu.memref_slice %dma_start3A_70[%arg1, %dma_start3A_71, %dma_start3A_72] : memref<16x80x128xi32, #tpu.memory_space<hbm>> -> memref<1x80x128xi32, #tpu.memory_space<hbm>>
      %dma_start3A_74 = tpu.memref_squeeze %dma_start3A_73 : memref<1x80x128xi32, #tpu.memory_space<hbm>> -> memref<80x128xi32, #tpu.memory_space<hbm>>
      tpu.enqueue_dma source(%dma_start3A_74 : memref<80x128xi32, #tpu.memory_space<hbm>>) target(%arg5 : memref<80x128xi32, #tpu.memory_space<vmem>>) target_semaphore(%run_scoped3A : memref<!tpu.dma_semaphore, #tpu.memory_space<semaphore_mem>>)
      %dma_wait3A = arith.constant 0 : i32
      %dma_wait3A_75 = arith.constant 0 : i32
      %dma_wait3A_76 = arith.constant 0 : i32
      %dma_wait3A_77 = tpu.memref_slice %arg2[%arg0, %dma_wait3A, %dma_wait3A_75, %dma_wait3A_76] : memref<2x16x80x128xi32, #tpu.memory_space<hbm>> -> memref<1x16x80x128xi32, #tpu.memory_space<hbm>>
      %dma_wait3A_78 = tpu.memref_squeeze %dma_wait3A_77 : memref<1x16x80x128xi32, #tpu.memory_space<hbm>> -> memref<16x80x128xi32, #tpu.memory_space<hbm>>
      %dma_wait3A_79 = arith.constant 0 : i32
      %dma_wait3A_80 = arith.constant 0 : i32
      %dma_wait3A_81 = tpu.memref_slice %dma_wait3A_78[%arg1, %dma_wait3A_79, %dma_wait3A_80] : memref<16x80x128xi32, #tpu.memory_space<hbm>> -> memref<1x80x128xi32, #tpu.memory_space<hbm>>
      %dma_wait3A_82 = tpu.memref_squeeze %dma_wait3A_81 : memref<1x80x128xi32, #tpu.memory_space<hbm>> -> memref<80x128xi32, #tpu.memory_space<hbm>>
      %dma_wait3A_83 = arith.constant 0 : i32
      %dma_wait3A_84 = arith.constant 0 : i32
      %dma_wait3A_85 = arith.constant 0 : i32
      %dma_wait3A_86 = tpu.memref_slice %arg2[%arg0, %dma_wait3A_83, %dma_wait3A_84, %dma_wait3A_85] : memref<2x16x80x128xi32, #tpu.memory_space<hbm>> -> memref<1x16x80x128xi32, #tpu.memory_space<hbm>>
      %dma_wait3A_87 = tpu.memref_squeeze %dma_wait3A_86 : memref<1x16x80x128xi32, #tpu.memory_space<hbm>> -> memref<16x80x128xi32, #tpu.memory_space<hbm>>
      %dma_wait3A_88 = arith.constant 0 : i32
      %dma_wait3A_89 = arith.constant 0 : i32
      %dma_wait3A_90 = tpu.memref_slice %dma_wait3A_87[%arg1, %dma_wait3A_88, %dma_wait3A_89] : memref<16x80x128xi32, #tpu.memory_space<hbm>> -> memref<1x80x128xi32, #tpu.memory_space<hbm>>
      %dma_wait3A_91 = tpu.memref_squeeze %dma_wait3A_90 : memref<1x80x128xi32, #tpu.memory_space<hbm>> -> memref<80x128xi32, #tpu.memory_space<hbm>>
      tpu.wait_dma2 semaphore(%run_scoped3A : memref<!tpu.dma_semaphore, #tpu.memory_space<semaphore_mem>>) src(%dma_wait3A_91 : memref<80x128xi32, #tpu.memory_space<hbm>>) dst(%arg5 : memref<80x128xi32, #tpu.memory_space<vmem>>)
      tpu.yield
    }) : () -> ()
    %broadcast_in_dim3A = arith.constant 1.000000e+00 : f32
    %broadcast_in_dim3A_3 = vector.broadcast %broadcast_in_dim3A : f32 to vector<16xf32>
    %swap3A = arith.constant 0 : index
    %swap3A_4 = tpu.vector_load %arg6[%swap3A] {strides = array<i32>} : memref<128xf32, #tpu.memory_space<vmem>>, vector<16xf32>,
    %swap3A_5 = vector.shape_cast %swap3A_4 : vector<16xf32> to vector<16xf32>
    %swap3A_6 = vector.shape_cast %broadcast_in_dim3A_3 : vector<16xf32> to vector<16xf32>
    tpu.vector_store %arg6[%swap3A], %swap3A_6 {strides = array<i32>} : memref<128xf32, #tpu.memory_space<vmem>>, vector<16xf32>,
    %broadcast_in_dim3A_7 = arith.constant 1.000000e+00 : f32
    %broadcast_in_dim3A_8 = vector.broadcast %broadcast_in_dim3A_7 : f32 to vector<16xf32>
    %swap3A_9 = arith.constant 16 : index
    %swap3A_10 = tpu.vector_load %arg6[%swap3A_9] {strides = array<i32>} : memref<128xf32, #tpu.memory_space<vmem>>, vector<16xf32>,
    %swap3A_11 = vector.shape_cast %swap3A_10 : vector<16xf32> to vector<16xf32>
    %swap3A_12 = vector.shape_cast %broadcast_in_dim3A_8 : vector<16xf32> to vector<16xf32>
    tpu.vector_store %arg6[%swap3A_9], %swap3A_12 {strides = array<i32>} : memref<128xf32, #tpu.memory_space<vmem>>, vector<16xf32>,
    %broadcast_in_dim3A_13 = arith.constant 1.000000e+00 : f32
    %broadcast_in_dim3A_14 = vector.broadcast %broadcast_in_dim3A_13 : f32 to vector<16xf32>
    %swap3A_15 = arith.constant 32 : index
    %swap3A_16 = tpu.vector_load %arg6[%swap3A_15] {strides = array<i32>} : memref<128xf32, #tpu.memory_space<vmem>>, vector<16xf32>,
    %swap3A_17 = vector.shape_cast %swap3A_16 : vector<16xf32> to vector<16xf32>
    %swap3A_18 = vector.shape_cast %broadcast_in_dim3A_14 : vector<16xf32> to vector<16xf32>
    tpu.vector_store %arg6[%swap3A_15], %swap3A_18 {strides = array<i32>} : memref<128xf32, #tpu.memory_space<vmem>>, vector<16xf32>,
    %broadcast_in_dim3A_19 = arith.constant 1.000000e+00 : f32
    %broadcast_in_dim3A_20 = vector.broadcast %broadcast_in_dim3A_19 : f32 to vector<16xf32>
    %swap3A_21 = arith.constant 48 : index
    %swap3A_22 = tpu.vector_load %arg6[%swap3A_21] {strides = array<i32>} : memref<128xf32, #tpu.memory_space<vmem>>, vector<16xf32>,
    %swap3A_23 = vector.shape_cast %swap3A_22 : vector<16xf32> to vector<16xf32>
    %swap3A_24 = vector.shape_cast %broadcast_in_dim3A_20 : vector<16xf32> to vector<16xf32>
    tpu.vector_store %arg6[%swap3A_21], %swap3A_24 {strides = array<i32>} : memref<128xf32, #tpu.memory_space<vmem>>, vector<16xf32>,
    %broadcast_in_dim3A_25 = arith.constant 1.000000e+00 : f32
    %broadcast_in_dim3A_26 = vector.broadcast %broadcast_in_dim3A_25 : f32 to vector<16xf32>
    %swap3A_27 = arith.constant 64 : index
    %swap3A_28 = tpu.vector_load %arg6[%swap3A_27] {strides = array<i32>} : memref<128xf32, #tpu.memory_space<vmem>>, vector<16xf32>,
    %swap3A_29 = vector.shape_cast %swap3A_28 : vector<16xf32> to vector<16xf32>
    %swap3A_30 = vector.shape_cast %broadcast_in_dim3A_26 : vector<16xf32> to vector<16xf32>
    tpu.vector_store %arg6[%swap3A_27], %swap3A_30 {strides = array<i32>} : memref<128xf32, #tpu.memory_space<vmem>>, vector<16xf32>,
    %broadcast_in_dim3A_31 = arith.constant 1.000000e+00 : f32
    %broadcast_in_dim3A_32 = vector.broadcast %broadcast_in_dim3A_31 : f32 to vector<16xf32>
    %swap3A_33 = arith.constant 80 : index
    %swap3A_34 = tpu.vector_load %arg6[%swap3A_33] {strides = array<i32>} : memref<128xf32, #tpu.memory_space<vmem>>, vector<16xf32>,
    %swap3A_35 = vector.shape_cast %swap3A_34 : vector<16xf32> to vector<16xf32>
    %swap3A_36 = vector.shape_cast %broadcast_in_dim3A_32 : vector<16xf32> to vector<16xf32>
    tpu.vector_store %arg6[%swap3A_33], %swap3A_36 {strides = array<i32>} : memref<128xf32, #tpu.memory_space<vmem>>, vector<16xf32>,
    %broadcast_in_dim3A_37 = arith.constant 1.000000e+00 : f32
    %broadcast_in_dim3A_38 = vector.broadcast %broadcast_in_dim3A_37 : f32 to vector<16xf32>
    %swap3A_39 = arith.constant 96 : index
    %swap3A_40 = tpu.vector_load %arg6[%swap3A_39] {strides = array<i32>} : memref<128xf32, #tpu.memory_space<vmem>>, vector<16xf32>,
    %swap3A_41 = vector.shape_cast %swap3A_40 : vector<16xf32> to vector<16xf32>
    %swap3A_42 = vector.shape_cast %broadcast_in_dim3A_38 : vector<16xf32> to vector<16xf32>
    tpu.vector_store %arg6[%swap3A_39], %swap3A_42 {strides = array<i32>} : memref<128xf32, #tpu.memory_space<vmem>>, vector<16xf32>,
    %broadcast_in_dim3A_43 = arith.constant 1.000000e+00 : f32
    %broadcast_in_dim3A_44 = vector.broadcast %broadcast_in_dim3A_43 : f32 to vector<16xf32>
    %swap3A_45 = arith.constant 112 : index
    %swap3A_46 = tpu.vector_load %arg6[%swap3A_45] {strides = array<i32>} : memref<128xf32, #tpu.memory_space<vmem>>, vector<16xf32>,
    %swap3A_47 = vector.shape_cast %swap3A_46 : vector<16xf32> to vector<16xf32>
    %swap3A_48 = vector.shape_cast %broadcast_in_dim3A_44 : vector<16xf32> to vector<16xf32>
    tpu.vector_store %arg6[%swap3A_45], %swap3A_48 {strides = array<i32>} : memref<128xf32, #tpu.memory_space<vmem>>, vector<16xf32>,
    %barrier3A = arith.constant 0 : index
    tpu.barrier barrier_id(%barrier3A)
    %scan3A = arith.constant 0 : i32
    %scan3A_49 = arith.constant 80 : i32
    %scan3A_50 = arith.addi %scan3A, %scan3A_49 : i32
    %scan3A_51 = arith.constant 1 : i32
    scf.for %scan3A_58 = %scan3A to %scan3A_50 step %scan3A_51  : i32 {
      "tpu.region"() ({
        %run_scoped3A = tpu.sem_alloc : memref<!tpu.dma_semaphore, #tpu.memory_space<semaphore_mem>>
        %dma_start3A = arith.constant 0 : i32
        %dma_start3A_59 = tpu.memref_slice %arg5[%scan3A_58, %dma_start3A] : memref<80x128xi32, #tpu.memory_space<vmem>> -> memref<1x128xi32, #tpu.memory_space<vmem>>
        %dma_start3A_60 = tpu.memref_squeeze %dma_start3A_59 : memref<1x128xi32, #tpu.memory_space<vmem>> -> memref<128xi32, #tpu.memory_space<vmem>>
        %dma_start3A_61 = arith.constant 0 : i32
        %dma_start3A_62 = tpu.memref_slice %arg7[%dma_start3A_61] : memref<10240xf32, #tpu.memory_space<vmem_shared>> -> memref<10240xf32, #tpu.memory_space<vmem_shared>>
        tpu.enqueue_indirect_dma source(%arg6 : memref<128xf32, #tpu.memory_space<vmem>>) target(%dma_start3A_62 : memref<10240xf32, #tpu.memory_space<vmem_shared>>) offsets(%dma_start3A_60 : memref<128xi32, #tpu.memory_space<vmem>>) semaphore(%run_scoped3A : memref<!tpu.dma_semaphore, #tpu.memory_space<semaphore_mem>>) {add = true}
        %dma_wait3A = arith.constant 0 : i32
        %dma_wait3A_63 = tpu.memref_slice %arg5[%scan3A_58, %dma_wait3A] : memref<80x128xi32, #tpu.memory_space<vmem>> -> memref<1x128xi32, #tpu.memory_space<vmem>>
        %dma_wait3A_64 = tpu.memref_squeeze %dma_wait3A_63 : memref<1x128xi32, #tpu.memory_space<vmem>> -> memref<128xi32, #tpu.memory_space<vmem>>
        %dma_wait3A_65 = arith.constant 0 : i32
        %dma_wait3A_66 = tpu.memref_slice %arg7[%dma_wait3A_65] : memref<10240xf32, #tpu.memory_space<vmem_shared>> -> memref<10240xf32, #tpu.memory_space<vmem_shared>>
        tpu.wait_indirect_dma semaphore(%run_scoped3A : memref<!tpu.dma_semaphore, #tpu.memory_space<semaphore_mem>>) src(%arg6 : memref<128xf32, #tpu.memory_space<vmem>>) dst(%dma_wait3A_66 : memref<10240xf32, #tpu.memory_space<vmem_shared>>)
        tpu.yield
      }) : () -> ()
    }
    %scan3A_52 = arith.constant 80 : i32
    %barrier3A_53 = arith.constant 0 : index
    tpu.barrier barrier_id(%barrier3A_53)
    %mul3A_54 = arith.constant 640 : i32
    %mul3A_55 = arith.muli %arg1, %mul3A_54 : i32
    %mul3A_56 = arith.constant 640 : i32
    %mul3A_57 = arith.muli %arg1, %mul3A_56 : i32
    "tpu.region"() ({
      %run_scoped3A = tpu.sem_alloc : memref<!tpu.dma_semaphore, #tpu.memory_space<semaphore_mem>>
      %dma_start3A = arith.constant 0 : i32
      %dma_start3A_58 = tpu.memref_slice %arg4[%arg0, %dma_start3A] : memref<2x10240xf32, #tpu.memory_space<hbm>> -> memref<1x10240xf32, #tpu.memory_space<hbm>>
      %dma_start3A_59 = tpu.memref_squeeze %dma_start3A_58 : memref<1x10240xf32, #tpu.memory_space<hbm>> -> memref<10240xf32, #tpu.memory_space<hbm>>
      %dma_start3A_60 = tpu.memref_slice %dma_start3A_59[%mul3A_57] : memref<10240xf32, #tpu.memory_space<hbm>> -> memref<640xf32, #tpu.memory_space<hbm>>
      %dma_start3A_61 = tpu.memref_slice %arg7[%mul3A_55] : memref<10240xf32, #tpu.memory_space<vmem_shared>> -> memref<640xf32, #tpu.memory_space<vmem_shared>>
      tpu.enqueue_dma source(%dma_start3A_61 : memref<640xf32, #tpu.memory_space<vmem_shared>>) target(%dma_start3A_60 : memref<640xf32, #tpu.memory_space<hbm>>) target_semaphore(%run_scoped3A : memref<!tpu.dma_semaphore, #tpu.memory_space<semaphore_mem>>)
      %dma_wait3A = arith.constant 0 : i32
      %dma_wait3A_62 = tpu.memref_slice %arg4[%arg0, %dma_wait3A] : memref<2x10240xf32, #tpu.memory_space<hbm>> -> memref<1x10240xf32, #tpu.memory_space<hbm>>
      %dma_wait3A_63 = tpu.memref_squeeze %dma_wait3A_62 : memref<1x10240xf32, #tpu.memory_space<hbm>> -> memref<10240xf32, #tpu.memory_space<hbm>>
      %dma_wait3A_64 = tpu.memref_slice %dma_wait3A_63[%mul3A_57] : memref<10240xf32, #tpu.memory_space<hbm>> -> memref<640xf32, #tpu.memory_space<hbm>>
      %dma_wait3A_65 = tpu.memref_slice %arg7[%mul3A_55] : memref<10240xf32, #tpu.memory_space<vmem_shared>> -> memref<640xf32, #tpu.memory_space<vmem_shared>>
      tpu.wait_dma2 semaphore(%run_scoped3A : memref<!tpu.dma_semaphore, #tpu.memory_space<semaphore_mem>>) src(%dma_wait3A_65 : memref<640xf32, #tpu.memory_space<vmem_shared>>) dst(%dma_wait3A_64 : memref<640xf32, #tpu.memory_space<hbm>>)
      tpu.yield
    }) : () -> ()
    return
  }
}

#map = affine_map<(d0, d1) -> (0, 0)>
#map1 = affine_map<(d0, d1) -> (0, 0, 0, 0)>
#map2 = affine_map<(d0, d1) -> (0)>
#map3 = affine_map<(d0, d1) -> (0, 0, 0)>
module attributes {stable_mosaic.version = 14 : i64} {
  func.func @_seg_body(%arg0: i32, %arg1: i32, %arg2: memref<4x10240xf32, #tpu.memory_space<hbm>>, %arg3: memref<2x16x320x128xi32, #tpu.memory_space<hbm>>, %arg4: memref<2x16x320x128xi32, #tpu.memory_space<hbm>>, %arg5: memref<40960xf32, #tpu.memory_space<hbm>>, %arg6: memref<2x4x10240xf32, #tpu.memory_space<hbm>>, %arg7: memref<320x128xi32, #tpu.memory_space<vmem>>, %arg8: memref<320x128xi32, #tpu.memory_space<vmem>>, %arg9: memref<8x128xf32, #tpu.memory_space<vmem>>, %arg10: memref<40960xf32, #tpu.memory_space<vmem_shared>>, %arg11: memref<40960xf32, #tpu.memory_space<vmem_shared>>, %arg12: memref<!tpu.dma_semaphore, #tpu.memory_space<semaphore_mem>>, %arg13: memref<!tpu.dma_semaphore, #tpu.memory_space<semaphore_mem>>) attributes {dimension_semantics = [#tpu.dimension_semantics<core_parallel>, #tpu.dimension_semantics<subcore_parallel>], iteration_bounds = array<i64: 2, 16>, scalar_prefetch = 0 : i64, scratch_operands = 7 : i64, tpu.core_type = #tpu.core_type<sc_vector_subcore>, window_params = [{transform_indices = #map}, {transform_indices = #map1}, {transform_indices = #map1}, {transform_indices = #map2}, {transform_indices = #map3}]} {
    %mul3A = arith.constant 2560 : i32
    %mul3A_0 = arith.muli %arg1, %mul3A : i32
    %mul3A_1 = arith.constant 2560 : i32
    %mul3A_2 = arith.muli %arg1, %mul3A_1 : i32
    "tpu.region"() ({
      %run_scoped3A_147 = tpu.sem_alloc : memref<!tpu.dma_semaphore, #tpu.memory_space<semaphore_mem>>
      %dma_start3A_148 = tpu.memref_slice %arg11[%mul3A_2] : memref<40960xf32, #tpu.memory_space<vmem_shared>> -> memref<2560xf32, #tpu.memory_space<vmem_shared>>
      %dma_start3A_149 = tpu.memref_slice %arg5[%mul3A_0] : memref<40960xf32, #tpu.memory_space<hbm>> -> memref<2560xf32, #tpu.memory_space<hbm>>
      tpu.enqueue_dma source(%dma_start3A_149 : memref<2560xf32, #tpu.memory_space<hbm>>) target(%dma_start3A_148 : memref<2560xf32, #tpu.memory_space<vmem_shared>>) target_semaphore(%run_scoped3A_147 : memref<!tpu.dma_semaphore, #tpu.memory_space<semaphore_mem>>)
      %dma_wait3A_150 = tpu.memref_slice %arg11[%mul3A_2] : memref<40960xf32, #tpu.memory_space<vmem_shared>> -> memref<2560xf32, #tpu.memory_space<vmem_shared>>
      %dma_wait3A_151 = tpu.memref_slice %arg5[%mul3A_0] : memref<40960xf32, #tpu.memory_space<hbm>> -> memref<2560xf32, #tpu.memory_space<hbm>>
      tpu.wait_dma2 semaphore(%run_scoped3A_147 : memref<!tpu.dma_semaphore, #tpu.memory_space<semaphore_mem>>) src(%dma_wait3A_151 : memref<2560xf32, #tpu.memory_space<hbm>>) dst(%dma_wait3A_150 : memref<2560xf32, #tpu.memory_space<vmem_shared>>)
      tpu.yield
    }) : () -> ()
    %mul3A_3 = arith.constant 640 : i32
    %mul3A_4 = arith.muli %arg1, %mul3A_3 : i32
    %mul3A_5 = arith.constant 640 : i32
    %mul3A_6 = arith.muli %arg1, %mul3A_5 : i32
    %add3A = arith.constant 0 : i32
    %add3A_7 = arith.addi %add3A, %mul3A_6 : i32
    %run_scoped3A = arith.constant 0 : i32
    "tpu.region"() ({
      %run_scoped3A_147 = tpu.sem_alloc : memref<!tpu.dma_semaphore, #tpu.memory_space<semaphore_mem>>
      %dma_start3A_148 = tpu.memref_slice %arg10[%add3A_7] : memref<40960xf32, #tpu.memory_space<vmem_shared>> -> memref<640xf32, #tpu.memory_space<vmem_shared>>
      %dma_start3A_149 = arith.constant 0 : i32
      %dma_start3A_150 = tpu.memref_slice %arg2[%run_scoped3A, %dma_start3A_149] : memref<4x10240xf32, #tpu.memory_space<hbm>> -> memref<1x10240xf32, #tpu.memory_space<hbm>>
      %dma_start3A_151 = tpu.memref_squeeze %dma_start3A_150 : memref<1x10240xf32, #tpu.memory_space<hbm>> -> memref<10240xf32, #tpu.memory_space<hbm>>
      %dma_start3A_152 = tpu.memref_slice %dma_start3A_151[%mul3A_4] : memref<10240xf32, #tpu.memory_space<hbm>> -> memref<640xf32, #tpu.memory_space<hbm>>
      tpu.enqueue_dma source(%dma_start3A_152 : memref<640xf32, #tpu.memory_space<hbm>>) target(%dma_start3A_148 : memref<640xf32, #tpu.memory_space<vmem_shared>>) target_semaphore(%run_scoped3A_147 : memref<!tpu.dma_semaphore, #tpu.memory_space<semaphore_mem>>)
      %dma_wait3A_153 = tpu.memref_slice %arg10[%add3A_7] : memref<40960xf32, #tpu.memory_space<vmem_shared>> -> memref<640xf32, #tpu.memory_space<vmem_shared>>
      %dma_wait3A_154 = arith.constant 0 : i32
      %dma_wait3A_155 = tpu.memref_slice %arg2[%run_scoped3A, %dma_wait3A_154] : memref<4x10240xf32, #tpu.memory_space<hbm>> -> memref<1x10240xf32, #tpu.memory_space<hbm>>
      %dma_wait3A_156 = tpu.memref_squeeze %dma_wait3A_155 : memref<1x10240xf32, #tpu.memory_space<hbm>> -> memref<10240xf32, #tpu.memory_space<hbm>>
      %dma_wait3A_157 = tpu.memref_slice %dma_wait3A_156[%mul3A_4] : memref<10240xf32, #tpu.memory_space<hbm>> -> memref<640xf32, #tpu.memory_space<hbm>>
      tpu.wait_dma2 semaphore(%run_scoped3A_147 : memref<!tpu.dma_semaphore, #tpu.memory_space<semaphore_mem>>) src(%dma_wait3A_157 : memref<640xf32, #tpu.memory_space<hbm>>) dst(%dma_wait3A_153 : memref<640xf32, #tpu.memory_space<vmem_shared>>)
      tpu.yield
    }) : () -> ()
    %mul3A_8 = arith.constant 640 : i32
    %mul3A_9 = arith.muli %arg1, %mul3A_8 : i32
    %mul3A_10 = arith.constant 640 : i32
    %mul3A_11 = arith.muli %arg1, %mul3A_10 : i32
    %add3A_12 = arith.constant 10240 : i32
    %add3A_13 = arith.addi %add3A_12, %mul3A_11 : i32
    %run_scoped3A_14 = arith.constant 1 : i32
    "tpu.region"() ({
      %run_scoped3A_147 = tpu.sem_alloc : memref<!tpu.dma_semaphore, #tpu.memory_space<semaphore_mem>>
      %dma_start3A_148 = tpu.memref_slice %arg10[%add3A_13] : memref<40960xf32, #tpu.memory_space<vmem_shared>> -> memref<640xf32, #tpu.memory_space<vmem_shared>>
      %dma_start3A_149 = arith.constant 0 : i32
      %dma_start3A_150 = tpu.memref_slice %arg2[%run_scoped3A_14, %dma_start3A_149] : memref<4x10240xf32, #tpu.memory_space<hbm>> -> memref<1x10240xf32, #tpu.memory_space<hbm>>
      %dma_start3A_151 = tpu.memref_squeeze %dma_start3A_150 : memref<1x10240xf32, #tpu.memory_space<hbm>> -> memref<10240xf32, #tpu.memory_space<hbm>>
      %dma_start3A_152 = tpu.memref_slice %dma_start3A_151[%mul3A_9] : memref<10240xf32, #tpu.memory_space<hbm>> -> memref<640xf32, #tpu.memory_space<hbm>>
      tpu.enqueue_dma source(%dma_start3A_152 : memref<640xf32, #tpu.memory_space<hbm>>) target(%dma_start3A_148 : memref<640xf32, #tpu.memory_space<vmem_shared>>) target_semaphore(%run_scoped3A_147 : memref<!tpu.dma_semaphore, #tpu.memory_space<semaphore_mem>>)
      %dma_wait3A_153 = tpu.memref_slice %arg10[%add3A_13] : memref<40960xf32, #tpu.memory_space<vmem_shared>> -> memref<640xf32, #tpu.memory_space<vmem_shared>>
      %dma_wait3A_154 = arith.constant 0 : i32
      %dma_wait3A_155 = tpu.memref_slice %arg2[%run_scoped3A_14, %dma_wait3A_154] : memref<4x10240xf32, #tpu.memory_space<hbm>> -> memref<1x10240xf32, #tpu.memory_space<hbm>>
      %dma_wait3A_156 = tpu.memref_squeeze %dma_wait3A_155 : memref<1x10240xf32, #tpu.memory_space<hbm>> -> memref<10240xf32, #tpu.memory_space<hbm>>
      %dma_wait3A_157 = tpu.memref_slice %dma_wait3A_156[%mul3A_9] : memref<10240xf32, #tpu.memory_space<hbm>> -> memref<640xf32, #tpu.memory_space<hbm>>
      tpu.wait_dma2 semaphore(%run_scoped3A_147 : memref<!tpu.dma_semaphore, #tpu.memory_space<semaphore_mem>>) src(%dma_wait3A_157 : memref<640xf32, #tpu.memory_space<hbm>>) dst(%dma_wait3A_153 : memref<640xf32, #tpu.memory_space<vmem_shared>>)
      tpu.yield
    }) : () -> ()
    %mul3A_15 = arith.constant 640 : i32
    %mul3A_16 = arith.muli %arg1, %mul3A_15 : i32
    %mul3A_17 = arith.constant 640 : i32
    %mul3A_18 = arith.muli %arg1, %mul3A_17 : i32
    %add3A_19 = arith.constant 20480 : i32
    %add3A_20 = arith.addi %add3A_19, %mul3A_18 : i32
    %run_scoped3A_21 = arith.constant 2 : i32
    "tpu.region"() ({
      %run_scoped3A_147 = tpu.sem_alloc : memref<!tpu.dma_semaphore, #tpu.memory_space<semaphore_mem>>
      %dma_start3A_148 = tpu.memref_slice %arg10[%add3A_20] : memref<40960xf32, #tpu.memory_space<vmem_shared>> -> memref<640xf32, #tpu.memory_space<vmem_shared>>
      %dma_start3A_149 = arith.constant 0 : i32
      %dma_start3A_150 = tpu.memref_slice %arg2[%run_scoped3A_21, %dma_start3A_149] : memref<4x10240xf32, #tpu.memory_space<hbm>> -> memref<1x10240xf32, #tpu.memory_space<hbm>>
      %dma_start3A_151 = tpu.memref_squeeze %dma_start3A_150 : memref<1x10240xf32, #tpu.memory_space<hbm>> -> memref<10240xf32, #tpu.memory_space<hbm>>
      %dma_start3A_152 = tpu.memref_slice %dma_start3A_151[%mul3A_16] : memref<10240xf32, #tpu.memory_space<hbm>> -> memref<640xf32, #tpu.memory_space<hbm>>
      tpu.enqueue_dma source(%dma_start3A_152 : memref<640xf32, #tpu.memory_space<hbm>>) target(%dma_start3A_148 : memref<640xf32, #tpu.memory_space<vmem_shared>>) target_semaphore(%run_scoped3A_147 : memref<!tpu.dma_semaphore, #tpu.memory_space<semaphore_mem>>)
      %dma_wait3A_153 = tpu.memref_slice %arg10[%add3A_20] : memref<40960xf32, #tpu.memory_space<vmem_shared>> -> memref<640xf32, #tpu.memory_space<vmem_shared>>
      %dma_wait3A_154 = arith.constant 0 : i32
      %dma_wait3A_155 = tpu.memref_slice %arg2[%run_scoped3A_21, %dma_wait3A_154] : memref<4x10240xf32, #tpu.memory_space<hbm>> -> memref<1x10240xf32, #tpu.memory_space<hbm>>
      %dma_wait3A_156 = tpu.memref_squeeze %dma_wait3A_155 : memref<1x10240xf32, #tpu.memory_space<hbm>> -> memref<10240xf32, #tpu.memory_space<hbm>>
      %dma_wait3A_157 = tpu.memref_slice %dma_wait3A_156[%mul3A_16] : memref<10240xf32, #tpu.memory_space<hbm>> -> memref<640xf32, #tpu.memory_space<hbm>>
      tpu.wait_dma2 semaphore(%run_scoped3A_147 : memref<!tpu.dma_semaphore, #tpu.memory_space<semaphore_mem>>) src(%dma_wait3A_157 : memref<640xf32, #tpu.memory_space<hbm>>) dst(%dma_wait3A_153 : memref<640xf32, #tpu.memory_space<vmem_shared>>)
      tpu.yield
    }) : () -> ()
    %mul3A_22 = arith.constant 640 : i32
    %mul3A_23 = arith.muli %arg1, %mul3A_22 : i32
    %mul3A_24 = arith.constant 640 : i32
    %mul3A_25 = arith.muli %arg1, %mul3A_24 : i32
    %add3A_26 = arith.constant 30720 : i32
    %add3A_27 = arith.addi %add3A_26, %mul3A_25 : i32
    %run_scoped3A_28 = arith.constant 3 : i32
    "tpu.region"() ({
      %run_scoped3A_147 = tpu.sem_alloc : memref<!tpu.dma_semaphore, #tpu.memory_space<semaphore_mem>>
      %dma_start3A_148 = tpu.memref_slice %arg10[%add3A_27] : memref<40960xf32, #tpu.memory_space<vmem_shared>> -> memref<640xf32, #tpu.memory_space<vmem_shared>>
      %dma_start3A_149 = arith.constant 0 : i32
      %dma_start3A_150 = tpu.memref_slice %arg2[%run_scoped3A_28, %dma_start3A_149] : memref<4x10240xf32, #tpu.memory_space<hbm>> -> memref<1x10240xf32, #tpu.memory_space<hbm>>
      %dma_start3A_151 = tpu.memref_squeeze %dma_start3A_150 : memref<1x10240xf32, #tpu.memory_space<hbm>> -> memref<10240xf32, #tpu.memory_space<hbm>>
      %dma_start3A_152 = tpu.memref_slice %dma_start3A_151[%mul3A_23] : memref<10240xf32, #tpu.memory_space<hbm>> -> memref<640xf32, #tpu.memory_space<hbm>>
      tpu.enqueue_dma source(%dma_start3A_152 : memref<640xf32, #tpu.memory_space<hbm>>) target(%dma_start3A_148 : memref<640xf32, #tpu.memory_space<vmem_shared>>) target_semaphore(%run_scoped3A_147 : memref<!tpu.dma_semaphore, #tpu.memory_space<semaphore_mem>>)
      %dma_wait3A_153 = tpu.memref_slice %arg10[%add3A_27] : memref<40960xf32, #tpu.memory_space<vmem_shared>> -> memref<640xf32, #tpu.memory_space<vmem_shared>>
      %dma_wait3A_154 = arith.constant 0 : i32
      %dma_wait3A_155 = tpu.memref_slice %arg2[%run_scoped3A_28, %dma_wait3A_154] : memref<4x10240xf32, #tpu.memory_space<hbm>> -> memref<1x10240xf32, #tpu.memory_space<hbm>>
      %dma_wait3A_156 = tpu.memref_squeeze %dma_wait3A_155 : memref<1x10240xf32, #tpu.memory_space<hbm>> -> memref<10240xf32, #tpu.memory_space<hbm>>
      %dma_wait3A_157 = tpu.memref_slice %dma_wait3A_156[%mul3A_23] : memref<10240xf32, #tpu.memory_space<hbm>> -> memref<640xf32, #tpu.memory_space<hbm>>
      tpu.wait_dma2 semaphore(%run_scoped3A_147 : memref<!tpu.dma_semaphore, #tpu.memory_space<semaphore_mem>>) src(%dma_wait3A_157 : memref<640xf32, #tpu.memory_space<hbm>>) dst(%dma_wait3A_153 : memref<640xf32, #tpu.memory_space<vmem_shared>>)
      tpu.yield
    }) : () -> ()
    "tpu.region"() ({
      %run_scoped3A_147 = tpu.sem_alloc : memref<!tpu.dma_semaphore, #tpu.memory_space<semaphore_mem>>
      %dma_start3A_148 = arith.constant 0 : i32
      %dma_start3A_149 = arith.constant 0 : i32
      %dma_start3A_150 = arith.constant 0 : i32
      %dma_start3A_151 = tpu.memref_slice %arg3[%arg0, %dma_start3A_148, %dma_start3A_149, %dma_start3A_150] : memref<2x16x320x128xi32, #tpu.memory_space<hbm>> -> memref<1x16x320x128xi32, #tpu.memory_space<hbm>>
      %dma_start3A_152 = tpu.memref_squeeze %dma_start3A_151 : memref<1x16x320x128xi32, #tpu.memory_space<hbm>> -> memref<16x320x128xi32, #tpu.memory_space<hbm>>
      %dma_start3A_153 = arith.constant 0 : i32
      %dma_start3A_154 = arith.constant 0 : i32
      %dma_start3A_155 = tpu.memref_slice %dma_start3A_152[%arg1, %dma_start3A_153, %dma_start3A_154] : memref<16x320x128xi32, #tpu.memory_space<hbm>> -> memref<1x320x128xi32, #tpu.memory_space<hbm>>
      %dma_start3A_156 = tpu.memref_squeeze %dma_start3A_155 : memref<1x320x128xi32, #tpu.memory_space<hbm>> -> memref<320x128xi32, #tpu.memory_space<hbm>>
      %dma_start3A_157 = arith.constant 0 : i32
      %dma_start3A_158 = arith.constant 0 : i32
      %dma_start3A_159 = arith.constant 0 : i32
      %dma_start3A_160 = tpu.memref_slice %arg3[%arg0, %dma_start3A_157, %dma_start3A_158, %dma_start3A_159] : memref<2x16x320x128xi32, #tpu.memory_space<hbm>> -> memref<1x16x320x128xi32, #tpu.memory_space<hbm>>
      %dma_start3A_161 = tpu.memref_squeeze %dma_start3A_160 : memref<1x16x320x128xi32, #tpu.memory_space<hbm>> -> memref<16x320x128xi32, #tpu.memory_space<hbm>>
      %dma_start3A_162 = arith.constant 0 : i32
      %dma_start3A_163 = arith.constant 0 : i32
      %dma_start3A_164 = tpu.memref_slice %dma_start3A_161[%arg1, %dma_start3A_162, %dma_start3A_163] : memref<16x320x128xi32, #tpu.memory_space<hbm>> -> memref<1x320x128xi32, #tpu.memory_space<hbm>>
      %dma_start3A_165 = tpu.memref_squeeze %dma_start3A_164 : memref<1x320x128xi32, #tpu.memory_space<hbm>> -> memref<320x128xi32, #tpu.memory_space<hbm>>
      tpu.enqueue_dma source(%dma_start3A_165 : memref<320x128xi32, #tpu.memory_space<hbm>>) target(%arg7 : memref<320x128xi32, #tpu.memory_space<vmem>>) target_semaphore(%run_scoped3A_147 : memref<!tpu.dma_semaphore, #tpu.memory_space<semaphore_mem>>)
      %dma_wait3A_166 = arith.constant 0 : i32
      %dma_wait3A_167 = arith.constant 0 : i32
      %dma_wait3A_168 = arith.constant 0 : i32
      %dma_wait3A_169 = tpu.memref_slice %arg3[%arg0, %dma_wait3A_166, %dma_wait3A_167, %dma_wait3A_168] : memref<2x16x320x128xi32, #tpu.memory_space<hbm>> -> memref<1x16x320x128xi32, #tpu.memory_space<hbm>>
      %dma_wait3A_170 = tpu.memref_squeeze %dma_wait3A_169 : memref<1x16x320x128xi32, #tpu.memory_space<hbm>> -> memref<16x320x128xi32, #tpu.memory_space<hbm>>
      %dma_wait3A_171 = arith.constant 0 : i32
      %dma_wait3A_172 = arith.constant 0 : i32
      %dma_wait3A_173 = tpu.memref_slice %dma_wait3A_170[%arg1, %dma_wait3A_171, %dma_wait3A_172] : memref<16x320x128xi32, #tpu.memory_space<hbm>> -> memref<1x320x128xi32, #tpu.memory_space<hbm>>
      %dma_wait3A_174 = tpu.memref_squeeze %dma_wait3A_173 : memref<1x320x128xi32, #tpu.memory_space<hbm>> -> memref<320x128xi32, #tpu.memory_space<hbm>>
      %dma_wait3A_175 = arith.constant 0 : i32
      %dma_wait3A_176 = arith.constant 0 : i32
      %dma_wait3A_177 = arith.constant 0 : i32
      %dma_wait3A_178 = tpu.memref_slice %arg3[%arg0, %dma_wait3A_175, %dma_wait3A_176, %dma_wait3A_177] : memref<2x16x320x128xi32, #tpu.memory_space<hbm>> -> memref<1x16x320x128xi32, #tpu.memory_space<hbm>>
      %dma_wait3A_179 = tpu.memref_squeeze %dma_wait3A_178 : memref<1x16x320x128xi32, #tpu.memory_space<hbm>> -> memref<16x320x128xi32, #tpu.memory_space<hbm>>
      %dma_wait3A_180 = arith.constant 0 : i32
      %dma_wait3A_181 = arith.constant 0 : i32
      %dma_wait3A_182 = tpu.memref_slice %dma_wait3A_179[%arg1, %dma_wait3A_180, %dma_wait3A_181] : memref<16x320x128xi32, #tpu.memory_space<hbm>> -> memref<1x320x128xi32, #tpu.memory_space<hbm>>
      %dma_wait3A_183 = tpu.memref_squeeze %dma_wait3A_182 : memref<1x320x128xi32, #tpu.memory_space<hbm>> -> memref<320x128xi32, #tpu.memory_space<hbm>>
      tpu.wait_dma2 semaphore(%run_scoped3A_147 : memref<!tpu.dma_semaphore, #tpu.memory_space<semaphore_mem>>) src(%dma_wait3A_183 : memref<320x128xi32, #tpu.memory_space<hbm>>) dst(%arg7 : memref<320x128xi32, #tpu.memory_space<vmem>>)
      tpu.yield
    }) : () -> ()
    "tpu.region"() ({
      %run_scoped3A_147 = tpu.sem_alloc : memref<!tpu.dma_semaphore, #tpu.memory_space<semaphore_mem>>
      %dma_start3A_148 = arith.constant 0 : i32
      %dma_start3A_149 = arith.constant 0 : i32
      %dma_start3A_150 = arith.constant 0 : i32
      %dma_start3A_151 = tpu.memref_slice %arg4[%arg0, %dma_start3A_148, %dma_start3A_149, %dma_start3A_150] : memref<2x16x320x128xi32, #tpu.memory_space<hbm>> -> memref<1x16x320x128xi32, #tpu.memory_space<hbm>>
      %dma_start3A_152 = tpu.memref_squeeze %dma_start3A_151 : memref<1x16x320x128xi32, #tpu.memory_space<hbm>> -> memref<16x320x128xi32, #tpu.memory_space<hbm>>
      %dma_start3A_153 = arith.constant 0 : i32
      %dma_start3A_154 = arith.constant 0 : i32
      %dma_start3A_155 = tpu.memref_slice %dma_start3A_152[%arg1, %dma_start3A_153, %dma_start3A_154] : memref<16x320x128xi32, #tpu.memory_space<hbm>> -> memref<1x320x128xi32, #tpu.memory_space<hbm>>
      %dma_start3A_156 = tpu.memref_squeeze %dma_start3A_155 : memref<1x320x128xi32, #tpu.memory_space<hbm>> -> memref<320x128xi32, #tpu.memory_space<hbm>>
      %dma_start3A_157 = arith.constant 0 : i32
      %dma_start3A_158 = arith.constant 0 : i32
      %dma_start3A_159 = arith.constant 0 : i32
      %dma_start3A_160 = tpu.memref_slice %arg4[%arg0, %dma_start3A_157, %dma_start3A_158, %dma_start3A_159] : memref<2x16x320x128xi32, #tpu.memory_space<hbm>> -> memref<1x16x320x128xi32, #tpu.memory_space<hbm>>
      %dma_start3A_161 = tpu.memref_squeeze %dma_start3A_160 : memref<1x16x320x128xi32, #tpu.memory_space<hbm>> -> memref<16x320x128xi32, #tpu.memory_space<hbm>>
      %dma_start3A_162 = arith.constant 0 : i32
      %dma_start3A_163 = arith.constant 0 : i32
      %dma_start3A_164 = tpu.memref_slice %dma_start3A_161[%arg1, %dma_start3A_162, %dma_start3A_163] : memref<16x320x128xi32, #tpu.memory_space<hbm>> -> memref<1x320x128xi32, #tpu.memory_space<hbm>>
      %dma_start3A_165 = tpu.memref_squeeze %dma_start3A_164 : memref<1x320x128xi32, #tpu.memory_space<hbm>> -> memref<320x128xi32, #tpu.memory_space<hbm>>
      tpu.enqueue_dma source(%dma_start3A_165 : memref<320x128xi32, #tpu.memory_space<hbm>>) target(%arg8 : memref<320x128xi32, #tpu.memory_space<vmem>>) target_semaphore(%run_scoped3A_147 : memref<!tpu.dma_semaphore, #tpu.memory_space<semaphore_mem>>)
      %dma_wait3A_166 = arith.constant 0 : i32
      %dma_wait3A_167 = arith.constant 0 : i32
      %dma_wait3A_168 = arith.constant 0 : i32
      %dma_wait3A_169 = tpu.memref_slice %arg4[%arg0, %dma_wait3A_166, %dma_wait3A_167, %dma_wait3A_168] : memref<2x16x320x128xi32, #tpu.memory_space<hbm>> -> memref<1x16x320x128xi32, #tpu.memory_space<hbm>>
      %dma_wait3A_170 = tpu.memref_squeeze %dma_wait3A_169 : memref<1x16x320x128xi32, #tpu.memory_space<hbm>> -> memref<16x320x128xi32, #tpu.memory_space<hbm>>
      %dma_wait3A_171 = arith.constant 0 : i32
      %dma_wait3A_172 = arith.constant 0 : i32
      %dma_wait3A_173 = tpu.memref_slice %dma_wait3A_170[%arg1, %dma_wait3A_171, %dma_wait3A_172] : memref<16x320x128xi32, #tpu.memory_space<hbm>> -> memref<1x320x128xi32, #tpu.memory_space<hbm>>
      %dma_wait3A_174 = tpu.memref_squeeze %dma_wait3A_173 : memref<1x320x128xi32, #tpu.memory_space<hbm>> -> memref<320x128xi32, #tpu.memory_space<hbm>>
      %dma_wait3A_175 = arith.constant 0 : i32
      %dma_wait3A_176 = arith.constant 0 : i32
      %dma_wait3A_177 = arith.constant 0 : i32
      %dma_wait3A_178 = tpu.memref_slice %arg4[%arg0, %dma_wait3A_175, %dma_wait3A_176, %dma_wait3A_177] : memref<2x16x320x128xi32, #tpu.memory_space<hbm>> -> memref<1x16x320x128xi32, #tpu.memory_space<hbm>>
      %dma_wait3A_179 = tpu.memref_squeeze %dma_wait3A_178 : memref<1x16x320x128xi32, #tpu.memory_space<hbm>> -> memref<16x320x128xi32, #tpu.memory_space<hbm>>
      %dma_wait3A_180 = arith.constant 0 : i32
      %dma_wait3A_181 = arith.constant 0 : i32
      %dma_wait3A_182 = tpu.memref_slice %dma_wait3A_179[%arg1, %dma_wait3A_180, %dma_wait3A_181] : memref<16x320x128xi32, #tpu.memory_space<hbm>> -> memref<1x320x128xi32, #tpu.memory_space<hbm>>
      %dma_wait3A_183 = tpu.memref_squeeze %dma_wait3A_182 : memref<1x320x128xi32, #tpu.memory_space<hbm>> -> memref<320x128xi32, #tpu.memory_space<hbm>>
      tpu.wait_dma2 semaphore(%run_scoped3A_147 : memref<!tpu.dma_semaphore, #tpu.memory_space<semaphore_mem>>) src(%dma_wait3A_183 : memref<320x128xi32, #tpu.memory_space<hbm>>) dst(%arg8 : memref<320x128xi32, #tpu.memory_space<vmem>>)
      tpu.yield
    }) : () -> ()
    %barrier3A = arith.constant 0 : index
    tpu.barrier barrier_id(%barrier3A)
    %dma_start3A = arith.constant 0 : i32
    %dma_start3A_29 = arith.constant 0 : i32
    %dma_start3A_30 = arith.constant 0 : i32
    %dma_start3A_31 = tpu.memref_slice %arg9[%dma_start3A_29, %dma_start3A_30] : memref<8x128xf32, #tpu.memory_space<vmem>> -> memref<1x128xf32, #tpu.memory_space<vmem>>
    %dma_start3A_32 = tpu.memref_squeeze %dma_start3A_31 : memref<1x128xf32, #tpu.memory_space<vmem>> -> memref<128xf32, #tpu.memory_space<vmem>>
    %dma_start3A_33 = arith.constant 0 : i32
    %dma_start3A_34 = tpu.memref_slice %arg7[%dma_start3A, %dma_start3A_33] : memref<320x128xi32, #tpu.memory_space<vmem>> -> memref<1x128xi32, #tpu.memory_space<vmem>>
    %dma_start3A_35 = tpu.memref_squeeze %dma_start3A_34 : memref<1x128xi32, #tpu.memory_space<vmem>> -> memref<128xi32, #tpu.memory_space<vmem>>
    %dma_start3A_36 = arith.constant 0 : i32
    %dma_start3A_37 = tpu.memref_slice %arg10[%dma_start3A_36] : memref<40960xf32, #tpu.memory_space<vmem_shared>> -> memref<40960xf32, #tpu.memory_space<vmem_shared>>
    tpu.enqueue_indirect_dma source(%dma_start3A_37 : memref<40960xf32, #tpu.memory_space<vmem_shared>>) target(%dma_start3A_32 : memref<128xf32, #tpu.memory_space<vmem>>) offsets(%dma_start3A_35 : memref<128xi32, #tpu.memory_space<vmem>>) semaphore(%arg12 : memref<!tpu.dma_semaphore, #tpu.memory_space<semaphore_mem>>)
    %dma_start3A_38 = arith.constant 1 : i32
    %dma_start3A_39 = arith.constant 1 : i32
    %dma_start3A_40 = arith.constant 0 : i32
    %dma_start3A_41 = tpu.memref_slice %arg9[%dma_start3A_39, %dma_start3A_40] : memref<8x128xf32, #tpu.memory_space<vmem>> -> memref<1x128xf32, #tpu.memory_space<vmem>>
    %dma_start3A_42 = tpu.memref_squeeze %dma_start3A_41 : memref<1x128xf32, #tpu.memory_space<vmem>> -> memref<128xf32, #tpu.memory_space<vmem>>
    %dma_start3A_43 = arith.constant 0 : i32
    %dma_start3A_44 = tpu.memref_slice %arg7[%dma_start3A_38, %dma_start3A_43] : memref<320x128xi32, #tpu.memory_space<vmem>> -> memref<1x128xi32, #tpu.memory_space<vmem>>
    %dma_start3A_45 = tpu.memref_squeeze %dma_start3A_44 : memref<1x128xi32, #tpu.memory_space<vmem>> -> memref<128xi32, #tpu.memory_space<vmem>>
    %dma_start3A_46 = arith.constant 0 : i32
    %dma_start3A_47 = tpu.memref_slice %arg10[%dma_start3A_46] : memref<40960xf32, #tpu.memory_space<vmem_shared>> -> memref<40960xf32, #tpu.memory_space<vmem_shared>>
    tpu.enqueue_indirect_dma source(%dma_start3A_47 : memref<40960xf32, #tpu.memory_space<vmem_shared>>) target(%dma_start3A_42 : memref<128xf32, #tpu.memory_space<vmem>>) offsets(%dma_start3A_45 : memref<128xi32, #tpu.memory_space<vmem>>) semaphore(%arg12 : memref<!tpu.dma_semaphore, #tpu.memory_space<semaphore_mem>>)
    %dma_start3A_48 = arith.constant 2 : i32
    %dma_start3A_49 = arith.constant 2 : i32
    %dma_start3A_50 = arith.constant 0 : i32
    %dma_start3A_51 = tpu.memref_slice %arg9[%dma_start3A_49, %dma_start3A_50] : memref<8x128xf32, #tpu.memory_space<vmem>> -> memref<1x128xf32, #tpu.memory_space<vmem>>
    %dma_start3A_52 = tpu.memref_squeeze %dma_start3A_51 : memref<1x128xf32, #tpu.memory_space<vmem>> -> memref<128xf32, #tpu.memory_space<vmem>>
    %dma_start3A_53 = arith.constant 0 : i32
    %dma_start3A_54 = tpu.memref_slice %arg7[%dma_start3A_48, %dma_start3A_53] : memref<320x128xi32, #tpu.memory_space<vmem>> -> memref<1x128xi32, #tpu.memory_space<vmem>>
    %dma_start3A_55 = tpu.memref_squeeze %dma_start3A_54 : memref<1x128xi32, #tpu.memory_space<vmem>> -> memref<128xi32, #tpu.memory_space<vmem>>
    %dma_start3A_56 = arith.constant 0 : i32
    %dma_start3A_57 = tpu.memref_slice %arg10[%dma_start3A_56] : memref<40960xf32, #tpu.memory_space<vmem_shared>> -> memref<40960xf32, #tpu.memory_space<vmem_shared>>
    tpu.enqueue_indirect_dma source(%dma_start3A_57 : memref<40960xf32, #tpu.memory_space<vmem_shared>>) target(%dma_start3A_52 : memref<128xf32, #tpu.memory_space<vmem>>) offsets(%dma_start3A_55 : memref<128xi32, #tpu.memory_space<vmem>>) semaphore(%arg12 : memref<!tpu.dma_semaphore, #tpu.memory_space<semaphore_mem>>)
    %dma_start3A_58 = arith.constant 3 : i32
    %dma_start3A_59 = arith.constant 3 : i32
    %dma_start3A_60 = arith.constant 0 : i32
    %dma_start3A_61 = tpu.memref_slice %arg9[%dma_start3A_59, %dma_start3A_60] : memref<8x128xf32, #tpu.memory_space<vmem>> -> memref<1x128xf32, #tpu.memory_space<vmem>>
    %dma_start3A_62 = tpu.memref_squeeze %dma_start3A_61 : memref<1x128xf32, #tpu.memory_space<vmem>> -> memref<128xf32, #tpu.memory_space<vmem>>
    %dma_start3A_63 = arith.constant 0 : i32
    %dma_start3A_64 = tpu.memref_slice %arg7[%dma_start3A_58, %dma_start3A_63] : memref<320x128xi32, #tpu.memory_space<vmem>> -> memref<1x128xi32, #tpu.memory_space<vmem>>
    %dma_start3A_65 = tpu.memref_squeeze %dma_start3A_64 : memref<1x128xi32, #tpu.memory_space<vmem>> -> memref<128xi32, #tpu.memory_space<vmem>>
    %dma_start3A_66 = arith.constant 0 : i32
    %dma_start3A_67 = tpu.memref_slice %arg10[%dma_start3A_66] : memref<40960xf32, #tpu.memory_space<vmem_shared>> -> memref<40960xf32, #tpu.memory_space<vmem_shared>>
    tpu.enqueue_indirect_dma source(%dma_start3A_67 : memref<40960xf32, #tpu.memory_space<vmem_shared>>) target(%dma_start3A_62 : memref<128xf32, #tpu.memory_space<vmem>>) offsets(%dma_start3A_65 : memref<128xi32, #tpu.memory_space<vmem>>) semaphore(%arg12 : memref<!tpu.dma_semaphore, #tpu.memory_space<semaphore_mem>>)
    %scan3A = arith.constant 0 : i32
    %scan3A_68 = arith.constant 320 : i32
    %scan3A_69 = arith.addi %scan3A, %scan3A_68 : i32
    %scan3A_70 = arith.constant 1 : i32
    scf.for %scan3A_147 = %scan3A to %scan3A_69 step %scan3A_70  : i32 {
      %rem3A_148 = arith.constant 8 : i32
      %rem3A_149 = arith.remsi %scan3A_147, %rem3A_148 : i32
      %add3A_150 = arith.constant 4 : i32
      %add3A_151 = arith.addi %scan3A_147, %add3A_150 : i32
      %rem3A_152 = arith.constant 8 : i32
      %rem3A_153 = arith.remsi %add3A_151, %rem3A_152 : i32
      %ge3A = arith.constant 4 : i32
      %ge3A_154 = arith.cmpi sge, %scan3A_147, %ge3A : i32
      %convert_element_type3A = arith.extui %ge3A_154 : i1 to i32
      %cond3A = arith.constant 0 : i32
      %cond3A_155 = arith.cmpi ne, %convert_element_type3A, %cond3A : i32
      scf.if %cond3A_155 {
        %sub3A = arith.constant 4 : i32
        %sub3A_178 = arith.subi %scan3A_147, %sub3A : i32
        %dma_wait3A_179 = arith.constant 0 : i32
        %dma_wait3A_180 = tpu.memref_slice %arg9[%rem3A_153, %dma_wait3A_179] : memref<8x128xf32, #tpu.memory_space<vmem>> -> memref<1x128xf32, #tpu.memory_space<vmem>>
        %dma_wait3A_181 = tpu.memref_squeeze %dma_wait3A_180 : memref<1x128xf32, #tpu.memory_space<vmem>> -> memref<128xf32, #tpu.memory_space<vmem>>
        %dma_wait3A_182 = arith.constant 0 : i32
        %dma_wait3A_183 = tpu.memref_slice %arg8[%sub3A_178, %dma_wait3A_182] : memref<320x128xi32, #tpu.memory_space<vmem>> -> memref<1x128xi32, #tpu.memory_space<vmem>>
        %dma_wait3A_184 = tpu.memref_squeeze %dma_wait3A_183 : memref<1x128xi32, #tpu.memory_space<vmem>> -> memref<128xi32, #tpu.memory_space<vmem>>
        %dma_wait3A_185 = arith.constant 0 : i32
        %dma_wait3A_186 = tpu.memref_slice %arg11[%dma_wait3A_185] : memref<40960xf32, #tpu.memory_space<vmem_shared>> -> memref<40960xf32, #tpu.memory_space<vmem_shared>>
        tpu.wait_indirect_dma semaphore(%arg13 : memref<!tpu.dma_semaphore, #tpu.memory_space<semaphore_mem>>) src(%dma_wait3A_181 : memref<128xf32, #tpu.memory_space<vmem>>) dst(%dma_wait3A_186 : memref<40960xf32, #tpu.memory_space<vmem_shared>>)
      } else {
      }
      %add3A_156 = arith.constant 4 : i32
      %add3A_157 = arith.addi %scan3A_147, %add3A_156 : i32
      %lt3A = arith.constant 320 : i32
      %lt3A_158 = arith.cmpi slt, %add3A_157, %lt3A : i32
      %convert_element_type3A_159 = arith.extui %lt3A_158 : i1 to i32
      %cond3A_160 = arith.constant 0 : i32
      %cond3A_161 = arith.cmpi ne, %convert_element_type3A_159, %cond3A_160 : i32
      scf.if %cond3A_161 {
        %add3A_178 = arith.constant 4 : i32
        %add3A_179 = arith.addi %scan3A_147, %add3A_178 : i32
        %dma_start3A_180 = arith.constant 0 : i32
        %dma_start3A_181 = tpu.memref_slice %arg9[%rem3A_153, %dma_start3A_180] : memref<8x128xf32, #tpu.memory_space<vmem>> -> memref<1x128xf32, #tpu.memory_space<vmem>>
        %dma_start3A_182 = tpu.memref_squeeze %dma_start3A_181 : memref<1x128xf32, #tpu.memory_space<vmem>> -> memref<128xf32, #tpu.memory_space<vmem>>
        %dma_start3A_183 = arith.constant 0 : i32
        %dma_start3A_184 = tpu.memref_slice %arg7[%add3A_179, %dma_start3A_183] : memref<320x128xi32, #tpu.memory_space<vmem>> -> memref<1x128xi32, #tpu.memory_space<vmem>>
        %dma_start3A_185 = tpu.memref_squeeze %dma_start3A_184 : memref<1x128xi32, #tpu.memory_space<vmem>> -> memref<128xi32, #tpu.memory_space<vmem>>
        %dma_start3A_186 = arith.constant 0 : i32
        %dma_start3A_187 = tpu.memref_slice %arg10[%dma_start3A_186] : memref<40960xf32, #tpu.memory_space<vmem_shared>> -> memref<40960xf32, #tpu.memory_space<vmem_shared>>
        tpu.enqueue_indirect_dma source(%dma_start3A_187 : memref<40960xf32, #tpu.memory_space<vmem_shared>>) target(%dma_start3A_182 : memref<128xf32, #tpu.memory_space<vmem>>) offsets(%dma_start3A_185 : memref<128xi32, #tpu.memory_space<vmem>>) semaphore(%arg12 : memref<!tpu.dma_semaphore, #tpu.memory_space<semaphore_mem>>)
      } else {
      }
      %dma_wait3A_162 = arith.constant 0 : i32
      %dma_wait3A_163 = tpu.memref_slice %arg9[%rem3A_149, %dma_wait3A_162] : memref<8x128xf32, #tpu.memory_space<vmem>> -> memref<1x128xf32, #tpu.memory_space<vmem>>
      %dma_wait3A_164 = tpu.memref_squeeze %dma_wait3A_163 : memref<1x128xf32, #tpu.memory_space<vmem>> -> memref<128xf32, #tpu.memory_space<vmem>>
      %dma_wait3A_165 = arith.constant 0 : i32
      %dma_wait3A_166 = tpu.memref_slice %arg7[%scan3A_147, %dma_wait3A_165] : memref<320x128xi32, #tpu.memory_space<vmem>> -> memref<1x128xi32, #tpu.memory_space<vmem>>
      %dma_wait3A_167 = tpu.memref_squeeze %dma_wait3A_166 : memref<1x128xi32, #tpu.memory_space<vmem>> -> memref<128xi32, #tpu.memory_space<vmem>>
      %dma_wait3A_168 = arith.constant 0 : i32
      %dma_wait3A_169 = tpu.memref_slice %arg10[%dma_wait3A_168] : memref<40960xf32, #tpu.memory_space<vmem_shared>> -> memref<40960xf32, #tpu.memory_space<vmem_shared>>
      tpu.wait_indirect_dma semaphore(%arg12 : memref<!tpu.dma_semaphore, #tpu.memory_space<semaphore_mem>>) src(%dma_wait3A_169 : memref<40960xf32, #tpu.memory_space<vmem_shared>>) dst(%dma_wait3A_164 : memref<128xf32, #tpu.memory_space<vmem>>)
      %dma_start3A_170 = arith.constant 0 : i32
      %dma_start3A_171 = tpu.memref_slice %arg9[%rem3A_149, %dma_start3A_170] : memref<8x128xf32, #tpu.memory_space<vmem>> -> memref<1x128xf32, #tpu.memory_space<vmem>>
      %dma_start3A_172 = tpu.memref_squeeze %dma_start3A_171 : memref<1x128xf32, #tpu.memory_space<vmem>> -> memref<128xf32, #tpu.memory_space<vmem>>
      %dma_start3A_173 = arith.constant 0 : i32
      %dma_start3A_174 = tpu.memref_slice %arg8[%scan3A_147, %dma_start3A_173] : memref<320x128xi32, #tpu.memory_space<vmem>> -> memref<1x128xi32, #tpu.memory_space<vmem>>
      %dma_start3A_175 = tpu.memref_squeeze %dma_start3A_174 : memref<1x128xi32, #tpu.memory_space<vmem>> -> memref<128xi32, #tpu.memory_space<vmem>>
      %dma_start3A_176 = arith.constant 0 : i32
      %dma_start3A_177 = tpu.memref_slice %arg11[%dma_start3A_176] : memref<40960xf32, #tpu.memory_space<vmem_shared>> -> memref<40960xf32, #tpu.memory_space<vmem_shared>>
      tpu.enqueue_indirect_dma source(%dma_start3A_172 : memref<128xf32, #tpu.memory_space<vmem>>) target(%dma_start3A_177 : memref<40960xf32, #tpu.memory_space<vmem_shared>>) offsets(%dma_start3A_175 : memref<128xi32, #tpu.memory_space<vmem>>) semaphore(%arg13 : memref<!tpu.dma_semaphore, #tpu.memory_space<semaphore_mem>>) {add = true}
    }
    %scan3A_71 = arith.constant 320 : i32
    %rem3A = arith.constant 316 : i32
    %rem3A_72 = arith.constant 8 : i32
    %rem3A_73 = arith.remsi %rem3A, %rem3A_72 : i32
    %dma_wait3A = arith.constant 316 : i32
    %dma_wait3A_74 = arith.constant 0 : i32
    %dma_wait3A_75 = tpu.memref_slice %arg9[%rem3A_73, %dma_wait3A_74] : memref<8x128xf32, #tpu.memory_space<vmem>> -> memref<1x128xf32, #tpu.memory_space<vmem>>
    %dma_wait3A_76 = tpu.memref_squeeze %dma_wait3A_75 : memref<1x128xf32, #tpu.memory_space<vmem>> -> memref<128xf32, #tpu.memory_space<vmem>>
    %dma_wait3A_77 = arith.constant 0 : i32
    %dma_wait3A_78 = tpu.memref_slice %arg8[%dma_wait3A, %dma_wait3A_77] : memref<320x128xi32, #tpu.memory_space<vmem>> -> memref<1x128xi32, #tpu.memory_space<vmem>>
    %dma_wait3A_79 = tpu.memref_squeeze %dma_wait3A_78 : memref<1x128xi32, #tpu.memory_space<vmem>> -> memref<128xi32, #tpu.memory_space<vmem>>
    %dma_wait3A_80 = arith.constant 0 : i32
    %dma_wait3A_81 = tpu.memref_slice %arg11[%dma_wait3A_80] : memref<40960xf32, #tpu.memory_space<vmem_shared>> -> memref<40960xf32, #tpu.memory_space<vmem_shared>>
    tpu.wait_indirect_dma semaphore(%arg13 : memref<!tpu.dma_semaphore, #tpu.memory_space<semaphore_mem>>) src(%dma_wait3A_76 : memref<128xf32, #tpu.memory_space<vmem>>) dst(%dma_wait3A_81 : memref<40960xf32, #tpu.memory_space<vmem_shared>>)
    %rem3A_82 = arith.constant 317 : i32
    %rem3A_83 = arith.constant 8 : i32
    %rem3A_84 = arith.remsi %rem3A_82, %rem3A_83 : i32
    %dma_wait3A_85 = arith.constant 317 : i32
    %dma_wait3A_86 = arith.constant 0 : i32
    %dma_wait3A_87 = tpu.memref_slice %arg9[%rem3A_84, %dma_wait3A_86] : memref<8x128xf32, #tpu.memory_space<vmem>> -> memref<1x128xf32, #tpu.memory_space<vmem>>
    %dma_wait3A_88 = tpu.memref_squeeze %dma_wait3A_87 : memref<1x128xf32, #tpu.memory_space<vmem>> -> memref<128xf32, #tpu.memory_space<vmem>>
    %dma_wait3A_89 = arith.constant 0 : i32
    %dma_wait3A_90 = tpu.memref_slice %arg8[%dma_wait3A_85, %dma_wait3A_89] : memref<320x128xi32, #tpu.memory_space<vmem>> -> memref<1x128xi32, #tpu.memory_space<vmem>>
    %dma_wait3A_91 = tpu.memref_squeeze %dma_wait3A_90 : memref<1x128xi32, #tpu.memory_space<vmem>> -> memref<128xi32, #tpu.memory_space<vmem>>
    %dma_wait3A_92 = arith.constant 0 : i32
    %dma_wait3A_93 = tpu.memref_slice %arg11[%dma_wait3A_92] : memref<40960xf32, #tpu.memory_space<vmem_shared>> -> memref<40960xf32, #tpu.memory_space<vmem_shared>>
    tpu.wait_indirect_dma semaphore(%arg13 : memref<!tpu.dma_semaphore, #tpu.memory_space<semaphore_mem>>) src(%dma_wait3A_88 : memref<128xf32, #tpu.memory_space<vmem>>) dst(%dma_wait3A_93 : memref<40960xf32, #tpu.memory_space<vmem_shared>>)
    %rem3A_94 = arith.constant 318 : i32
    %rem3A_95 = arith.constant 8 : i32
    %rem3A_96 = arith.remsi %rem3A_94, %rem3A_95 : i32
    %dma_wait3A_97 = arith.constant 318 : i32
    %dma_wait3A_98 = arith.constant 0 : i32
    %dma_wait3A_99 = tpu.memref_slice %arg9[%rem3A_96, %dma_wait3A_98] : memref<8x128xf32, #tpu.memory_space<vmem>> -> memref<1x128xf32, #tpu.memory_space<vmem>>
    %dma_wait3A_100 = tpu.memref_squeeze %dma_wait3A_99 : memref<1x128xf32, #tpu.memory_space<vmem>> -> memref<128xf32, #tpu.memory_space<vmem>>
    %dma_wait3A_101 = arith.constant 0 : i32
    %dma_wait3A_102 = tpu.memref_slice %arg8[%dma_wait3A_97, %dma_wait3A_101] : memref<320x128xi32, #tpu.memory_space<vmem>> -> memref<1x128xi32, #tpu.memory_space<vmem>>
    %dma_wait3A_103 = tpu.memref_squeeze %dma_wait3A_102 : memref<1x128xi32, #tpu.memory_space<vmem>> -> memref<128xi32, #tpu.memory_space<vmem>>
    %dma_wait3A_104 = arith.constant 0 : i32
    %dma_wait3A_105 = tpu.memref_slice %arg11[%dma_wait3A_104] : memref<40960xf32, #tpu.memory_space<vmem_shared>> -> memref<40960xf32, #tpu.memory_space<vmem_shared>>
    tpu.wait_indirect_dma semaphore(%arg13 : memref<!tpu.dma_semaphore, #tpu.memory_space<semaphore_mem>>) src(%dma_wait3A_100 : memref<128xf32, #tpu.memory_space<vmem>>) dst(%dma_wait3A_105 : memref<40960xf32, #tpu.memory_space<vmem_shared>>)
    %rem3A_106 = arith.constant 319 : i32
    %rem3A_107 = arith.constant 8 : i32
    %rem3A_108 = arith.remsi %rem3A_106, %rem3A_107 : i32
    %dma_wait3A_109 = arith.constant 319 : i32
    %dma_wait3A_110 = arith.constant 0 : i32
    %dma_wait3A_111 = tpu.memref_slice %arg9[%rem3A_108, %dma_wait3A_110] : memref<8x128xf32, #tpu.memory_space<vmem>> -> memref<1x128xf32, #tpu.memory_space<vmem>>
    %dma_wait3A_112 = tpu.memref_squeeze %dma_wait3A_111 : memref<1x128xf32, #tpu.memory_space<vmem>> -> memref<128xf32, #tpu.memory_space<vmem>>
    %dma_wait3A_113 = arith.constant 0 : i32
    %dma_wait3A_114 = tpu.memref_slice %arg8[%dma_wait3A_109, %dma_wait3A_113] : memref<320x128xi32, #tpu.memory_space<vmem>> -> memref<1x128xi32, #tpu.memory_space<vmem>>
    %dma_wait3A_115 = tpu.memref_squeeze %dma_wait3A_114 : memref<1x128xi32, #tpu.memory_space<vmem>> -> memref<128xi32, #tpu.memory_space<vmem>>
    %dma_wait3A_116 = arith.constant 0 : i32
    %dma_wait3A_117 = tpu.memref_slice %arg11[%dma_wait3A_116] : memref<40960xf32, #tpu.memory_space<vmem_shared>> -> memref<40960xf32, #tpu.memory_space<vmem_shared>>
    tpu.wait_indirect_dma semaphore(%arg13 : memref<!tpu.dma_semaphore, #tpu.memory_space<semaphore_mem>>) src(%dma_wait3A_112 : memref<128xf32, #tpu.memory_space<vmem>>) dst(%dma_wait3A_117 : memref<40960xf32, #tpu.memory_space<vmem_shared>>)
    %barrier3A_118 = arith.constant 0 : index
    tpu.barrier barrier_id(%barrier3A_118)
    %mul3A_119 = arith.constant 640 : i32
    %mul3A_120 = arith.muli %arg1, %mul3A_119 : i32
    %add3A_121 = arith.constant 0 : i32
    %add3A_122 = arith.addi %add3A_121, %mul3A_120 : i32
    %mul3A_123 = arith.constant 640 : i32
    %mul3A_124 = arith.muli %arg1, %mul3A_123 : i32
    %run_scoped3A_125 = arith.constant 0 : i32
    "tpu.region"() ({
      %run_scoped3A_147 = tpu.sem_alloc : memref<!tpu.dma_semaphore, #tpu.memory_space<semaphore_mem>>
      %dma_start3A_148 = arith.constant 0 : i32
      %dma_start3A_149 = arith.constant 0 : i32
      %dma_start3A_150 = tpu.memref_slice %arg6[%arg0, %dma_start3A_148, %dma_start3A_149] : memref<2x4x10240xf32, #tpu.memory_space<hbm>> -> memref<1x4x10240xf32, #tpu.memory_space<hbm>>
      %dma_start3A_151 = tpu.memref_squeeze %dma_start3A_150 : memref<1x4x10240xf32, #tpu.memory_space<hbm>> -> memref<4x10240xf32, #tpu.memory_space<hbm>>
      %dma_start3A_152 = arith.constant 0 : i32
      %dma_start3A_153 = tpu.memref_slice %dma_start3A_151[%run_scoped3A_125, %dma_start3A_152] : memref<4x10240xf32, #tpu.memory_space<hbm>> -> memref<1x10240xf32, #tpu.memory_space<hbm>>
      %dma_start3A_154 = tpu.memref_squeeze %dma_start3A_153 : memref<1x10240xf32, #tpu.memory_space<hbm>> -> memref<10240xf32, #tpu.memory_space<hbm>>
      %dma_start3A_155 = tpu.memref_slice %dma_start3A_154[%mul3A_124] : memref<10240xf32, #tpu.memory_space<hbm>> -> memref<640xf32, #tpu.memory_space<hbm>>
      %dma_start3A_156 = tpu.memref_slice %arg11[%add3A_122] : memref<40960xf32, #tpu.memory_space<vmem_shared>> -> memref<640xf32, #tpu.memory_space<vmem_shared>>
      tpu.enqueue_dma source(%dma_start3A_156 : memref<640xf32, #tpu.memory_space<vmem_shared>>) target(%dma_start3A_155 : memref<640xf32, #tpu.memory_space<hbm>>) target_semaphore(%run_scoped3A_147 : memref<!tpu.dma_semaphore, #tpu.memory_space<semaphore_mem>>)
      %dma_wait3A_157 = arith.constant 0 : i32
      %dma_wait3A_158 = arith.constant 0 : i32
      %dma_wait3A_159 = tpu.memref_slice %arg6[%arg0, %dma_wait3A_157, %dma_wait3A_158] : memref<2x4x10240xf32, #tpu.memory_space<hbm>> -> memref<1x4x10240xf32, #tpu.memory_space<hbm>>
      %dma_wait3A_160 = tpu.memref_squeeze %dma_wait3A_159 : memref<1x4x10240xf32, #tpu.memory_space<hbm>> -> memref<4x10240xf32, #tpu.memory_space<hbm>>
      %dma_wait3A_161 = arith.constant 0 : i32
      %dma_wait3A_162 = tpu.memref_slice %dma_wait3A_160[%run_scoped3A_125, %dma_wait3A_161] : memref<4x10240xf32, #tpu.memory_space<hbm>> -> memref<1x10240xf32, #tpu.memory_space<hbm>>
      %dma_wait3A_163 = tpu.memref_squeeze %dma_wait3A_162 : memref<1x10240xf32, #tpu.memory_space<hbm>> -> memref<10240xf32, #tpu.memory_space<hbm>>
      %dma_wait3A_164 = tpu.memref_slice %dma_wait3A_163[%mul3A_124] : memref<10240xf32, #tpu.memory_space<hbm>> -> memref<640xf32, #tpu.memory_space<hbm>>
      %dma_wait3A_165 = tpu.memref_slice %arg11[%add3A_122] : memref<40960xf32, #tpu.memory_space<vmem_shared>> -> memref<640xf32, #tpu.memory_space<vmem_shared>>
      tpu.wait_dma2 semaphore(%run_scoped3A_147 : memref<!tpu.dma_semaphore, #tpu.memory_space<semaphore_mem>>) src(%dma_wait3A_165 : memref<640xf32, #tpu.memory_space<vmem_shared>>) dst(%dma_wait3A_164 : memref<640xf32, #tpu.memory_space<hbm>>)
      tpu.yield
    }) : () -> ()
    %mul3A_126 = arith.constant 640 : i32
    %mul3A_127 = arith.muli %arg1, %mul3A_126 : i32
    %add3A_128 = arith.constant 10240 : i32
    %add3A_129 = arith.addi %add3A_128, %mul3A_127 : i32
    %mul3A_130 = arith.constant 640 : i32
    %mul3A_131 = arith.muli %arg1, %mul3A_130 : i32
    %run_scoped3A_132 = arith.constant 1 : i32
    "tpu.region"() ({
      %run_scoped3A_147 = tpu.sem_alloc : memref<!tpu.dma_semaphore, #tpu.memory_space<semaphore_mem>>
      %dma_start3A_148 = arith.constant 0 : i32
      %dma_start3A_149 = arith.constant 0 : i32
      %dma_start3A_150 = tpu.memref_slice %arg6[%arg0, %dma_start3A_148, %dma_start3A_149] : memref<2x4x10240xf32, #tpu.memory_space<hbm>> -> memref<1x4x10240xf32, #tpu.memory_space<hbm>>
      %dma_start3A_151 = tpu.memref_squeeze %dma_start3A_150 : memref<1x4x10240xf32, #tpu.memory_space<hbm>> -> memref<4x10240xf32, #tpu.memory_space<hbm>>
      %dma_start3A_152 = arith.constant 0 : i32
      %dma_start3A_153 = tpu.memref_slice %dma_start3A_151[%run_scoped3A_132, %dma_start3A_152] : memref<4x10240xf32, #tpu.memory_space<hbm>> -> memref<1x10240xf32, #tpu.memory_space<hbm>>
      %dma_start3A_154 = tpu.memref_squeeze %dma_start3A_153 : memref<1x10240xf32, #tpu.memory_space<hbm>> -> memref<10240xf32, #tpu.memory_space<hbm>>
      %dma_start3A_155 = tpu.memref_slice %dma_start3A_154[%mul3A_131] : memref<10240xf32, #tpu.memory_space<hbm>> -> memref<640xf32, #tpu.memory_space<hbm>>
      %dma_start3A_156 = tpu.memref_slice %arg11[%add3A_129] : memref<40960xf32, #tpu.memory_space<vmem_shared>> -> memref<640xf32, #tpu.memory_space<vmem_shared>>
      tpu.enqueue_dma source(%dma_start3A_156 : memref<640xf32, #tpu.memory_space<vmem_shared>>) target(%dma_start3A_155 : memref<640xf32, #tpu.memory_space<hbm>>) target_semaphore(%run_scoped3A_147 : memref<!tpu.dma_semaphore, #tpu.memory_space<semaphore_mem>>)
      %dma_wait3A_157 = arith.constant 0 : i32
      %dma_wait3A_158 = arith.constant 0 : i32
      %dma_wait3A_159 = tpu.memref_slice %arg6[%arg0, %dma_wait3A_157, %dma_wait3A_158] : memref<2x4x10240xf32, #tpu.memory_space<hbm>> -> memref<1x4x10240xf32, #tpu.memory_space<hbm>>
      %dma_wait3A_160 = tpu.memref_squeeze %dma_wait3A_159 : memref<1x4x10240xf32, #tpu.memory_space<hbm>> -> memref<4x10240xf32, #tpu.memory_space<hbm>>
      %dma_wait3A_161 = arith.constant 0 : i32
      %dma_wait3A_162 = tpu.memref_slice %dma_wait3A_160[%run_scoped3A_132, %dma_wait3A_161] : memref<4x10240xf32, #tpu.memory_space<hbm>> -> memref<1x10240xf32, #tpu.memory_space<hbm>>
      %dma_wait3A_163 = tpu.memref_squeeze %dma_wait3A_162 : memref<1x10240xf32, #tpu.memory_space<hbm>> -> memref<10240xf32, #tpu.memory_space<hbm>>
      %dma_wait3A_164 = tpu.memref_slice %dma_wait3A_163[%mul3A_131] : memref<10240xf32, #tpu.memory_space<hbm>> -> memref<640xf32, #tpu.memory_space<hbm>>
      %dma_wait3A_165 = tpu.memref_slice %arg11[%add3A_129] : memref<40960xf32, #tpu.memory_space<vmem_shared>> -> memref<640xf32, #tpu.memory_space<vmem_shared>>
      tpu.wait_dma2 semaphore(%run_scoped3A_147 : memref<!tpu.dma_semaphore, #tpu.memory_space<semaphore_mem>>) src(%dma_wait3A_165 : memref<640xf32, #tpu.memory_space<vmem_shared>>) dst(%dma_wait3A_164 : memref<640xf32, #tpu.memory_space<hbm>>)
      tpu.yield
    }) : () -> ()
    %mul3A_133 = arith.constant 640 : i32
    %mul3A_134 = arith.muli %arg1, %mul3A_133 : i32
    %add3A_135 = arith.constant 20480 : i32
    %add3A_136 = arith.addi %add3A_135, %mul3A_134 : i32
    %mul3A_137 = arith.constant 640 : i32
    %mul3A_138 = arith.muli %arg1, %mul3A_137 : i32
    %run_scoped3A_139 = arith.constant 2 : i32
    "tpu.region"() ({
      %run_scoped3A_147 = tpu.sem_alloc : memref<!tpu.dma_semaphore, #tpu.memory_space<semaphore_mem>>
      %dma_start3A_148 = arith.constant 0 : i32
      %dma_start3A_149 = arith.constant 0 : i32
      %dma_start3A_150 = tpu.memref_slice %arg6[%arg0, %dma_start3A_148, %dma_start3A_149] : memref<2x4x10240xf32, #tpu.memory_space<hbm>> -> memref<1x4x10240xf32, #tpu.memory_space<hbm>>
      %dma_start3A_151 = tpu.memref_squeeze %dma_start3A_150 : memref<1x4x10240xf32, #tpu.memory_space<hbm>> -> memref<4x10240xf32, #tpu.memory_space<hbm>>
      %dma_start3A_152 = arith.constant 0 : i32
      %dma_start3A_153 = tpu.memref_slice %dma_start3A_151[%run_scoped3A_139, %dma_start3A_152] : memref<4x10240xf32, #tpu.memory_space<hbm>> -> memref<1x10240xf32, #tpu.memory_space<hbm>>
      %dma_start3A_154 = tpu.memref_squeeze %dma_start3A_153 : memref<1x10240xf32, #tpu.memory_space<hbm>> -> memref<10240xf32, #tpu.memory_space<hbm>>
      %dma_start3A_155 = tpu.memref_slice %dma_start3A_154[%mul3A_138] : memref<10240xf32, #tpu.memory_space<hbm>> -> memref<640xf32, #tpu.memory_space<hbm>>
      %dma_start3A_156 = tpu.memref_slice %arg11[%add3A_136] : memref<40960xf32, #tpu.memory_space<vmem_shared>> -> memref<640xf32, #tpu.memory_space<vmem_shared>>
      tpu.enqueue_dma source(%dma_start3A_156 : memref<640xf32, #tpu.memory_space<vmem_shared>>) target(%dma_start3A_155 : memref<640xf32, #tpu.memory_space<hbm>>) target_semaphore(%run_scoped3A_147 : memref<!tpu.dma_semaphore, #tpu.memory_space<semaphore_mem>>)
      %dma_wait3A_157 = arith.constant 0 : i32
      %dma_wait3A_158 = arith.constant 0 : i32
      %dma_wait3A_159 = tpu.memref_slice %arg6[%arg0, %dma_wait3A_157, %dma_wait3A_158] : memref<2x4x10240xf32, #tpu.memory_space<hbm>> -> memref<1x4x10240xf32, #tpu.memory_space<hbm>>
      %dma_wait3A_160 = tpu.memref_squeeze %dma_wait3A_159 : memref<1x4x10240xf32, #tpu.memory_space<hbm>> -> memref<4x10240xf32, #tpu.memory_space<hbm>>
      %dma_wait3A_161 = arith.constant 0 : i32
      %dma_wait3A_162 = tpu.memref_slice %dma_wait3A_160[%run_scoped3A_139, %dma_wait3A_161] : memref<4x10240xf32, #tpu.memory_space<hbm>> -> memref<1x10240xf32, #tpu.memory_space<hbm>>
      %dma_wait3A_163 = tpu.memref_squeeze %dma_wait3A_162 : memref<1x10240xf32, #tpu.memory_space<hbm>> -> memref<10240xf32, #tpu.memory_space<hbm>>
      %dma_wait3A_164 = tpu.memref_slice %dma_wait3A_163[%mul3A_138] : memref<10240xf32, #tpu.memory_space<hbm>> -> memref<640xf32, #tpu.memory_space<hbm>>
      %dma_wait3A_165 = tpu.memref_slice %arg11[%add3A_136] : memref<40960xf32, #tpu.memory_space<vmem_shared>> -> memref<640xf32, #tpu.memory_space<vmem_shared>>
      tpu.wait_dma2 semaphore(%run_scoped3A_147 : memref<!tpu.dma_semaphore, #tpu.memory_space<semaphore_mem>>) src(%dma_wait3A_165 : memref<640xf32, #tpu.memory_space<vmem_shared>>) dst(%dma_wait3A_164 : memref<640xf32, #tpu.memory_space<hbm>>)
      tpu.yield
    }) : () -> ()
    %mul3A_140 = arith.constant 640 : i32
    %mul3A_141 = arith.muli %arg1, %mul3A_140 : i32
    %add3A_142 = arith.constant 30720 : i32
    %add3A_143 = arith.addi %add3A_142, %mul3A_141 : i32
    %mul3A_144 = arith.constant 640 : i32
    %mul3A_145 = arith.muli %arg1, %mul3A_144 : i32
    %run_scoped3A_146 = arith.constant 3 : i32
    "tpu.region"() ({
      %run_scoped3A_147 = tpu.sem_alloc : memref<!tpu.dma_semaphore, #tpu.memory_space<semaphore_mem>>
      %dma_start3A_148 = arith.constant 0 : i32
      %dma_start3A_149 = arith.constant 0 : i32
      %dma_start3A_150 = tpu.memref_slice %arg6[%arg0, %dma_start3A_148, %dma_start3A_149] : memref<2x4x10240xf32, #tpu.memory_space<hbm>> -> memref<1x4x10240xf32, #tpu.memory_space<hbm>>
      %dma_start3A_151 = tpu.memref_squeeze %dma_start3A_150 : memref<1x4x10240xf32, #tpu.memory_space<hbm>> -> memref<4x10240xf32, #tpu.memory_space<hbm>>
      %dma_start3A_152 = arith.constant 0 : i32
      %dma_start3A_153 = tpu.memref_slice %dma_start3A_151[%run_scoped3A_146, %dma_start3A_152] : memref<4x10240xf32, #tpu.memory_space<hbm>> -> memref<1x10240xf32, #tpu.memory_space<hbm>>
      %dma_start3A_154 = tpu.memref_squeeze %dma_start3A_153 : memref<1x10240xf32, #tpu.memory_space<hbm>> -> memref<10240xf32, #tpu.memory_space<hbm>>
      %dma_start3A_155 = tpu.memref_slice %dma_start3A_154[%mul3A_145] : memref<10240xf32, #tpu.memory_space<hbm>> -> memref<640xf32, #tpu.memory_space<hbm>>
      %dma_start3A_156 = tpu.memref_slice %arg11[%add3A_143] : memref<40960xf32, #tpu.memory_space<vmem_shared>> -> memref<640xf32, #tpu.memory_space<vmem_shared>>
      tpu.enqueue_dma source(%dma_start3A_156 : memref<640xf32, #tpu.memory_space<vmem_shared>>) target(%dma_start3A_155 : memref<640xf32, #tpu.memory_space<hbm>>) target_semaphore(%run_scoped3A_147 : memref<!tpu.dma_semaphore, #tpu.memory_space<semaphore_mem>>)
      %dma_wait3A_157 = arith.constant 0 : i32
      %dma_wait3A_158 = arith.constant 0 : i32
      %dma_wait3A_159 = tpu.memref_slice %arg6[%arg0, %dma_wait3A_157, %dma_wait3A_158] : memref<2x4x10240xf32, #tpu.memory_space<hbm>> -> memref<1x4x10240xf32, #tpu.memory_space<hbm>>
      %dma_wait3A_160 = tpu.memref_squeeze %dma_wait3A_159 : memref<1x4x10240xf32, #tpu.memory_space<hbm>> -> memref<4x10240xf32, #tpu.memory_space<hbm>>
      %dma_wait3A_161 = arith.constant 0 : i32
      %dma_wait3A_162 = tpu.memref_slice %dma_wait3A_160[%run_scoped3A_146, %dma_wait3A_161] : memref<4x10240xf32, #tpu.memory_space<hbm>> -> memref<1x10240xf32, #tpu.memory_space<hbm>>
      %dma_wait3A_163 = tpu.memref_squeeze %dma_wait3A_162 : memref<1x10240xf32, #tpu.memory_space<hbm>> -> memref<10240xf32, #tpu.memory_space<hbm>>
      %dma_wait3A_164 = tpu.memref_slice %dma_wait3A_163[%mul3A_145] : memref<10240xf32, #tpu.memory_space<hbm>> -> memref<640xf32, #tpu.memory_space<hbm>>
      %dma_wait3A_165 = tpu.memref_slice %arg11[%add3A_143] : memref<40960xf32, #tpu.memory_space<vmem_shared>> -> memref<640xf32, #tpu.memory_space<vmem_shared>>
      tpu.wait_dma2 semaphore(%run_scoped3A_147 : memref<!tpu.dma_semaphore, #tpu.memory_space<semaphore_mem>>) src(%dma_wait3A_165 : memref<640xf32, #tpu.memory_space<vmem_shared>>) dst(%dma_wait3A_164 : memref<640xf32, #tpu.memory_space<hbm>>)
      tpu.yield
    }) : () -> ()
    return
  }
}

#map = affine_map<(d0, d1) -> (0, 0)>
#map1 = affine_map<(d0, d1) -> (0, 0, 0, 0)>
#map2 = affine_map<(d0, d1) -> (0)>
#map3 = affine_map<(d0, d1) -> (0, 0, 0)>
module attributes {stable_mosaic.version = 14 : i64} {
  func.func @_seg_body(%arg0: i32, %arg1: i32, %arg2: memref<4x10240xf32, #tpu.memory_space<hbm>>, %arg3: memref<2x16x320x128xi32, #tpu.memory_space<hbm>>, %arg4: memref<2x16x320x128xi32, #tpu.memory_space<hbm>>, %arg5: memref<40960xf32, #tpu.memory_space<hbm>>, %arg6: memref<2x4x10240xf32, #tpu.memory_space<hbm>>, %arg7: memref<320x128xi32, #tpu.memory_space<vmem>>, %arg8: memref<320x128xi32, #tpu.memory_space<vmem>>, %arg9: memref<8x128xf32, #tpu.memory_space<vmem>>, %arg10: memref<40960xf32, #tpu.memory_space<vmem_shared>>, %arg11: memref<40960xf32, #tpu.memory_space<vmem_shared>>, %arg12: memref<!tpu.dma_semaphore, #tpu.memory_space<semaphore_mem>>, %arg13: memref<!tpu.dma_semaphore, #tpu.memory_space<semaphore_mem>>) attributes {dimension_semantics = [#tpu.dimension_semantics<core_parallel>, #tpu.dimension_semantics<subcore_parallel>], iteration_bounds = array<i64: 2, 16>, scalar_prefetch = 0 : i64, scratch_operands = 7 : i64, tpu.core_type = #tpu.core_type<sc_vector_subcore>, window_params = [{transform_indices = #map}, {transform_indices = #map1}, {transform_indices = #map1}, {transform_indices = #map2}, {transform_indices = #map3}]} {
    %mul3A = arith.constant 2560 : i32
    %mul3A_0 = arith.muli %arg1, %mul3A : i32
    %mul3A_1 = arith.constant 2560 : i32
    %mul3A_2 = arith.muli %arg1, %mul3A_1 : i32
    "tpu.region"() ({
      %run_scoped3A_147 = tpu.sem_alloc : memref<!tpu.dma_semaphore, #tpu.memory_space<semaphore_mem>>
      %dma_start3A_148 = tpu.memref_slice %arg11[%mul3A_2] : memref<40960xf32, #tpu.memory_space<vmem_shared>> -> memref<2560xf32, #tpu.memory_space<vmem_shared>>
      %dma_start3A_149 = tpu.memref_slice %arg5[%mul3A_0] : memref<40960xf32, #tpu.memory_space<hbm>> -> memref<2560xf32, #tpu.memory_space<hbm>>
      tpu.enqueue_dma source(%dma_start3A_149 : memref<2560xf32, #tpu.memory_space<hbm>>) target(%dma_start3A_148 : memref<2560xf32, #tpu.memory_space<vmem_shared>>) target_semaphore(%run_scoped3A_147 : memref<!tpu.dma_semaphore, #tpu.memory_space<semaphore_mem>>)
      %dma_wait3A_150 = tpu.memref_slice %arg11[%mul3A_2] : memref<40960xf32, #tpu.memory_space<vmem_shared>> -> memref<2560xf32, #tpu.memory_space<vmem_shared>>
      %dma_wait3A_151 = tpu.memref_slice %arg5[%mul3A_0] : memref<40960xf32, #tpu.memory_space<hbm>> -> memref<2560xf32, #tpu.memory_space<hbm>>
      tpu.wait_dma2 semaphore(%run_scoped3A_147 : memref<!tpu.dma_semaphore, #tpu.memory_space<semaphore_mem>>) src(%dma_wait3A_151 : memref<2560xf32, #tpu.memory_space<hbm>>) dst(%dma_wait3A_150 : memref<2560xf32, #tpu.memory_space<vmem_shared>>)
      tpu.yield
    }) : () -> ()
    %mul3A_3 = arith.constant 640 : i32
    %mul3A_4 = arith.muli %arg1, %mul3A_3 : i32
    %mul3A_5 = arith.constant 640 : i32
    %mul3A_6 = arith.muli %arg1, %mul3A_5 : i32
    %add3A = arith.constant 0 : i32
    %add3A_7 = arith.addi %add3A, %mul3A_6 : i32
    %run_scoped3A = arith.constant 0 : i32
    "tpu.region"() ({
      %run_scoped3A_147 = tpu.sem_alloc : memref<!tpu.dma_semaphore, #tpu.memory_space<semaphore_mem>>
      %dma_start3A_148 = tpu.memref_slice %arg10[%add3A_7] : memref<40960xf32, #tpu.memory_space<vmem_shared>> -> memref<640xf32, #tpu.memory_space<vmem_shared>>
      %dma_start3A_149 = arith.constant 0 : i32
      %dma_start3A_150 = tpu.memref_slice %arg2[%run_scoped3A, %dma_start3A_149] : memref<4x10240xf32, #tpu.memory_space<hbm>> -> memref<1x10240xf32, #tpu.memory_space<hbm>>
      %dma_start3A_151 = tpu.memref_squeeze %dma_start3A_150 : memref<1x10240xf32, #tpu.memory_space<hbm>> -> memref<10240xf32, #tpu.memory_space<hbm>>
      %dma_start3A_152 = tpu.memref_slice %dma_start3A_151[%mul3A_4] : memref<10240xf32, #tpu.memory_space<hbm>> -> memref<640xf32, #tpu.memory_space<hbm>>
      tpu.enqueue_dma source(%dma_start3A_152 : memref<640xf32, #tpu.memory_space<hbm>>) target(%dma_start3A_148 : memref<640xf32, #tpu.memory_space<vmem_shared>>) target_semaphore(%run_scoped3A_147 : memref<!tpu.dma_semaphore, #tpu.memory_space<semaphore_mem>>)
      %dma_wait3A_153 = tpu.memref_slice %arg10[%add3A_7] : memref<40960xf32, #tpu.memory_space<vmem_shared>> -> memref<640xf32, #tpu.memory_space<vmem_shared>>
      %dma_wait3A_154 = arith.constant 0 : i32
      %dma_wait3A_155 = tpu.memref_slice %arg2[%run_scoped3A, %dma_wait3A_154] : memref<4x10240xf32, #tpu.memory_space<hbm>> -> memref<1x10240xf32, #tpu.memory_space<hbm>>
      %dma_wait3A_156 = tpu.memref_squeeze %dma_wait3A_155 : memref<1x10240xf32, #tpu.memory_space<hbm>> -> memref<10240xf32, #tpu.memory_space<hbm>>
      %dma_wait3A_157 = tpu.memref_slice %dma_wait3A_156[%mul3A_4] : memref<10240xf32, #tpu.memory_space<hbm>> -> memref<640xf32, #tpu.memory_space<hbm>>
      tpu.wait_dma2 semaphore(%run_scoped3A_147 : memref<!tpu.dma_semaphore, #tpu.memory_space<semaphore_mem>>) src(%dma_wait3A_157 : memref<640xf32, #tpu.memory_space<hbm>>) dst(%dma_wait3A_153 : memref<640xf32, #tpu.memory_space<vmem_shared>>)
      tpu.yield
    }) : () -> ()
    %mul3A_8 = arith.constant 640 : i32
    %mul3A_9 = arith.muli %arg1, %mul3A_8 : i32
    %mul3A_10 = arith.constant 640 : i32
    %mul3A_11 = arith.muli %arg1, %mul3A_10 : i32
    %add3A_12 = arith.constant 10240 : i32
    %add3A_13 = arith.addi %add3A_12, %mul3A_11 : i32
    %run_scoped3A_14 = arith.constant 1 : i32
    "tpu.region"() ({
      %run_scoped3A_147 = tpu.sem_alloc : memref<!tpu.dma_semaphore, #tpu.memory_space<semaphore_mem>>
      %dma_start3A_148 = tpu.memref_slice %arg10[%add3A_13] : memref<40960xf32, #tpu.memory_space<vmem_shared>> -> memref<640xf32, #tpu.memory_space<vmem_shared>>
      %dma_start3A_149 = arith.constant 0 : i32
      %dma_start3A_150 = tpu.memref_slice %arg2[%run_scoped3A_14, %dma_start3A_149] : memref<4x10240xf32, #tpu.memory_space<hbm>> -> memref<1x10240xf32, #tpu.memory_space<hbm>>
      %dma_start3A_151 = tpu.memref_squeeze %dma_start3A_150 : memref<1x10240xf32, #tpu.memory_space<hbm>> -> memref<10240xf32, #tpu.memory_space<hbm>>
      %dma_start3A_152 = tpu.memref_slice %dma_start3A_151[%mul3A_9] : memref<10240xf32, #tpu.memory_space<hbm>> -> memref<640xf32, #tpu.memory_space<hbm>>
      tpu.enqueue_dma source(%dma_start3A_152 : memref<640xf32, #tpu.memory_space<hbm>>) target(%dma_start3A_148 : memref<640xf32, #tpu.memory_space<vmem_shared>>) target_semaphore(%run_scoped3A_147 : memref<!tpu.dma_semaphore, #tpu.memory_space<semaphore_mem>>)
      %dma_wait3A_153 = tpu.memref_slice %arg10[%add3A_13] : memref<40960xf32, #tpu.memory_space<vmem_shared>> -> memref<640xf32, #tpu.memory_space<vmem_shared>>
      %dma_wait3A_154 = arith.constant 0 : i32
      %dma_wait3A_155 = tpu.memref_slice %arg2[%run_scoped3A_14, %dma_wait3A_154] : memref<4x10240xf32, #tpu.memory_space<hbm>> -> memref<1x10240xf32, #tpu.memory_space<hbm>>
      %dma_wait3A_156 = tpu.memref_squeeze %dma_wait3A_155 : memref<1x10240xf32, #tpu.memory_space<hbm>> -> memref<10240xf32, #tpu.memory_space<hbm>>
      %dma_wait3A_157 = tpu.memref_slice %dma_wait3A_156[%mul3A_9] : memref<10240xf32, #tpu.memory_space<hbm>> -> memref<640xf32, #tpu.memory_space<hbm>>
      tpu.wait_dma2 semaphore(%run_scoped3A_147 : memref<!tpu.dma_semaphore, #tpu.memory_space<semaphore_mem>>) src(%dma_wait3A_157 : memref<640xf32, #tpu.memory_space<hbm>>) dst(%dma_wait3A_153 : memref<640xf32, #tpu.memory_space<vmem_shared>>)
      tpu.yield
    }) : () -> ()
    %mul3A_15 = arith.constant 640 : i32
    %mul3A_16 = arith.muli %arg1, %mul3A_15 : i32
    %mul3A_17 = arith.constant 640 : i32
    %mul3A_18 = arith.muli %arg1, %mul3A_17 : i32
    %add3A_19 = arith.constant 20480 : i32
    %add3A_20 = arith.addi %add3A_19, %mul3A_18 : i32
    %run_scoped3A_21 = arith.constant 2 : i32
    "tpu.region"() ({
      %run_scoped3A_147 = tpu.sem_alloc : memref<!tpu.dma_semaphore, #tpu.memory_space<semaphore_mem>>
      %dma_start3A_148 = tpu.memref_slice %arg10[%add3A_20] : memref<40960xf32, #tpu.memory_space<vmem_shared>> -> memref<640xf32, #tpu.memory_space<vmem_shared>>
      %dma_start3A_149 = arith.constant 0 : i32
      %dma_start3A_150 = tpu.memref_slice %arg2[%run_scoped3A_21, %dma_start3A_149] : memref<4x10240xf32, #tpu.memory_space<hbm>> -> memref<1x10240xf32, #tpu.memory_space<hbm>>
      %dma_start3A_151 = tpu.memref_squeeze %dma_start3A_150 : memref<1x10240xf32, #tpu.memory_space<hbm>> -> memref<10240xf32, #tpu.memory_space<hbm>>
      %dma_start3A_152 = tpu.memref_slice %dma_start3A_151[%mul3A_16] : memref<10240xf32, #tpu.memory_space<hbm>> -> memref<640xf32, #tpu.memory_space<hbm>>
      tpu.enqueue_dma source(%dma_start3A_152 : memref<640xf32, #tpu.memory_space<hbm>>) target(%dma_start3A_148 : memref<640xf32, #tpu.memory_space<vmem_shared>>) target_semaphore(%run_scoped3A_147 : memref<!tpu.dma_semaphore, #tpu.memory_space<semaphore_mem>>)
      %dma_wait3A_153 = tpu.memref_slice %arg10[%add3A_20] : memref<40960xf32, #tpu.memory_space<vmem_shared>> -> memref<640xf32, #tpu.memory_space<vmem_shared>>
      %dma_wait3A_154 = arith.constant 0 : i32
      %dma_wait3A_155 = tpu.memref_slice %arg2[%run_scoped3A_21, %dma_wait3A_154] : memref<4x10240xf32, #tpu.memory_space<hbm>> -> memref<1x10240xf32, #tpu.memory_space<hbm>>
      %dma_wait3A_156 = tpu.memref_squeeze %dma_wait3A_155 : memref<1x10240xf32, #tpu.memory_space<hbm>> -> memref<10240xf32, #tpu.memory_space<hbm>>
      %dma_wait3A_157 = tpu.memref_slice %dma_wait3A_156[%mul3A_16] : memref<10240xf32, #tpu.memory_space<hbm>> -> memref<640xf32, #tpu.memory_space<hbm>>
      tpu.wait_dma2 semaphore(%run_scoped3A_147 : memref<!tpu.dma_semaphore, #tpu.memory_space<semaphore_mem>>) src(%dma_wait3A_157 : memref<640xf32, #tpu.memory_space<hbm>>) dst(%dma_wait3A_153 : memref<640xf32, #tpu.memory_space<vmem_shared>>)
      tpu.yield
    }) : () -> ()
    %mul3A_22 = arith.constant 640 : i32
    %mul3A_23 = arith.muli %arg1, %mul3A_22 : i32
    %mul3A_24 = arith.constant 640 : i32
    %mul3A_25 = arith.muli %arg1, %mul3A_24 : i32
    %add3A_26 = arith.constant 30720 : i32
    %add3A_27 = arith.addi %add3A_26, %mul3A_25 : i32
    %run_scoped3A_28 = arith.constant 3 : i32
    "tpu.region"() ({
      %run_scoped3A_147 = tpu.sem_alloc : memref<!tpu.dma_semaphore, #tpu.memory_space<semaphore_mem>>
      %dma_start3A_148 = tpu.memref_slice %arg10[%add3A_27] : memref<40960xf32, #tpu.memory_space<vmem_shared>> -> memref<640xf32, #tpu.memory_space<vmem_shared>>
      %dma_start3A_149 = arith.constant 0 : i32
      %dma_start3A_150 = tpu.memref_slice %arg2[%run_scoped3A_28, %dma_start3A_149] : memref<4x10240xf32, #tpu.memory_space<hbm>> -> memref<1x10240xf32, #tpu.memory_space<hbm>>
      %dma_start3A_151 = tpu.memref_squeeze %dma_start3A_150 : memref<1x10240xf32, #tpu.memory_space<hbm>> -> memref<10240xf32, #tpu.memory_space<hbm>>
      %dma_start3A_152 = tpu.memref_slice %dma_start3A_151[%mul3A_23] : memref<10240xf32, #tpu.memory_space<hbm>> -> memref<640xf32, #tpu.memory_space<hbm>>
      tpu.enqueue_dma source(%dma_start3A_152 : memref<640xf32, #tpu.memory_space<hbm>>) target(%dma_start3A_148 : memref<640xf32, #tpu.memory_space<vmem_shared>>) target_semaphore(%run_scoped3A_147 : memref<!tpu.dma_semaphore, #tpu.memory_space<semaphore_mem>>)
      %dma_wait3A_153 = tpu.memref_slice %arg10[%add3A_27] : memref<40960xf32, #tpu.memory_space<vmem_shared>> -> memref<640xf32, #tpu.memory_space<vmem_shared>>
      %dma_wait3A_154 = arith.constant 0 : i32
      %dma_wait3A_155 = tpu.memref_slice %arg2[%run_scoped3A_28, %dma_wait3A_154] : memref<4x10240xf32, #tpu.memory_space<hbm>> -> memref<1x10240xf32, #tpu.memory_space<hbm>>
      %dma_wait3A_156 = tpu.memref_squeeze %dma_wait3A_155 : memref<1x10240xf32, #tpu.memory_space<hbm>> -> memref<10240xf32, #tpu.memory_space<hbm>>
      %dma_wait3A_157 = tpu.memref_slice %dma_wait3A_156[%mul3A_23] : memref<10240xf32, #tpu.memory_space<hbm>> -> memref<640xf32, #tpu.memory_space<hbm>>
      tpu.wait_dma2 semaphore(%run_scoped3A_147 : memref<!tpu.dma_semaphore, #tpu.memory_space<semaphore_mem>>) src(%dma_wait3A_157 : memref<640xf32, #tpu.memory_space<hbm>>) dst(%dma_wait3A_153 : memref<640xf32, #tpu.memory_space<vmem_shared>>)
      tpu.yield
    }) : () -> ()
    "tpu.region"() ({
      %run_scoped3A_147 = tpu.sem_alloc : memref<!tpu.dma_semaphore, #tpu.memory_space<semaphore_mem>>
      %dma_start3A_148 = arith.constant 0 : i32
      %dma_start3A_149 = arith.constant 0 : i32
      %dma_start3A_150 = arith.constant 0 : i32
      %dma_start3A_151 = tpu.memref_slice %arg3[%arg0, %dma_start3A_148, %dma_start3A_149, %dma_start3A_150] : memref<2x16x320x128xi32, #tpu.memory_space<hbm>> -> memref<1x16x320x128xi32, #tpu.memory_space<hbm>>
      %dma_start3A_152 = tpu.memref_squeeze %dma_start3A_151 : memref<1x16x320x128xi32, #tpu.memory_space<hbm>> -> memref<16x320x128xi32, #tpu.memory_space<hbm>>
      %dma_start3A_153 = arith.constant 0 : i32
      %dma_start3A_154 = arith.constant 0 : i32
      %dma_start3A_155 = tpu.memref_slice %dma_start3A_152[%arg1, %dma_start3A_153, %dma_start3A_154] : memref<16x320x128xi32, #tpu.memory_space<hbm>> -> memref<1x320x128xi32, #tpu.memory_space<hbm>>
      %dma_start3A_156 = tpu.memref_squeeze %dma_start3A_155 : memref<1x320x128xi32, #tpu.memory_space<hbm>> -> memref<320x128xi32, #tpu.memory_space<hbm>>
      %dma_start3A_157 = arith.constant 0 : i32
      %dma_start3A_158 = arith.constant 0 : i32
      %dma_start3A_159 = arith.constant 0 : i32
      %dma_start3A_160 = tpu.memref_slice %arg3[%arg0, %dma_start3A_157, %dma_start3A_158, %dma_start3A_159] : memref<2x16x320x128xi32, #tpu.memory_space<hbm>> -> memref<1x16x320x128xi32, #tpu.memory_space<hbm>>
      %dma_start3A_161 = tpu.memref_squeeze %dma_start3A_160 : memref<1x16x320x128xi32, #tpu.memory_space<hbm>> -> memref<16x320x128xi32, #tpu.memory_space<hbm>>
      %dma_start3A_162 = arith.constant 0 : i32
      %dma_start3A_163 = arith.constant 0 : i32
      %dma_start3A_164 = tpu.memref_slice %dma_start3A_161[%arg1, %dma_start3A_162, %dma_start3A_163] : memref<16x320x128xi32, #tpu.memory_space<hbm>> -> memref<1x320x128xi32, #tpu.memory_space<hbm>>
      %dma_start3A_165 = tpu.memref_squeeze %dma_start3A_164 : memref<1x320x128xi32, #tpu.memory_space<hbm>> -> memref<320x128xi32, #tpu.memory_space<hbm>>
      tpu.enqueue_dma source(%dma_start3A_165 : memref<320x128xi32, #tpu.memory_space<hbm>>) target(%arg7 : memref<320x128xi32, #tpu.memory_space<vmem>>) target_semaphore(%run_scoped3A_147 : memref<!tpu.dma_semaphore, #tpu.memory_space<semaphore_mem>>)
      %dma_wait3A_166 = arith.constant 0 : i32
      %dma_wait3A_167 = arith.constant 0 : i32
      %dma_wait3A_168 = arith.constant 0 : i32
      %dma_wait3A_169 = tpu.memref_slice %arg3[%arg0, %dma_wait3A_166, %dma_wait3A_167, %dma_wait3A_168] : memref<2x16x320x128xi32, #tpu.memory_space<hbm>> -> memref<1x16x320x128xi32, #tpu.memory_space<hbm>>
      %dma_wait3A_170 = tpu.memref_squeeze %dma_wait3A_169 : memref<1x16x320x128xi32, #tpu.memory_space<hbm>> -> memref<16x320x128xi32, #tpu.memory_space<hbm>>
      %dma_wait3A_171 = arith.constant 0 : i32
      %dma_wait3A_172 = arith.constant 0 : i32
      %dma_wait3A_173 = tpu.memref_slice %dma_wait3A_170[%arg1, %dma_wait3A_171, %dma_wait3A_172] : memref<16x320x128xi32, #tpu.memory_space<hbm>> -> memref<1x320x128xi32, #tpu.memory_space<hbm>>
      %dma_wait3A_174 = tpu.memref_squeeze %dma_wait3A_173 : memref<1x320x128xi32, #tpu.memory_space<hbm>> -> memref<320x128xi32, #tpu.memory_space<hbm>>
      %dma_wait3A_175 = arith.constant 0 : i32
      %dma_wait3A_176 = arith.constant 0 : i32
      %dma_wait3A_177 = arith.constant 0 : i32
      %dma_wait3A_178 = tpu.memref_slice %arg3[%arg0, %dma_wait3A_175, %dma_wait3A_176, %dma_wait3A_177] : memref<2x16x320x128xi32, #tpu.memory_space<hbm>> -> memref<1x16x320x128xi32, #tpu.memory_space<hbm>>
      %dma_wait3A_179 = tpu.memref_squeeze %dma_wait3A_178 : memref<1x16x320x128xi32, #tpu.memory_space<hbm>> -> memref<16x320x128xi32, #tpu.memory_space<hbm>>
      %dma_wait3A_180 = arith.constant 0 : i32
      %dma_wait3A_181 = arith.constant 0 : i32
      %dma_wait3A_182 = tpu.memref_slice %dma_wait3A_179[%arg1, %dma_wait3A_180, %dma_wait3A_181] : memref<16x320x128xi32, #tpu.memory_space<hbm>> -> memref<1x320x128xi32, #tpu.memory_space<hbm>>
      %dma_wait3A_183 = tpu.memref_squeeze %dma_wait3A_182 : memref<1x320x128xi32, #tpu.memory_space<hbm>> -> memref<320x128xi32, #tpu.memory_space<hbm>>
      tpu.wait_dma2 semaphore(%run_scoped3A_147 : memref<!tpu.dma_semaphore, #tpu.memory_space<semaphore_mem>>) src(%dma_wait3A_183 : memref<320x128xi32, #tpu.memory_space<hbm>>) dst(%arg7 : memref<320x128xi32, #tpu.memory_space<vmem>>)
      tpu.yield
    }) : () -> ()
    "tpu.region"() ({
      %run_scoped3A_147 = tpu.sem_alloc : memref<!tpu.dma_semaphore, #tpu.memory_space<semaphore_mem>>
      %dma_start3A_148 = arith.constant 0 : i32
      %dma_start3A_149 = arith.constant 0 : i32
      %dma_start3A_150 = arith.constant 0 : i32
      %dma_start3A_151 = tpu.memref_slice %arg4[%arg0, %dma_start3A_148, %dma_start3A_149, %dma_start3A_150] : memref<2x16x320x128xi32, #tpu.memory_space<hbm>> -> memref<1x16x320x128xi32, #tpu.memory_space<hbm>>
      %dma_start3A_152 = tpu.memref_squeeze %dma_start3A_151 : memref<1x16x320x128xi32, #tpu.memory_space<hbm>> -> memref<16x320x128xi32, #tpu.memory_space<hbm>>
      %dma_start3A_153 = arith.constant 0 : i32
      %dma_start3A_154 = arith.constant 0 : i32
      %dma_start3A_155 = tpu.memref_slice %dma_start3A_152[%arg1, %dma_start3A_153, %dma_start3A_154] : memref<16x320x128xi32, #tpu.memory_space<hbm>> -> memref<1x320x128xi32, #tpu.memory_space<hbm>>
      %dma_start3A_156 = tpu.memref_squeeze %dma_start3A_155 : memref<1x320x128xi32, #tpu.memory_space<hbm>> -> memref<320x128xi32, #tpu.memory_space<hbm>>
      %dma_start3A_157 = arith.constant 0 : i32
      %dma_start3A_158 = arith.constant 0 : i32
      %dma_start3A_159 = arith.constant 0 : i32
      %dma_start3A_160 = tpu.memref_slice %arg4[%arg0, %dma_start3A_157, %dma_start3A_158, %dma_start3A_159] : memref<2x16x320x128xi32, #tpu.memory_space<hbm>> -> memref<1x16x320x128xi32, #tpu.memory_space<hbm>>
      %dma_start3A_161 = tpu.memref_squeeze %dma_start3A_160 : memref<1x16x320x128xi32, #tpu.memory_space<hbm>> -> memref<16x320x128xi32, #tpu.memory_space<hbm>>
      %dma_start3A_162 = arith.constant 0 : i32
      %dma_start3A_163 = arith.constant 0 : i32
      %dma_start3A_164 = tpu.memref_slice %dma_start3A_161[%arg1, %dma_start3A_162, %dma_start3A_163] : memref<16x320x128xi32, #tpu.memory_space<hbm>> -> memref<1x320x128xi32, #tpu.memory_space<hbm>>
      %dma_start3A_165 = tpu.memref_squeeze %dma_start3A_164 : memref<1x320x128xi32, #tpu.memory_space<hbm>> -> memref<320x128xi32, #tpu.memory_space<hbm>>
      tpu.enqueue_dma source(%dma_start3A_165 : memref<320x128xi32, #tpu.memory_space<hbm>>) target(%arg8 : memref<320x128xi32, #tpu.memory_space<vmem>>) target_semaphore(%run_scoped3A_147 : memref<!tpu.dma_semaphore, #tpu.memory_space<semaphore_mem>>)
      %dma_wait3A_166 = arith.constant 0 : i32
      %dma_wait3A_167 = arith.constant 0 : i32
      %dma_wait3A_168 = arith.constant 0 : i32
      %dma_wait3A_169 = tpu.memref_slice %arg4[%arg0, %dma_wait3A_166, %dma_wait3A_167, %dma_wait3A_168] : memref<2x16x320x128xi32, #tpu.memory_space<hbm>> -> memref<1x16x320x128xi32, #tpu.memory_space<hbm>>
      %dma_wait3A_170 = tpu.memref_squeeze %dma_wait3A_169 : memref<1x16x320x128xi32, #tpu.memory_space<hbm>> -> memref<16x320x128xi32, #tpu.memory_space<hbm>>
      %dma_wait3A_171 = arith.constant 0 : i32
      %dma_wait3A_172 = arith.constant 0 : i32
      %dma_wait3A_173 = tpu.memref_slice %dma_wait3A_170[%arg1, %dma_wait3A_171, %dma_wait3A_172] : memref<16x320x128xi32, #tpu.memory_space<hbm>> -> memref<1x320x128xi32, #tpu.memory_space<hbm>>
      %dma_wait3A_174 = tpu.memref_squeeze %dma_wait3A_173 : memref<1x320x128xi32, #tpu.memory_space<hbm>> -> memref<320x128xi32, #tpu.memory_space<hbm>>
      %dma_wait3A_175 = arith.constant 0 : i32
      %dma_wait3A_176 = arith.constant 0 : i32
      %dma_wait3A_177 = arith.constant 0 : i32
      %dma_wait3A_178 = tpu.memref_slice %arg4[%arg0, %dma_wait3A_175, %dma_wait3A_176, %dma_wait3A_177] : memref<2x16x320x128xi32, #tpu.memory_space<hbm>> -> memref<1x16x320x128xi32, #tpu.memory_space<hbm>>
      %dma_wait3A_179 = tpu.memref_squeeze %dma_wait3A_178 : memref<1x16x320x128xi32, #tpu.memory_space<hbm>> -> memref<16x320x128xi32, #tpu.memory_space<hbm>>
      %dma_wait3A_180 = arith.constant 0 : i32
      %dma_wait3A_181 = arith.constant 0 : i32
      %dma_wait3A_182 = tpu.memref_slice %dma_wait3A_179[%arg1, %dma_wait3A_180, %dma_wait3A_181] : memref<16x320x128xi32, #tpu.memory_space<hbm>> -> memref<1x320x128xi32, #tpu.memory_space<hbm>>
      %dma_wait3A_183 = tpu.memref_squeeze %dma_wait3A_182 : memref<1x320x128xi32, #tpu.memory_space<hbm>> -> memref<320x128xi32, #tpu.memory_space<hbm>>
      tpu.wait_dma2 semaphore(%run_scoped3A_147 : memref<!tpu.dma_semaphore, #tpu.memory_space<semaphore_mem>>) src(%dma_wait3A_183 : memref<320x128xi32, #tpu.memory_space<hbm>>) dst(%arg8 : memref<320x128xi32, #tpu.memory_space<vmem>>)
      tpu.yield
    }) : () -> ()
    %barrier3A = arith.constant 0 : index
    tpu.barrier barrier_id(%barrier3A)
    %dma_start3A = arith.constant 0 : i32
    %dma_start3A_29 = arith.constant 0 : i32
    %dma_start3A_30 = arith.constant 0 : i32
    %dma_start3A_31 = tpu.memref_slice %arg9[%dma_start3A_29, %dma_start3A_30] : memref<8x128xf32, #tpu.memory_space<vmem>> -> memref<1x128xf32, #tpu.memory_space<vmem>>
    %dma_start3A_32 = tpu.memref_squeeze %dma_start3A_31 : memref<1x128xf32, #tpu.memory_space<vmem>> -> memref<128xf32, #tpu.memory_space<vmem>>
    %dma_start3A_33 = arith.constant 0 : i32
    %dma_start3A_34 = tpu.memref_slice %arg7[%dma_start3A, %dma_start3A_33] : memref<320x128xi32, #tpu.memory_space<vmem>> -> memref<1x128xi32, #tpu.memory_space<vmem>>
    %dma_start3A_35 = tpu.memref_squeeze %dma_start3A_34 : memref<1x128xi32, #tpu.memory_space<vmem>> -> memref<128xi32, #tpu.memory_space<vmem>>
    %dma_start3A_36 = arith.constant 0 : i32
    %dma_start3A_37 = tpu.memref_slice %arg10[%dma_start3A_36] : memref<40960xf32, #tpu.memory_space<vmem_shared>> -> memref<40960xf32, #tpu.memory_space<vmem_shared>>
    tpu.enqueue_indirect_dma source(%dma_start3A_37 : memref<40960xf32, #tpu.memory_space<vmem_shared>>) target(%dma_start3A_32 : memref<128xf32, #tpu.memory_space<vmem>>) offsets(%dma_start3A_35 : memref<128xi32, #tpu.memory_space<vmem>>) semaphore(%arg12 : memref<!tpu.dma_semaphore, #tpu.memory_space<semaphore_mem>>)
    %dma_start3A_38 = arith.constant 1 : i32
    %dma_start3A_39 = arith.constant 1 : i32
    %dma_start3A_40 = arith.constant 0 : i32
    %dma_start3A_41 = tpu.memref_slice %arg9[%dma_start3A_39, %dma_start3A_40] : memref<8x128xf32, #tpu.memory_space<vmem>> -> memref<1x128xf32, #tpu.memory_space<vmem>>
    %dma_start3A_42 = tpu.memref_squeeze %dma_start3A_41 : memref<1x128xf32, #tpu.memory_space<vmem>> -> memref<128xf32, #tpu.memory_space<vmem>>
    %dma_start3A_43 = arith.constant 0 : i32
    %dma_start3A_44 = tpu.memref_slice %arg7[%dma_start3A_38, %dma_start3A_43] : memref<320x128xi32, #tpu.memory_space<vmem>> -> memref<1x128xi32, #tpu.memory_space<vmem>>
    %dma_start3A_45 = tpu.memref_squeeze %dma_start3A_44 : memref<1x128xi32, #tpu.memory_space<vmem>> -> memref<128xi32, #tpu.memory_space<vmem>>
    %dma_start3A_46 = arith.constant 0 : i32
    %dma_start3A_47 = tpu.memref_slice %arg10[%dma_start3A_46] : memref<40960xf32, #tpu.memory_space<vmem_shared>> -> memref<40960xf32, #tpu.memory_space<vmem_shared>>
    tpu.enqueue_indirect_dma source(%dma_start3A_47 : memref<40960xf32, #tpu.memory_space<vmem_shared>>) target(%dma_start3A_42 : memref<128xf32, #tpu.memory_space<vmem>>) offsets(%dma_start3A_45 : memref<128xi32, #tpu.memory_space<vmem>>) semaphore(%arg12 : memref<!tpu.dma_semaphore, #tpu.memory_space<semaphore_mem>>)
    %dma_start3A_48 = arith.constant 2 : i32
    %dma_start3A_49 = arith.constant 2 : i32
    %dma_start3A_50 = arith.constant 0 : i32
    %dma_start3A_51 = tpu.memref_slice %arg9[%dma_start3A_49, %dma_start3A_50] : memref<8x128xf32, #tpu.memory_space<vmem>> -> memref<1x128xf32, #tpu.memory_space<vmem>>
    %dma_start3A_52 = tpu.memref_squeeze %dma_start3A_51 : memref<1x128xf32, #tpu.memory_space<vmem>> -> memref<128xf32, #tpu.memory_space<vmem>>
    %dma_start3A_53 = arith.constant 0 : i32
    %dma_start3A_54 = tpu.memref_slice %arg7[%dma_start3A_48, %dma_start3A_53] : memref<320x128xi32, #tpu.memory_space<vmem>> -> memref<1x128xi32, #tpu.memory_space<vmem>>
    %dma_start3A_55 = tpu.memref_squeeze %dma_start3A_54 : memref<1x128xi32, #tpu.memory_space<vmem>> -> memref<128xi32, #tpu.memory_space<vmem>>
    %dma_start3A_56 = arith.constant 0 : i32
    %dma_start3A_57 = tpu.memref_slice %arg10[%dma_start3A_56] : memref<40960xf32, #tpu.memory_space<vmem_shared>> -> memref<40960xf32, #tpu.memory_space<vmem_shared>>
    tpu.enqueue_indirect_dma source(%dma_start3A_57 : memref<40960xf32, #tpu.memory_space<vmem_shared>>) target(%dma_start3A_52 : memref<128xf32, #tpu.memory_space<vmem>>) offsets(%dma_start3A_55 : memref<128xi32, #tpu.memory_space<vmem>>) semaphore(%arg12 : memref<!tpu.dma_semaphore, #tpu.memory_space<semaphore_mem>>)
    %dma_start3A_58 = arith.constant 3 : i32
    %dma_start3A_59 = arith.constant 3 : i32
    %dma_start3A_60 = arith.constant 0 : i32
    %dma_start3A_61 = tpu.memref_slice %arg9[%dma_start3A_59, %dma_start3A_60] : memref<8x128xf32, #tpu.memory_space<vmem>> -> memref<1x128xf32, #tpu.memory_space<vmem>>
    %dma_start3A_62 = tpu.memref_squeeze %dma_start3A_61 : memref<1x128xf32, #tpu.memory_space<vmem>> -> memref<128xf32, #tpu.memory_space<vmem>>
    %dma_start3A_63 = arith.constant 0 : i32
    %dma_start3A_64 = tpu.memref_slice %arg7[%dma_start3A_58, %dma_start3A_63] : memref<320x128xi32, #tpu.memory_space<vmem>> -> memref<1x128xi32, #tpu.memory_space<vmem>>
    %dma_start3A_65 = tpu.memref_squeeze %dma_start3A_64 : memref<1x128xi32, #tpu.memory_space<vmem>> -> memref<128xi32, #tpu.memory_space<vmem>>
    %dma_start3A_66 = arith.constant 0 : i32
    %dma_start3A_67 = tpu.memref_slice %arg10[%dma_start3A_66] : memref<40960xf32, #tpu.memory_space<vmem_shared>> -> memref<40960xf32, #tpu.memory_space<vmem_shared>>
    tpu.enqueue_indirect_dma source(%dma_start3A_67 : memref<40960xf32, #tpu.memory_space<vmem_shared>>) target(%dma_start3A_62 : memref<128xf32, #tpu.memory_space<vmem>>) offsets(%dma_start3A_65 : memref<128xi32, #tpu.memory_space<vmem>>) semaphore(%arg12 : memref<!tpu.dma_semaphore, #tpu.memory_space<semaphore_mem>>)
    %scan3A = arith.constant 0 : i32
    %scan3A_68 = arith.constant 320 : i32
    %scan3A_69 = arith.addi %scan3A, %scan3A_68 : i32
    %scan3A_70 = arith.constant 1 : i32
    scf.for %scan3A_147 = %scan3A to %scan3A_69 step %scan3A_70  : i32 {
      %rem3A_148 = arith.constant 8 : i32
      %rem3A_149 = arith.remsi %scan3A_147, %rem3A_148 : i32
      %add3A_150 = arith.constant 4 : i32
      %add3A_151 = arith.addi %scan3A_147, %add3A_150 : i32
      %rem3A_152 = arith.constant 8 : i32
      %rem3A_153 = arith.remsi %add3A_151, %rem3A_152 : i32
      %ge3A = arith.constant 4 : i32
      %ge3A_154 = arith.cmpi sge, %scan3A_147, %ge3A : i32
      %convert_element_type3A = arith.extui %ge3A_154 : i1 to i32
      %cond3A = arith.constant 0 : i32
      %cond3A_155 = arith.cmpi ne, %convert_element_type3A, %cond3A : i32
      scf.if %cond3A_155 {
        %sub3A = arith.constant 4 : i32
        %sub3A_178 = arith.subi %scan3A_147, %sub3A : i32
        %dma_wait3A_179 = arith.constant 0 : i32
        %dma_wait3A_180 = tpu.memref_slice %arg9[%rem3A_153, %dma_wait3A_179] : memref<8x128xf32, #tpu.memory_space<vmem>> -> memref<1x128xf32, #tpu.memory_space<vmem>>
        %dma_wait3A_181 = tpu.memref_squeeze %dma_wait3A_180 : memref<1x128xf32, #tpu.memory_space<vmem>> -> memref<128xf32, #tpu.memory_space<vmem>>
        %dma_wait3A_182 = arith.constant 0 : i32
        %dma_wait3A_183 = tpu.memref_slice %arg8[%sub3A_178, %dma_wait3A_182] : memref<320x128xi32, #tpu.memory_space<vmem>> -> memref<1x128xi32, #tpu.memory_space<vmem>>
        %dma_wait3A_184 = tpu.memref_squeeze %dma_wait3A_183 : memref<1x128xi32, #tpu.memory_space<vmem>> -> memref<128xi32, #tpu.memory_space<vmem>>
        %dma_wait3A_185 = arith.constant 0 : i32
        %dma_wait3A_186 = tpu.memref_slice %arg11[%dma_wait3A_185] : memref<40960xf32, #tpu.memory_space<vmem_shared>> -> memref<40960xf32, #tpu.memory_space<vmem_shared>>
        tpu.wait_indirect_dma semaphore(%arg13 : memref<!tpu.dma_semaphore, #tpu.memory_space<semaphore_mem>>) src(%dma_wait3A_181 : memref<128xf32, #tpu.memory_space<vmem>>) dst(%dma_wait3A_186 : memref<40960xf32, #tpu.memory_space<vmem_shared>>)
      } else {
      }
      %add3A_156 = arith.constant 4 : i32
      %add3A_157 = arith.addi %scan3A_147, %add3A_156 : i32
      %lt3A = arith.constant 320 : i32
      %lt3A_158 = arith.cmpi slt, %add3A_157, %lt3A : i32
      %convert_element_type3A_159 = arith.extui %lt3A_158 : i1 to i32
      %cond3A_160 = arith.constant 0 : i32
      %cond3A_161 = arith.cmpi ne, %convert_element_type3A_159, %cond3A_160 : i32
      scf.if %cond3A_161 {
        %add3A_178 = arith.constant 4 : i32
        %add3A_179 = arith.addi %scan3A_147, %add3A_178 : i32
        %dma_start3A_180 = arith.constant 0 : i32
        %dma_start3A_181 = tpu.memref_slice %arg9[%rem3A_153, %dma_start3A_180] : memref<8x128xf32, #tpu.memory_space<vmem>> -> memref<1x128xf32, #tpu.memory_space<vmem>>
        %dma_start3A_182 = tpu.memref_squeeze %dma_start3A_181 : memref<1x128xf32, #tpu.memory_space<vmem>> -> memref<128xf32, #tpu.memory_space<vmem>>
        %dma_start3A_183 = arith.constant 0 : i32
        %dma_start3A_184 = tpu.memref_slice %arg7[%add3A_179, %dma_start3A_183] : memref<320x128xi32, #tpu.memory_space<vmem>> -> memref<1x128xi32, #tpu.memory_space<vmem>>
        %dma_start3A_185 = tpu.memref_squeeze %dma_start3A_184 : memref<1x128xi32, #tpu.memory_space<vmem>> -> memref<128xi32, #tpu.memory_space<vmem>>
        %dma_start3A_186 = arith.constant 0 : i32
        %dma_start3A_187 = tpu.memref_slice %arg10[%dma_start3A_186] : memref<40960xf32, #tpu.memory_space<vmem_shared>> -> memref<40960xf32, #tpu.memory_space<vmem_shared>>
        tpu.enqueue_indirect_dma source(%dma_start3A_187 : memref<40960xf32, #tpu.memory_space<vmem_shared>>) target(%dma_start3A_182 : memref<128xf32, #tpu.memory_space<vmem>>) offsets(%dma_start3A_185 : memref<128xi32, #tpu.memory_space<vmem>>) semaphore(%arg12 : memref<!tpu.dma_semaphore, #tpu.memory_space<semaphore_mem>>)
      } else {
      }
      %dma_wait3A_162 = arith.constant 0 : i32
      %dma_wait3A_163 = tpu.memref_slice %arg9[%rem3A_149, %dma_wait3A_162] : memref<8x128xf32, #tpu.memory_space<vmem>> -> memref<1x128xf32, #tpu.memory_space<vmem>>
      %dma_wait3A_164 = tpu.memref_squeeze %dma_wait3A_163 : memref<1x128xf32, #tpu.memory_space<vmem>> -> memref<128xf32, #tpu.memory_space<vmem>>
      %dma_wait3A_165 = arith.constant 0 : i32
      %dma_wait3A_166 = tpu.memref_slice %arg7[%scan3A_147, %dma_wait3A_165] : memref<320x128xi32, #tpu.memory_space<vmem>> -> memref<1x128xi32, #tpu.memory_space<vmem>>
      %dma_wait3A_167 = tpu.memref_squeeze %dma_wait3A_166 : memref<1x128xi32, #tpu.memory_space<vmem>> -> memref<128xi32, #tpu.memory_space<vmem>>
      %dma_wait3A_168 = arith.constant 0 : i32
      %dma_wait3A_169 = tpu.memref_slice %arg10[%dma_wait3A_168] : memref<40960xf32, #tpu.memory_space<vmem_shared>> -> memref<40960xf32, #tpu.memory_space<vmem_shared>>
      tpu.wait_indirect_dma semaphore(%arg12 : memref<!tpu.dma_semaphore, #tpu.memory_space<semaphore_mem>>) src(%dma_wait3A_169 : memref<40960xf32, #tpu.memory_space<vmem_shared>>) dst(%dma_wait3A_164 : memref<128xf32, #tpu.memory_space<vmem>>)
      %dma_start3A_170 = arith.constant 0 : i32
      %dma_start3A_171 = tpu.memref_slice %arg9[%rem3A_149, %dma_start3A_170] : memref<8x128xf32, #tpu.memory_space<vmem>> -> memref<1x128xf32, #tpu.memory_space<vmem>>
      %dma_start3A_172 = tpu.memref_squeeze %dma_start3A_171 : memref<1x128xf32, #tpu.memory_space<vmem>> -> memref<128xf32, #tpu.memory_space<vmem>>
      %dma_start3A_173 = arith.constant 0 : i32
      %dma_start3A_174 = tpu.memref_slice %arg8[%scan3A_147, %dma_start3A_173] : memref<320x128xi32, #tpu.memory_space<vmem>> -> memref<1x128xi32, #tpu.memory_space<vmem>>
      %dma_start3A_175 = tpu.memref_squeeze %dma_start3A_174 : memref<1x128xi32, #tpu.memory_space<vmem>> -> memref<128xi32, #tpu.memory_space<vmem>>
      %dma_start3A_176 = arith.constant 0 : i32
      %dma_start3A_177 = tpu.memref_slice %arg11[%dma_start3A_176] : memref<40960xf32, #tpu.memory_space<vmem_shared>> -> memref<40960xf32, #tpu.memory_space<vmem_shared>>
      tpu.enqueue_indirect_dma source(%dma_start3A_172 : memref<128xf32, #tpu.memory_space<vmem>>) target(%dma_start3A_177 : memref<40960xf32, #tpu.memory_space<vmem_shared>>) offsets(%dma_start3A_175 : memref<128xi32, #tpu.memory_space<vmem>>) semaphore(%arg13 : memref<!tpu.dma_semaphore, #tpu.memory_space<semaphore_mem>>) {add = true}
    }
    %scan3A_71 = arith.constant 320 : i32
    %rem3A = arith.constant 316 : i32
    %rem3A_72 = arith.constant 8 : i32
    %rem3A_73 = arith.remsi %rem3A, %rem3A_72 : i32
    %dma_wait3A = arith.constant 316 : i32
    %dma_wait3A_74 = arith.constant 0 : i32
    %dma_wait3A_75 = tpu.memref_slice %arg9[%rem3A_73, %dma_wait3A_74] : memref<8x128xf32, #tpu.memory_space<vmem>> -> memref<1x128xf32, #tpu.memory_space<vmem>>
    %dma_wait3A_76 = tpu.memref_squeeze %dma_wait3A_75 : memref<1x128xf32, #tpu.memory_space<vmem>> -> memref<128xf32, #tpu.memory_space<vmem>>
    %dma_wait3A_77 = arith.constant 0 : i32
    %dma_wait3A_78 = tpu.memref_slice %arg8[%dma_wait3A, %dma_wait3A_77] : memref<320x128xi32, #tpu.memory_space<vmem>> -> memref<1x128xi32, #tpu.memory_space<vmem>>
    %dma_wait3A_79 = tpu.memref_squeeze %dma_wait3A_78 : memref<1x128xi32, #tpu.memory_space<vmem>> -> memref<128xi32, #tpu.memory_space<vmem>>
    %dma_wait3A_80 = arith.constant 0 : i32
    %dma_wait3A_81 = tpu.memref_slice %arg11[%dma_wait3A_80] : memref<40960xf32, #tpu.memory_space<vmem_shared>> -> memref<40960xf32, #tpu.memory_space<vmem_shared>>
    tpu.wait_indirect_dma semaphore(%arg13 : memref<!tpu.dma_semaphore, #tpu.memory_space<semaphore_mem>>) src(%dma_wait3A_76 : memref<128xf32, #tpu.memory_space<vmem>>) dst(%dma_wait3A_81 : memref<40960xf32, #tpu.memory_space<vmem_shared>>)
    %rem3A_82 = arith.constant 317 : i32
    %rem3A_83 = arith.constant 8 : i32
    %rem3A_84 = arith.remsi %rem3A_82, %rem3A_83 : i32
    %dma_wait3A_85 = arith.constant 317 : i32
    %dma_wait3A_86 = arith.constant 0 : i32
    %dma_wait3A_87 = tpu.memref_slice %arg9[%rem3A_84, %dma_wait3A_86] : memref<8x128xf32, #tpu.memory_space<vmem>> -> memref<1x128xf32, #tpu.memory_space<vmem>>
    %dma_wait3A_88 = tpu.memref_squeeze %dma_wait3A_87 : memref<1x128xf32, #tpu.memory_space<vmem>> -> memref<128xf32, #tpu.memory_space<vmem>>
    %dma_wait3A_89 = arith.constant 0 : i32
    %dma_wait3A_90 = tpu.memref_slice %arg8[%dma_wait3A_85, %dma_wait3A_89] : memref<320x128xi32, #tpu.memory_space<vmem>> -> memref<1x128xi32, #tpu.memory_space<vmem>>
    %dma_wait3A_91 = tpu.memref_squeeze %dma_wait3A_90 : memref<1x128xi32, #tpu.memory_space<vmem>> -> memref<128xi32, #tpu.memory_space<vmem>>
    %dma_wait3A_92 = arith.constant 0 : i32
    %dma_wait3A_93 = tpu.memref_slice %arg11[%dma_wait3A_92] : memref<40960xf32, #tpu.memory_space<vmem_shared>> -> memref<40960xf32, #tpu.memory_space<vmem_shared>>
    tpu.wait_indirect_dma semaphore(%arg13 : memref<!tpu.dma_semaphore, #tpu.memory_space<semaphore_mem>>) src(%dma_wait3A_88 : memref<128xf32, #tpu.memory_space<vmem>>) dst(%dma_wait3A_93 : memref<40960xf32, #tpu.memory_space<vmem_shared>>)
    %rem3A_94 = arith.constant 318 : i32
    %rem3A_95 = arith.constant 8 : i32
    %rem3A_96 = arith.remsi %rem3A_94, %rem3A_95 : i32
    %dma_wait3A_97 = arith.constant 318 : i32
    %dma_wait3A_98 = arith.constant 0 : i32
    %dma_wait3A_99 = tpu.memref_slice %arg9[%rem3A_96, %dma_wait3A_98] : memref<8x128xf32, #tpu.memory_space<vmem>> -> memref<1x128xf32, #tpu.memory_space<vmem>>
    %dma_wait3A_100 = tpu.memref_squeeze %dma_wait3A_99 : memref<1x128xf32, #tpu.memory_space<vmem>> -> memref<128xf32, #tpu.memory_space<vmem>>
    %dma_wait3A_101 = arith.constant 0 : i32
    %dma_wait3A_102 = tpu.memref_slice %arg8[%dma_wait3A_97, %dma_wait3A_101] : memref<320x128xi32, #tpu.memory_space<vmem>> -> memref<1x128xi32, #tpu.memory_space<vmem>>
    %dma_wait3A_103 = tpu.memref_squeeze %dma_wait3A_102 : memref<1x128xi32, #tpu.memory_space<vmem>> -> memref<128xi32, #tpu.memory_space<vmem>>
    %dma_wait3A_104 = arith.constant 0 : i32
    %dma_wait3A_105 = tpu.memref_slice %arg11[%dma_wait3A_104] : memref<40960xf32, #tpu.memory_space<vmem_shared>> -> memref<40960xf32, #tpu.memory_space<vmem_shared>>
    tpu.wait_indirect_dma semaphore(%arg13 : memref<!tpu.dma_semaphore, #tpu.memory_space<semaphore_mem>>) src(%dma_wait3A_100 : memref<128xf32, #tpu.memory_space<vmem>>) dst(%dma_wait3A_105 : memref<40960xf32, #tpu.memory_space<vmem_shared>>)
    %rem3A_106 = arith.constant 319 : i32
    %rem3A_107 = arith.constant 8 : i32
    %rem3A_108 = arith.remsi %rem3A_106, %rem3A_107 : i32
    %dma_wait3A_109 = arith.constant 319 : i32
    %dma_wait3A_110 = arith.constant 0 : i32
    %dma_wait3A_111 = tpu.memref_slice %arg9[%rem3A_108, %dma_wait3A_110] : memref<8x128xf32, #tpu.memory_space<vmem>> -> memref<1x128xf32, #tpu.memory_space<vmem>>
    %dma_wait3A_112 = tpu.memref_squeeze %dma_wait3A_111 : memref<1x128xf32, #tpu.memory_space<vmem>> -> memref<128xf32, #tpu.memory_space<vmem>>
    %dma_wait3A_113 = arith.constant 0 : i32
    %dma_wait3A_114 = tpu.memref_slice %arg8[%dma_wait3A_109, %dma_wait3A_113] : memref<320x128xi32, #tpu.memory_space<vmem>> -> memref<1x128xi32, #tpu.memory_space<vmem>>
    %dma_wait3A_115 = tpu.memref_squeeze %dma_wait3A_114 : memref<1x128xi32, #tpu.memory_space<vmem>> -> memref<128xi32, #tpu.memory_space<vmem>>
    %dma_wait3A_116 = arith.constant 0 : i32
    %dma_wait3A_117 = tpu.memref_slice %arg11[%dma_wait3A_116] : memref<40960xf32, #tpu.memory_space<vmem_shared>> -> memref<40960xf32, #tpu.memory_space<vmem_shared>>
    tpu.wait_indirect_dma semaphore(%arg13 : memref<!tpu.dma_semaphore, #tpu.memory_space<semaphore_mem>>) src(%dma_wait3A_112 : memref<128xf32, #tpu.memory_space<vmem>>) dst(%dma_wait3A_117 : memref<40960xf32, #tpu.memory_space<vmem_shared>>)
    %barrier3A_118 = arith.constant 0 : index
    tpu.barrier barrier_id(%barrier3A_118)
    %mul3A_119 = arith.constant 640 : i32
    %mul3A_120 = arith.muli %arg1, %mul3A_119 : i32
    %add3A_121 = arith.constant 0 : i32
    %add3A_122 = arith.addi %add3A_121, %mul3A_120 : i32
    %mul3A_123 = arith.constant 640 : i32
    %mul3A_124 = arith.muli %arg1, %mul3A_123 : i32
    %run_scoped3A_125 = arith.constant 0 : i32
    "tpu.region"() ({
      %run_scoped3A_147 = tpu.sem_alloc : memref<!tpu.dma_semaphore, #tpu.memory_space<semaphore_mem>>
      %dma_start3A_148 = arith.constant 0 : i32
      %dma_start3A_149 = arith.constant 0 : i32
      %dma_start3A_150 = tpu.memref_slice %arg6[%arg0, %dma_start3A_148, %dma_start3A_149] : memref<2x4x10240xf32, #tpu.memory_space<hbm>> -> memref<1x4x10240xf32, #tpu.memory_space<hbm>>
      %dma_start3A_151 = tpu.memref_squeeze %dma_start3A_150 : memref<1x4x10240xf32, #tpu.memory_space<hbm>> -> memref<4x10240xf32, #tpu.memory_space<hbm>>
      %dma_start3A_152 = arith.constant 0 : i32
      %dma_start3A_153 = tpu.memref_slice %dma_start3A_151[%run_scoped3A_125, %dma_start3A_152] : memref<4x10240xf32, #tpu.memory_space<hbm>> -> memref<1x10240xf32, #tpu.memory_space<hbm>>
      %dma_start3A_154 = tpu.memref_squeeze %dma_start3A_153 : memref<1x10240xf32, #tpu.memory_space<hbm>> -> memref<10240xf32, #tpu.memory_space<hbm>>
      %dma_start3A_155 = tpu.memref_slice %dma_start3A_154[%mul3A_124] : memref<10240xf32, #tpu.memory_space<hbm>> -> memref<640xf32, #tpu.memory_space<hbm>>
      %dma_start3A_156 = tpu.memref_slice %arg11[%add3A_122] : memref<40960xf32, #tpu.memory_space<vmem_shared>> -> memref<640xf32, #tpu.memory_space<vmem_shared>>
      tpu.enqueue_dma source(%dma_start3A_156 : memref<640xf32, #tpu.memory_space<vmem_shared>>) target(%dma_start3A_155 : memref<640xf32, #tpu.memory_space<hbm>>) target_semaphore(%run_scoped3A_147 : memref<!tpu.dma_semaphore, #tpu.memory_space<semaphore_mem>>)
      %dma_wait3A_157 = arith.constant 0 : i32
      %dma_wait3A_158 = arith.constant 0 : i32
      %dma_wait3A_159 = tpu.memref_slice %arg6[%arg0, %dma_wait3A_157, %dma_wait3A_158] : memref<2x4x10240xf32, #tpu.memory_space<hbm>> -> memref<1x4x10240xf32, #tpu.memory_space<hbm>>
      %dma_wait3A_160 = tpu.memref_squeeze %dma_wait3A_159 : memref<1x4x10240xf32, #tpu.memory_space<hbm>> -> memref<4x10240xf32, #tpu.memory_space<hbm>>
      %dma_wait3A_161 = arith.constant 0 : i32
      %dma_wait3A_162 = tpu.memref_slice %dma_wait3A_160[%run_scoped3A_125, %dma_wait3A_161] : memref<4x10240xf32, #tpu.memory_space<hbm>> -> memref<1x10240xf32, #tpu.memory_space<hbm>>
      %dma_wait3A_163 = tpu.memref_squeeze %dma_wait3A_162 : memref<1x10240xf32, #tpu.memory_space<hbm>> -> memref<10240xf32, #tpu.memory_space<hbm>>
      %dma_wait3A_164 = tpu.memref_slice %dma_wait3A_163[%mul3A_124] : memref<10240xf32, #tpu.memory_space<hbm>> -> memref<640xf32, #tpu.memory_space<hbm>>
      %dma_wait3A_165 = tpu.memref_slice %arg11[%add3A_122] : memref<40960xf32, #tpu.memory_space<vmem_shared>> -> memref<640xf32, #tpu.memory_space<vmem_shared>>
      tpu.wait_dma2 semaphore(%run_scoped3A_147 : memref<!tpu.dma_semaphore, #tpu.memory_space<semaphore_mem>>) src(%dma_wait3A_165 : memref<640xf32, #tpu.memory_space<vmem_shared>>) dst(%dma_wait3A_164 : memref<640xf32, #tpu.memory_space<hbm>>)
      tpu.yield
    }) : () -> ()
    %mul3A_126 = arith.constant 640 : i32
    %mul3A_127 = arith.muli %arg1, %mul3A_126 : i32
    %add3A_128 = arith.constant 10240 : i32
    %add3A_129 = arith.addi %add3A_128, %mul3A_127 : i32
    %mul3A_130 = arith.constant 640 : i32
    %mul3A_131 = arith.muli %arg1, %mul3A_130 : i32
    %run_scoped3A_132 = arith.constant 1 : i32
    "tpu.region"() ({
      %run_scoped3A_147 = tpu.sem_alloc : memref<!tpu.dma_semaphore, #tpu.memory_space<semaphore_mem>>
      %dma_start3A_148 = arith.constant 0 : i32
      %dma_start3A_149 = arith.constant 0 : i32
      %dma_start3A_150 = tpu.memref_slice %arg6[%arg0, %dma_start3A_148, %dma_start3A_149] : memref<2x4x10240xf32, #tpu.memory_space<hbm>> -> memref<1x4x10240xf32, #tpu.memory_space<hbm>>
      %dma_start3A_151 = tpu.memref_squeeze %dma_start3A_150 : memref<1x4x10240xf32, #tpu.memory_space<hbm>> -> memref<4x10240xf32, #tpu.memory_space<hbm>>
      %dma_start3A_152 = arith.constant 0 : i32
      %dma_start3A_153 = tpu.memref_slice %dma_start3A_151[%run_scoped3A_132, %dma_start3A_152] : memref<4x10240xf32, #tpu.memory_space<hbm>> -> memref<1x10240xf32, #tpu.memory_space<hbm>>
      %dma_start3A_154 = tpu.memref_squeeze %dma_start3A_153 : memref<1x10240xf32, #tpu.memory_space<hbm>> -> memref<10240xf32, #tpu.memory_space<hbm>>
      %dma_start3A_155 = tpu.memref_slice %dma_start3A_154[%mul3A_131] : memref<10240xf32, #tpu.memory_space<hbm>> -> memref<640xf32, #tpu.memory_space<hbm>>
      %dma_start3A_156 = tpu.memref_slice %arg11[%add3A_129] : memref<40960xf32, #tpu.memory_space<vmem_shared>> -> memref<640xf32, #tpu.memory_space<vmem_shared>>
      tpu.enqueue_dma source(%dma_start3A_156 : memref<640xf32, #tpu.memory_space<vmem_shared>>) target(%dma_start3A_155 : memref<640xf32, #tpu.memory_space<hbm>>) target_semaphore(%run_scoped3A_147 : memref<!tpu.dma_semaphore, #tpu.memory_space<semaphore_mem>>)
      %dma_wait3A_157 = arith.constant 0 : i32
      %dma_wait3A_158 = arith.constant 0 : i32
      %dma_wait3A_159 = tpu.memref_slice %arg6[%arg0, %dma_wait3A_157, %dma_wait3A_158] : memref<2x4x10240xf32, #tpu.memory_space<hbm>> -> memref<1x4x10240xf32, #tpu.memory_space<hbm>>
      %dma_wait3A_160 = tpu.memref_squeeze %dma_wait3A_159 : memref<1x4x10240xf32, #tpu.memory_space<hbm>> -> memref<4x10240xf32, #tpu.memory_space<hbm>>
      %dma_wait3A_161 = arith.constant 0 : i32
      %dma_wait3A_162 = tpu.memref_slice %dma_wait3A_160[%run_scoped3A_132, %dma_wait3A_161] : memref<4x10240xf32, #tpu.memory_space<hbm>> -> memref<1x10240xf32, #tpu.memory_space<hbm>>
      %dma_wait3A_163 = tpu.memref_squeeze %dma_wait3A_162 : memref<1x10240xf32, #tpu.memory_space<hbm>> -> memref<10240xf32, #tpu.memory_space<hbm>>
      %dma_wait3A_164 = tpu.memref_slice %dma_wait3A_163[%mul3A_131] : memref<10240xf32, #tpu.memory_space<hbm>> -> memref<640xf32, #tpu.memory_space<hbm>>
      %dma_wait3A_165 = tpu.memref_slice %arg11[%add3A_129] : memref<40960xf32, #tpu.memory_space<vmem_shared>> -> memref<640xf32, #tpu.memory_space<vmem_shared>>
      tpu.wait_dma2 semaphore(%run_scoped3A_147 : memref<!tpu.dma_semaphore, #tpu.memory_space<semaphore_mem>>) src(%dma_wait3A_165 : memref<640xf32, #tpu.memory_space<vmem_shared>>) dst(%dma_wait3A_164 : memref<640xf32, #tpu.memory_space<hbm>>)
      tpu.yield
    }) : () -> ()
    %mul3A_133 = arith.constant 640 : i32
    %mul3A_134 = arith.muli %arg1, %mul3A_133 : i32
    %add3A_135 = arith.constant 20480 : i32
    %add3A_136 = arith.addi %add3A_135, %mul3A_134 : i32
    %mul3A_137 = arith.constant 640 : i32
    %mul3A_138 = arith.muli %arg1, %mul3A_137 : i32
    %run_scoped3A_139 = arith.constant 2 : i32
    "tpu.region"() ({
      %run_scoped3A_147 = tpu.sem_alloc : memref<!tpu.dma_semaphore, #tpu.memory_space<semaphore_mem>>
      %dma_start3A_148 = arith.constant 0 : i32
      %dma_start3A_149 = arith.constant 0 : i32
      %dma_start3A_150 = tpu.memref_slice %arg6[%arg0, %dma_start3A_148, %dma_start3A_149] : memref<2x4x10240xf32, #tpu.memory_space<hbm>> -> memref<1x4x10240xf32, #tpu.memory_space<hbm>>
      %dma_start3A_151 = tpu.memref_squeeze %dma_start3A_150 : memref<1x4x10240xf32, #tpu.memory_space<hbm>> -> memref<4x10240xf32, #tpu.memory_space<hbm>>
      %dma_start3A_152 = arith.constant 0 : i32
      %dma_start3A_153 = tpu.memref_slice %dma_start3A_151[%run_scoped3A_139, %dma_start3A_152] : memref<4x10240xf32, #tpu.memory_space<hbm>> -> memref<1x10240xf32, #tpu.memory_space<hbm>>
      %dma_start3A_154 = tpu.memref_squeeze %dma_start3A_153 : memref<1x10240xf32, #tpu.memory_space<hbm>> -> memref<10240xf32, #tpu.memory_space<hbm>>
      %dma_start3A_155 = tpu.memref_slice %dma_start3A_154[%mul3A_138] : memref<10240xf32, #tpu.memory_space<hbm>> -> memref<640xf32, #tpu.memory_space<hbm>>
      %dma_start3A_156 = tpu.memref_slice %arg11[%add3A_136] : memref<40960xf32, #tpu.memory_space<vmem_shared>> -> memref<640xf32, #tpu.memory_space<vmem_shared>>
      tpu.enqueue_dma source(%dma_start3A_156 : memref<640xf32, #tpu.memory_space<vmem_shared>>) target(%dma_start3A_155 : memref<640xf32, #tpu.memory_space<hbm>>) target_semaphore(%run_scoped3A_147 : memref<!tpu.dma_semaphore, #tpu.memory_space<semaphore_mem>>)
      %dma_wait3A_157 = arith.constant 0 : i32
      %dma_wait3A_158 = arith.constant 0 : i32
      %dma_wait3A_159 = tpu.memref_slice %arg6[%arg0, %dma_wait3A_157, %dma_wait3A_158] : memref<2x4x10240xf32, #tpu.memory_space<hbm>> -> memref<1x4x10240xf32, #tpu.memory_space<hbm>>
      %dma_wait3A_160 = tpu.memref_squeeze %dma_wait3A_159 : memref<1x4x10240xf32, #tpu.memory_space<hbm>> -> memref<4x10240xf32, #tpu.memory_space<hbm>>
      %dma_wait3A_161 = arith.constant 0 : i32
      %dma_wait3A_162 = tpu.memref_slice %dma_wait3A_160[%run_scoped3A_139, %dma_wait3A_161] : memref<4x10240xf32, #tpu.memory_space<hbm>> -> memref<1x10240xf32, #tpu.memory_space<hbm>>
      %dma_wait3A_163 = tpu.memref_squeeze %dma_wait3A_162 : memref<1x10240xf32, #tpu.memory_space<hbm>> -> memref<10240xf32, #tpu.memory_space<hbm>>
      %dma_wait3A_164 = tpu.memref_slice %dma_wait3A_163[%mul3A_138] : memref<10240xf32, #tpu.memory_space<hbm>> -> memref<640xf32, #tpu.memory_space<hbm>>
      %dma_wait3A_165 = tpu.memref_slice %arg11[%add3A_136] : memref<40960xf32, #tpu.memory_space<vmem_shared>> -> memref<640xf32, #tpu.memory_space<vmem_shared>>
      tpu.wait_dma2 semaphore(%run_scoped3A_147 : memref<!tpu.dma_semaphore, #tpu.memory_space<semaphore_mem>>) src(%dma_wait3A_165 : memref<640xf32, #tpu.memory_space<vmem_shared>>) dst(%dma_wait3A_164 : memref<640xf32, #tpu.memory_space<hbm>>)
      tpu.yield
    }) : () -> ()
    %mul3A_140 = arith.constant 640 : i32
    %mul3A_141 = arith.muli %arg1, %mul3A_140 : i32
    %add3A_142 = arith.constant 30720 : i32
    %add3A_143 = arith.addi %add3A_142, %mul3A_141 : i32
    %mul3A_144 = arith.constant 640 : i32
    %mul3A_145 = arith.muli %arg1, %mul3A_144 : i32
    %run_scoped3A_146 = arith.constant 3 : i32
    "tpu.region"() ({
      %run_scoped3A_147 = tpu.sem_alloc : memref<!tpu.dma_semaphore, #tpu.memory_space<semaphore_mem>>
      %dma_start3A_148 = arith.constant 0 : i32
      %dma_start3A_149 = arith.constant 0 : i32
      %dma_start3A_150 = tpu.memref_slice %arg6[%arg0, %dma_start3A_148, %dma_start3A_149] : memref<2x4x10240xf32, #tpu.memory_space<hbm>> -> memref<1x4x10240xf32, #tpu.memory_space<hbm>>
      %dma_start3A_151 = tpu.memref_squeeze %dma_start3A_150 : memref<1x4x10240xf32, #tpu.memory_space<hbm>> -> memref<4x10240xf32, #tpu.memory_space<hbm>>
      %dma_start3A_152 = arith.constant 0 : i32
      %dma_start3A_153 = tpu.memref_slice %dma_start3A_151[%run_scoped3A_146, %dma_start3A_152] : memref<4x10240xf32, #tpu.memory_space<hbm>> -> memref<1x10240xf32, #tpu.memory_space<hbm>>
      %dma_start3A_154 = tpu.memref_squeeze %dma_start3A_153 : memref<1x10240xf32, #tpu.memory_space<hbm>> -> memref<10240xf32, #tpu.memory_space<hbm>>
      %dma_start3A_155 = tpu.memref_slice %dma_start3A_154[%mul3A_145] : memref<10240xf32, #tpu.memory_space<hbm>> -> memref<640xf32, #tpu.memory_space<hbm>>
      %dma_start3A_156 = tpu.memref_slice %arg11[%add3A_143] : memref<40960xf32, #tpu.memory_space<vmem_shared>> -> memref<640xf32, #tpu.memory_space<vmem_shared>>
      tpu.enqueue_dma source(%dma_start3A_156 : memref<640xf32, #tpu.memory_space<vmem_shared>>) target(%dma_start3A_155 : memref<640xf32, #tpu.memory_space<hbm>>) target_semaphore(%run_scoped3A_147 : memref<!tpu.dma_semaphore, #tpu.memory_space<semaphore_mem>>)
      %dma_wait3A_157 = arith.constant 0 : i32
      %dma_wait3A_158 = arith.constant 0 : i32
      %dma_wait3A_159 = tpu.memref_slice %arg6[%arg0, %dma_wait3A_157, %dma_wait3A_158] : memref<2x4x10240xf32, #tpu.memory_space<hbm>> -> memref<1x4x10240xf32, #tpu.memory_space<hbm>>
      %dma_wait3A_160 = tpu.memref_squeeze %dma_wait3A_159 : memref<1x4x10240xf32, #tpu.memory_space<hbm>> -> memref<4x10240xf32, #tpu.memory_space<hbm>>
      %dma_wait3A_161 = arith.constant 0 : i32
      %dma_wait3A_162 = tpu.memref_slice %dma_wait3A_160[%run_scoped3A_146, %dma_wait3A_161] : memref<4x10240xf32, #tpu.memory_space<hbm>> -> memref<1x10240xf32, #tpu.memory_space<hbm>>
      %dma_wait3A_163 = tpu.memref_squeeze %dma_wait3A_162 : memref<1x10240xf32, #tpu.memory_space<hbm>> -> memref<10240xf32, #tpu.memory_space<hbm>>
      %dma_wait3A_164 = tpu.memref_slice %dma_wait3A_163[%mul3A_145] : memref<10240xf32, #tpu.memory_space<hbm>> -> memref<640xf32, #tpu.memory_space<hbm>>
      %dma_wait3A_165 = tpu.memref_slice %arg11[%add3A_143] : memref<40960xf32, #tpu.memory_space<vmem_shared>> -> memref<640xf32, #tpu.memory_space<vmem_shared>>
      tpu.wait_dma2 semaphore(%run_scoped3A_147 : memref<!tpu.dma_semaphore, #tpu.memory_space<semaphore_mem>>) src(%dma_wait3A_165 : memref<640xf32, #tpu.memory_space<vmem_shared>>) dst(%dma_wait3A_164 : memref<640xf32, #tpu.memory_space<hbm>>)
      tpu.yield
    }) : () -> ()
    return
  }
}

module attributes {stable_mosaic.version = 14 : i64} {
  func.func @_tc1_body(%arg0: i32, %arg1: memref<2048x128xf32, #tpu.memory_space<vmem>>, %arg2: memref<128x4xf32, #tpu.memory_space<vmem>>, %arg3: memref<2x2048xf32, #tpu.memory_space<vmem>>, %arg4: memref<4x2048xf32, #tpu.memory_space<vmem>>, %arg5: memref<1x2048xf32, #tpu.memory_space<vmem>>) attributes {dimension_semantics = [#tpu.dimension_semantics<arbitrary>], iteration_bounds = array<i64: 5>, scalar_prefetch = 0 : i64, scratch_operands = 0 : i64, tpu.core_type = #tpu.core_type<tc>, window_params = [{transform_indices = @transform_0, window_bounds = array<i64: 2048, 128>}, {pipeline_mode = #tpu.pipeline_mode<synchronous>, transform_indices = @transform_1, window_bounds = array<i64: 128, 4>}, {transform_indices = @transform_2, window_bounds = array<i64: 2, 2048>}, {transform_indices = @transform_3, window_bounds = array<i64: 4, 2048>}, {transform_indices = @transform_4, window_bounds = array<i64: 1, 2048>}]} {
    %get3A = arith.constant 0 : index
    %get3A_0 = arith.constant 0 : index
    %get3A_1 = vector.load %arg3[%get3A, %get3A_0] : memref<2x2048xf32, #tpu.memory_space<vmem>>, vector<1x2048xf32>
    %get3A_2 = arith.constant 1 : index
    %get3A_3 = arith.constant 0 : index
    %get3A_4 = vector.load %arg3[%get3A_2, %get3A_3] : memref<2x2048xf32, #tpu.memory_space<vmem>>, vector<1x2048xf32>
    %add3A = arith.addf %get3A_1, %get3A_4 : vector<1x2048xf32>
    %add3A_5 = arith.constant 1.000000e+00 : f32
    %add3A_6 = vector.broadcast %add3A_5 : f32 to vector<1x2048xf32>
    %add3A_7 = arith.addf %add3A, %add3A_6 : vector<1x2048xf32>
    %rsqrt3A = math.rsqrt %add3A_7 : vector<1x2048xf32>
    %get3A_8 = arith.constant 0 : index
    %get3A_9 = arith.constant 0 : index
    %get3A_10 = vector.load %arg2[%get3A_8, %get3A_9] : memref<128x4xf32, #tpu.memory_space<vmem>>, vector<128x4xf32>
    %get3A_11 = arith.constant 0 : index
    %get3A_12 = arith.constant 0 : index
    %get3A_13 = vector.load %arg1[%get3A_11, %get3A_12] : memref<2048x128xf32, #tpu.memory_space<vmem>>, vector<2048x128xf32>
    %dot_general3A = arith.constant dense<0.000000e+00> : vector<4x2048xf32>
    %dot_general3A_14 = tpu.matmul %get3A_10, %get3A_13, %dot_general3A {dimension_numbers = #tpu.dot_dimension_numbers<[0], [1], [1], [0], [0, 1, 1, 0], [], []>, transpose_lhs_hint = false} : vector<128x4xf32>, vector<2048x128xf32>, vector<4x2048xf32> -> vector<4x2048xf32>
    %mul3A = vector.broadcast %rsqrt3A : vector<1x2048xf32> to vector<4x2048xf32>
    %mul3A_15 = arith.mulf %dot_general3A_14, %mul3A : vector<4x2048xf32>
    %swap3A = arith.constant 0 : index
    %swap3A_16 = arith.constant 0 : index
    %swap3A_17 = vector.load %arg4[%swap3A, %swap3A_16] : memref<4x2048xf32, #tpu.memory_space<vmem>>, vector<4x2048xf32>
    tpu.vector_store %arg4[%swap3A, %swap3A_16], %mul3A_15 {strides = array<i32>} : memref<4x2048xf32, #tpu.memory_space<vmem>>, vector<4x2048xf32>,
    %swap3A_18 = arith.constant 0 : index
    %swap3A_19 = arith.constant 0 : index
    %swap3A_20 = vector.load %arg5[%swap3A_18, %swap3A_19] : memref<1x2048xf32, #tpu.memory_space<vmem>>, vector<1x2048xf32>
    tpu.vector_store %arg5[%swap3A_18, %swap3A_19], %rsqrt3A {strides = array<i32>} : memref<1x2048xf32, #tpu.memory_space<vmem>>, vector<1x2048xf32>,
    return
  }
  func.func @transform_0(%arg0: i32) -> (i32, i32) {
    %c0_i32 = arith.constant 0 : i32
    %c0_i32_0 = arith.constant 0 : i32
    return %arg0, %c0_i32 : i32, i32
  }
  func.func @transform_1(%arg0: i32) -> (i32, i32) {
    %c0_i32 = arith.constant 0 : i32
    %c0_i32_0 = arith.constant 0 : i32
    %c0_i32_1 = arith.constant 0 : i32
    return %c0_i32, %c0_i32_0 : i32, i32
  }
  func.func @transform_2(%arg0: i32) -> (i32, i32) {
    %c0_i32 = arith.constant 0 : i32
    %c0_i32_0 = arith.constant 0 : i32
    return %c0_i32, %arg0 : i32, i32
  }
  func.func @transform_3(%arg0: i32) -> (i32, i32) {
    %c0_i32 = arith.constant 0 : i32
    %c0_i32_0 = arith.constant 0 : i32
    return %c0_i32, %arg0 : i32, i32
  }
  func.func @transform_4(%arg0: i32) -> (i32, i32) {
    %c0_i32 = arith.constant 0 : i32
    %c0_i32_0 = arith.constant 0 : i32
    return %c0_i32, %arg0 : i32, i32
  }
}

module attributes {stable_mosaic.version = 14 : i64} {
  func.func @_tc2_body(%arg0: i32, %arg1: memref<2x4x2048xf32, #tpu.memory_space<vmem>>, %arg2: memref<4x2048xf32, #tpu.memory_space<vmem>>, %arg3: memref<1x2048xf32, #tpu.memory_space<vmem>>, %arg4: memref<4x1xf32, #tpu.memory_space<vmem>>, %arg5: memref<4x4xf32, #tpu.memory_space<vmem>>, %arg6: memref<4x2048xf32, #tpu.memory_space<vmem>>) attributes {dimension_semantics = [#tpu.dimension_semantics<arbitrary>], iteration_bounds = array<i64: 5>, scalar_prefetch = 0 : i64, scratch_operands = 0 : i64, tpu.core_type = #tpu.core_type<tc>, window_params = [{transform_indices = @transform_0, window_bounds = array<i64: 2, 4, 2048>}, {transform_indices = @transform_1, window_bounds = array<i64: 4, 2048>}, {transform_indices = @transform_2, window_bounds = array<i64: 1, 2048>}, {pipeline_mode = #tpu.pipeline_mode<synchronous>, transform_indices = @transform_3, window_bounds = array<i64: 4, 1>}, {pipeline_mode = #tpu.pipeline_mode<synchronous>, transform_indices = @transform_4, window_bounds = array<i64: 4, 4>}, {transform_indices = @transform_5, window_bounds = array<i64: 4, 2048>}]} {
    %get3A = arith.constant 0 : index
    %get3A_0 = arith.constant 0 : index
    %get3A_1 = arith.constant 0 : index
    %get3A_2 = vector.load %arg1[%get3A, %get3A_0, %get3A_1] : memref<2x4x2048xf32, #tpu.memory_space<vmem>>, vector<1x4x2048xf32>
    %get3A_3 = vector.shape_cast %get3A_2 : vector<1x4x2048xf32> to vector<4x2048xf32>
    %get3A_4 = arith.constant 1 : index
    %get3A_5 = arith.constant 0 : index
    %get3A_6 = arith.constant 0 : index
    %get3A_7 = vector.load %arg1[%get3A_4, %get3A_5, %get3A_6] : memref<2x4x2048xf32, #tpu.memory_space<vmem>>, vector<1x4x2048xf32>
    %get3A_8 = vector.shape_cast %get3A_7 : vector<1x4x2048xf32> to vector<4x2048xf32>
    %add3A = arith.addf %get3A_3, %get3A_8 : vector<4x2048xf32>
    %get3A_9 = arith.constant 0 : index
    %get3A_10 = arith.constant 0 : index
    %get3A_11 = vector.load %arg3[%get3A_9, %get3A_10] : memref<1x2048xf32, #tpu.memory_space<vmem>>, vector<1x2048xf32>
    %get3A_12 = arith.constant 0 : index
    %get3A_13 = arith.constant 0 : index
    %get3A_14 = vector.load %arg2[%get3A_12, %get3A_13] : memref<4x2048xf32, #tpu.memory_space<vmem>>, vector<4x2048xf32>
    %add3A_15 = arith.addf %add3A, %get3A_14 : vector<4x2048xf32>
    %mul3A = vector.broadcast %get3A_11 : vector<1x2048xf32> to vector<4x2048xf32>
    %mul3A_16 = arith.mulf %mul3A, %add3A_15 : vector<4x2048xf32>
    %get3A_17 = arith.constant 0 : index
    %get3A_18 = arith.constant 0 : index
    %get3A_19 = vector.load %arg4[%get3A_17, %get3A_18] : memref<4x1xf32, #tpu.memory_space<vmem>>, vector<4x1xf32>
    %add3A_20 = vector.broadcast %get3A_19 : vector<4x1xf32> to vector<4x2048xf32>
    %add3A_21 = arith.addf %mul3A_16, %add3A_20 : vector<4x2048xf32>
    %tanh3A = math.tanh %add3A_21 : vector<4x2048xf32>
    %get3A_22 = arith.constant 0 : index
    %get3A_23 = arith.constant 0 : index
    %get3A_24 = vector.load %arg5[%get3A_22, %get3A_23] : memref<4x4xf32, #tpu.memory_space<vmem>>, vector<4x4xf32>
    %dot_general3A = arith.constant dense<0.000000e+00> : vector<4x2048xf32>
    %dot_general3A_25 = tpu.matmul %get3A_24, %tanh3A, %dot_general3A {dimension_numbers = #tpu.dot_dimension_numbers<[0], [0], [1], [1], [0, 1, 1, 1], [], []>, transpose_lhs_hint = false} : vector<4x4xf32>, vector<4x2048xf32>, vector<4x2048xf32> -> vector<4x2048xf32>
    %mul3A_26 = vector.broadcast %get3A_11 : vector<1x2048xf32> to vector<4x2048xf32>
    %mul3A_27 = arith.mulf %dot_general3A_25, %mul3A_26 : vector<4x2048xf32>
    %swap3A = arith.constant 0 : index
    %swap3A_28 = arith.constant 0 : index
    %swap3A_29 = vector.load %arg6[%swap3A, %swap3A_28] : memref<4x2048xf32, #tpu.memory_space<vmem>>, vector<4x2048xf32>
    tpu.vector_store %arg6[%swap3A, %swap3A_28], %mul3A_27 {strides = array<i32>} : memref<4x2048xf32, #tpu.memory_space<vmem>>, vector<4x2048xf32>,
    return
  }
  func.func @transform_0(%arg0: i32) -> (i32, i32, i32) {
    %c0_i32 = arith.constant 0 : i32
    %c0_i32_0 = arith.constant 0 : i32
    %c0_i32_1 = arith.constant 0 : i32
    return %c0_i32, %c0_i32_0, %arg0 : i32, i32, i32
  }
  func.func @transform_1(%arg0: i32) -> (i32, i32) {
    %c0_i32 = arith.constant 0 : i32
    %c0_i32_0 = arith.constant 0 : i32
    return %c0_i32, %arg0 : i32, i32
  }
  func.func @transform_2(%arg0: i32) -> (i32, i32) {
    %c0_i32 = arith.constant 0 : i32
    %c0_i32_0 = arith.constant 0 : i32
    return %c0_i32, %arg0 : i32, i32
  }
  func.func @transform_3(%arg0: i32) -> (i32, i32) {
    %c0_i32 = arith.constant 0 : i32
    %c0_i32_0 = arith.constant 0 : i32
    %c0_i32_1 = arith.constant 0 : i32
    return %c0_i32, %c0_i32_0 : i32, i32
  }
  func.func @transform_4(%arg0: i32) -> (i32, i32) {
    %c0_i32 = arith.constant 0 : i32
    %c0_i32_0 = arith.constant 0 : i32
    %c0_i32_1 = arith.constant 0 : i32
    return %c0_i32, %c0_i32_0 : i32, i32
  }
  func.func @transform_5(%arg0: i32) -> (i32, i32) {
    %c0_i32 = arith.constant 0 : i32
    %c0_i32_0 = arith.constant 0 : i32
    return %c0_i32, %arg0 : i32, i32
  }
}

module attributes {stable_mosaic.version = 14 : i64} {
  func.func @_tc3_body(%arg0: i32, %arg1: memref<2x4x2048xf32, #tpu.memory_space<vmem>>, %arg2: memref<4x2048xf32, #tpu.memory_space<vmem>>, %arg3: memref<1x2048xf32, #tpu.memory_space<vmem>>, %arg4: memref<4x1xf32, #tpu.memory_space<vmem>>, %arg5: memref<4x4xf32, #tpu.memory_space<vmem>>, %arg6: memref<1x4xf32, #tpu.memory_space<vmem>>, %arg7: memref<2048x4xf32, #tpu.memory_space<vmem>>, %arg8: memref<2048x4xf32, #tpu.memory_space<vmem>>) attributes {dimension_semantics = [#tpu.dimension_semantics<arbitrary>], iteration_bounds = array<i64: 5>, scalar_prefetch = 0 : i64, scratch_operands = 0 : i64, tpu.core_type = #tpu.core_type<tc>, window_params = [{transform_indices = @transform_0, window_bounds = array<i64: 2, 4, 2048>}, {transform_indices = @transform_1, window_bounds = array<i64: 4, 2048>}, {transform_indices = @transform_2, window_bounds = array<i64: 1, 2048>}, {pipeline_mode = #tpu.pipeline_mode<synchronous>, transform_indices = @transform_3, window_bounds = array<i64: 4, 1>}, {pipeline_mode = #tpu.pipeline_mode<synchronous>, transform_indices = @transform_4, window_bounds = array<i64: 4, 4>}, {pipeline_mode = #tpu.pipeline_mode<synchronous>, transform_indices = @transform_5, window_bounds = array<i64: 1, 4>}, {transform_indices = @transform_6, window_bounds = array<i64: 2048, 4>}, {transform_indices = @transform_7, window_bounds = array<i64: 2048, 4>}]} {
    %get3A = arith.constant 0 : index
    %get3A_0 = arith.constant 0 : index
    %get3A_1 = arith.constant 0 : index
    %get3A_2 = vector.load %arg1[%get3A, %get3A_0, %get3A_1] : memref<2x4x2048xf32, #tpu.memory_space<vmem>>, vector<1x4x2048xf32>
    %get3A_3 = vector.shape_cast %get3A_2 : vector<1x4x2048xf32> to vector<4x2048xf32>
    %get3A_4 = arith.constant 1 : index
    %get3A_5 = arith.constant 0 : index
    %get3A_6 = arith.constant 0 : index
    %get3A_7 = vector.load %arg1[%get3A_4, %get3A_5, %get3A_6] : memref<2x4x2048xf32, #tpu.memory_space<vmem>>, vector<1x4x2048xf32>
    %get3A_8 = vector.shape_cast %get3A_7 : vector<1x4x2048xf32> to vector<4x2048xf32>
    %add3A = arith.addf %get3A_3, %get3A_8 : vector<4x2048xf32>
    %get3A_9 = arith.constant 0 : index
    %get3A_10 = arith.constant 0 : index
    %get3A_11 = vector.load %arg3[%get3A_9, %get3A_10] : memref<1x2048xf32, #tpu.memory_space<vmem>>, vector<1x2048xf32>
    %get3A_12 = arith.constant 0 : index
    %get3A_13 = arith.constant 0 : index
    %get3A_14 = vector.load %arg2[%get3A_12, %get3A_13] : memref<4x2048xf32, #tpu.memory_space<vmem>>, vector<4x2048xf32>
    %add3A_15 = arith.addf %add3A, %get3A_14 : vector<4x2048xf32>
    %mul3A = vector.broadcast %get3A_11 : vector<1x2048xf32> to vector<4x2048xf32>
    %mul3A_16 = arith.mulf %mul3A, %add3A_15 : vector<4x2048xf32>
    %get3A_17 = arith.constant 0 : index
    %get3A_18 = arith.constant 0 : index
    %get3A_19 = vector.load %arg4[%get3A_17, %get3A_18] : memref<4x1xf32, #tpu.memory_space<vmem>>, vector<4x1xf32>
    %add3A_20 = vector.broadcast %get3A_19 : vector<4x1xf32> to vector<4x2048xf32>
    %add3A_21 = arith.addf %mul3A_16, %add3A_20 : vector<4x2048xf32>
    %tanh3A = math.tanh %add3A_21 : vector<4x2048xf32>
    %transpose3A = tpu.transpose %tanh3A, [1, 0] : vector<4x2048xf32> -> vector<2048x4xf32>
    %swap3A = arith.constant 0 : index
    %swap3A_22 = arith.constant 0 : index
    %swap3A_23 = vector.load %arg8[%swap3A, %swap3A_22] : memref<2048x4xf32, #tpu.memory_space<vmem>>, vector<2048x4xf32>
    tpu.vector_store %arg8[%swap3A, %swap3A_22], %transpose3A {strides = array<i32>} : memref<2048x4xf32, #tpu.memory_space<vmem>>, vector<2048x4xf32>,
    %get3A_24 = arith.constant 0 : index
    %get3A_25 = arith.constant 0 : index
    %get3A_26 = vector.load %arg5[%get3A_24, %get3A_25] : memref<4x4xf32, #tpu.memory_space<vmem>>, vector<4x4xf32>
    %dot_general3A = arith.constant dense<0.000000e+00> : vector<2048x4xf32>
    %dot_general3A_27 = tpu.matmul %transpose3A, %get3A_26, %dot_general3A {dimension_numbers = #tpu.dot_dimension_numbers<[1], [0], [0], [1], [0, 0, 1, 1], [], []>, transpose_lhs_hint = false} : vector<2048x4xf32>, vector<4x4xf32>, vector<2048x4xf32> -> vector<2048x4xf32>
    %get3A_28 = arith.constant 0 : index
    %get3A_29 = arith.constant 0 : index
    %get3A_30 = vector.load %arg6[%get3A_28, %get3A_29] : memref<1x4xf32, #tpu.memory_space<vmem>>, vector<1x4xf32>
    %add3A_31 = vector.broadcast %get3A_30 : vector<1x4xf32> to vector<2048x4xf32>
    %add3A_32 = arith.addf %dot_general3A_27, %add3A_31 : vector<2048x4xf32>
    %swap3A_33 = arith.constant 0 : index
    %swap3A_34 = arith.constant 0 : index
    %swap3A_35 = vector.load %arg7[%swap3A_33, %swap3A_34] : memref<2048x4xf32, #tpu.memory_space<vmem>>, vector<2048x4xf32>
    tpu.vector_store %arg7[%swap3A_33, %swap3A_34], %add3A_32 {strides = array<i32>} : memref<2048x4xf32, #tpu.memory_space<vmem>>, vector<2048x4xf32>,
    return
  }
  func.func @transform_0(%arg0: i32) -> (i32, i32, i32) {
    %c0_i32 = arith.constant 0 : i32
    %c0_i32_0 = arith.constant 0 : i32
    %c0_i32_1 = arith.constant 0 : i32
    return %c0_i32, %c0_i32_0, %arg0 : i32, i32, i32
  }
  func.func @transform_1(%arg0: i32) -> (i32, i32) {
    %c0_i32 = arith.constant 0 : i32
    %c0_i32_0 = arith.constant 0 : i32
    return %c0_i32, %arg0 : i32, i32
  }
  func.func @transform_2(%arg0: i32) -> (i32, i32) {
    %c0_i32 = arith.constant 0 : i32
    %c0_i32_0 = arith.constant 0 : i32
    return %c0_i32, %arg0 : i32, i32
  }
  func.func @transform_3(%arg0: i32) -> (i32, i32) {
    %c0_i32 = arith.constant 0 : i32
    %c0_i32_0 = arith.constant 0 : i32
    %c0_i32_1 = arith.constant 0 : i32
    return %c0_i32, %c0_i32_0 : i32, i32
  }
  func.func @transform_4(%arg0: i32) -> (i32, i32) {
    %c0_i32 = arith.constant 0 : i32
    %c0_i32_0 = arith.constant 0 : i32
    %c0_i32_1 = arith.constant 0 : i32
    return %c0_i32, %c0_i32_0 : i32, i32
  }
  func.func @transform_5(%arg0: i32) -> (i32, i32) {
    %c0_i32 = arith.constant 0 : i32
    %c0_i32_0 = arith.constant 0 : i32
    %c0_i32_1 = arith.constant 0 : i32
    return %c0_i32, %c0_i32_0 : i32, i32
  }
  func.func @transform_6(%arg0: i32) -> (i32, i32) {
    %c0_i32 = arith.constant 0 : i32
    %c0_i32_0 = arith.constant 0 : i32
    return %arg0, %c0_i32 : i32, i32
  }
  func.func @transform_7(%arg0: i32) -> (i32, i32) {
    %c0_i32 = arith.constant 0 : i32
    %c0_i32_0 = arith.constant 0 : i32
    return %arg0, %c0_i32 : i32, i32
  }
}

</mosaic_0001>

<sc_bundles>
// kernel: kernel.11.cloned.1.call-start
scs
__scs_entry_jumppad:
0x0: {  	(pc) =	sbr.rel $0x88, $3  }
0x1: {  	(tag) =	ssettag $0x0;
	lr =	simm.s32 $0x1  }
0x2: {  	[smem:$0x3F99] =	sst lr;
	_ =	strace $0xD0000000  }
0x3: {  	_ = 	snop  }
0x4: {  	_ = 	snop  }
0x5: {  	_ = 	snop  }
0x6: {  	_ = 	snop  }
0x7: {  	_ = 	snop  }
__scs_overlays_trampoline_lowered:
0x8: {  	[smem:$0x3FA8] =	sst s0  }
0x9: {  	[smem:$0x3FA9] =	sst s1  }
0xa: {  	[smem:$0x3FAA] =	sst s2  }
0xb: {  	[smem:$0x3FAB] =	sst s3  }
0xc: {  	[smem:$0x3FAC] =	sst s4  }
0xd: {  	[smem:$0x3FAD] =	sst s5  }
0xe: {  	[smem:$0x3FAE] =	sst s6  }
0xf: {  	[smem:$0x3FAF] =	sst s7  }
0x10: {  	[smem:$0x3FB0] =	sst s8  }
0x11: {  	[smem:$0x3FB1] =	sst s9;
	s0 =	simm.s32 @!p0 $0x0  }
0x12: {  	s1 =	sld [smem:$0x3F97];
	s0 =	simm.s32 @p0 $0x1  }
0x13: {  	[smem:$0x3FB2] =	sst s0;
	s0 =	simm.s32 @!p1 $0x0  }
0x14: {  	s2 =	sld [smem:$0x3F96];
	s0 =	simm.s32 @p1 $0x1  }
0x15: {  	[smem:$0x3FB3] =	sst s0;
	s0 =	simm.s32 @!p2 $0x0  }
0x16: {  	s3 =	sld [smem:$0x3FDB];
	s0 =	simm.s32 @p2 $0x1  }
0x17: {  	s4 =	simm.s32 $0x1BF5;
	[smem:$0x3FB5] =	sst s0  }
0x18: {  	s0 =	sld [smem:$0x3F98];
	_ =	swait.ge [sflag:s4], $0x0  }
0x19: {  	s7 =	sld [smem:$0x3F99]  }
0x1a: {  	s8 =	sadd.s32 $0xFFFFE003, lr  }
0x1b: {  	s9 =	sadd.s32 $0xFFFFFEF7, lr;
	s5 =	simm.s32 $0xFFFFFFFF;
	p2 =	slt.u32 s8, $0xFFFFF086  }
0x1c: {  	p1 =	slt.u32 s9, $0xF7A;
	s5 =	simm.s32 @!p2 $0x0  }
0x1d: {  	s5 =	simm.s32 @p1 $0x1;
	p0 =	seq.s32 s7, s2  }
0x1e: {  	s7 =	smul.u32 @!p0 $0xF7A, s2;
	p2 =	seq.s32 @!p0 s5, $0x0  }
0x1f: {  	s9 =	smul.u32 $0xF7A, s1;
	s8 =	simm.s32 @!p0 $0x1BF5;
	p2 =	por !p2, p0  }
0x20: {  	[sflag:s8] =	ssyncset.s32 @!p0 $0xFFFFF086;
	s6 =	sadd.s32 @!p0 s3, s7;
	s7 =	simm.s32 @!p0 $0x108  }
0x21: {  	s3 =	sadd.s32 s3, s9;
	s6 =	sadd.s32 @!p0 $0x88, s6;
	s7 =	simm.s32 @p2 $0x1082  }
0x22: {  	[simem:s7], [sflag:s8] =	dma.local @!p0 [hbm:s6], $0xF7A  }
0x23: {  	s9 =	sor.u32 $0xD0000000, s2;
	s6 =	simm.s32 $0x108;
	_ =	swait.ge @!p0 [sflag:s8], $0x0  }
0x24: {  	s3 =	sadd.s32 $0x88, s3;
	s6 =	simm.s32 @!p1 $0x1082;
	[sflag:s4] =	ssyncset.s32 $0xFFFFF086  }
0x25: {  	[simem:s6], [sflag:s4] =	dma.local [hbm:s3], $0xF7A  }
0x26: {  	[smem:$0x3F99] =	sst s1;
	(tag) =	ssettag s2;
	_ =	strace s9  }
0x27: {  	s1 =	sld [smem:$0x3FA9]  }
0x28: {  	s2 =	sld [smem:$0x3FAA]  }
0x29: {  	s4 =	sld [smem:$0x3FAC]  }
0x2a: {  	p0 =	seq.s32 s5, $0x0;
	s5 =	sld [smem:$0x3FAD]  }
0x2b: {  	s6 =	sld [smem:$0x3FAE]  }
0x2c: {  	s7 =	sld [smem:$0x3FAF]  }
0x2d: {  	s3 =	simm.s32 $0x108;
	s8 =	sld [smem:$0x3FB0]  }
0x2e: {  	s3 =	simm.s32 @!p0 $0x1082;
	s9 =	sld [smem:$0x3FB1]  }
0x2f: {  	lr =	sadd.s32 s0, s3;
	s0 =	sld [smem:$0x3FA8]  }
0x30: {  	s3 =	sld [smem:$0x3FAB]  }
0x31: {  	[smem:$0x3FB4] =	sst s10  }
0x32: {  	s10 =	sld [smem:$0x3FB2];
	_ =	sdelay $0x3  }
0x33: {  	p0 =	seq.s32 s10, $0x1;
	s10 =	sld [smem:$0x3FB4];
	_ =	sdelay $0x3  }
0x34: {  	[smem:$0x3FB4] =	sst s10  }
0x35: {  	s10 =	sld [smem:$0x3FB3];
	_ =	sdelay $0x3  }
0x36: {  	p1 =	seq.s32 s10, $0x1;
	s10 =	sld [smem:$0x3FB4];
	_ =	sdelay $0x3  }
0x37: {  	[smem:$0x3FB4] =	sst s10  }
0x38: {  	s10 =	sld [smem:$0x3FB5]  }
0x39: {  	_ = 	snop;
	(pc) =	sbr.ind lr, $3  }
0x3a: {  	_ = 	snop  }
0x3b: {  	_ = 	snop  }
0x3c: {  	p2 =	seq.s32 s10, $0x1;
	s10 =	sld [smem:$0x3FB4]  }
0x3d: {  	_ =	shalt  }
0x3e: {  	_ =	shalt  }
0x3f: {  	_ =	shalt  }
0x40: {  	_ =	shalt  }
0x41: {  	_ =	shalt  }
0x42: {  	_ =	shalt  }
0x43: {  	_ =	shalt  }
0x44: {  	_ =	shalt  }
0x45: {  	_ =	shalt  }
0x46: {  	_ =	shalt  }
0x47: {  	_ =	shalt  }
0x48: {  	_ =	shalt  }
0x49: {  	_ =	shalt  }
0x4a: {  	_ =	shalt  }
0x4b: {  	_ =	shalt  }
0x4c: {  	_ =	shalt  }
0x4d: {  	_ =	shalt  }
0x4e: {  	_ =	shalt  }
0x4f: {  	_ =	shalt  }
0x50: {  	_ =	shalt  }
0x51: {  	_ =	shalt  }
0x52: {  	_ =	shalt  }
0x53: {  	_ =	shalt  }
0x54: {  	_ =	shalt  }
0x55: {  	_ =	shalt  }
0x56: {  	_ =	shalt  }
0x57: {  	_ =	shalt  }
0x58: {  	_ =	shalt  }
0x59: {  	_ =	shalt  }
0x5a: {  	_ =	shalt  }
0x5b: {  	_ =	shalt  }
0x5c: {  	_ =	shalt  }
0x5d: {  	_ =	shalt  }
0x5e: {  	_ =	shalt  }
0x5f: {  	_ =	shalt  }
0x60: {  	_ =	shalt  }
0x61: {  	_ =	shalt  }
0x62: {  	_ =	shalt  }
0x63: {  	_ =	shalt  }
0x64: {  	_ =	shalt  }
0x65: {  	_ =	shalt  }
0x66: {  	_ =	shalt  }
0x67: {  	_ =	shalt  }
0x68: {  	_ =	shalt  }
0x69: {  	_ =	shalt  }
0x6a: {  	_ =	shalt  }
0x6b: {  	_ =	shalt  }
0x6c: {  	_ =	shalt  }
0x6d: {  	_ =	shalt  }
0x6e: {  	_ =	shalt  }
0x6f: {  	_ =	shalt  }
0x70: {  	_ =	shalt  }
0x71: {  	_ =	shalt  }
0x72: {  	_ =	shalt  }
0x73: {  	_ =	shalt  }
0x74: {  	_ =	shalt  }
0x75: {  	_ =	shalt  }
0x76: {  	_ =	shalt  }
0x77: {  	_ =	shalt  }
0x78: {  	_ =	shalt  }
0x79: {  	_ =	shalt  }
0x7a: {  	_ =	shalt  }
0x7b: {  	_ =	shalt  }
0x7c: {  	_ =	shalt  }
0x7d: {  	_ =	shalt  }
0x7e: {  	_ =	shalt  }
0x7f: {  	_ =	shalt  }
0x80: {  	_ =	shalt  }
0x81: {  	_ =	shalt  }
0x82: {  	_ =	shalt  }
0x83: {  	_ =	shalt  }
0x84: {  	_ =	shalt  }
0x85: {  	_ =	shalt  }
0x86: {  	_ =	shalt  }
0x87: {  	_ =	shalt  }
.Lfunc_end0:
.L_simem_size_0:
called_computation.1_lowered:
.L_overlay_start_0:
0x88: {  	s2 =	sld [smem:$0x3FD9]  }
0x89: {  	s3 =	sld [smem:$0x3FFE];
	_ =	sdelay $0x1  }
0x8a: {  	s1 =	srdreg.scid  }
0x8b: {  	s0 =	sand.u32 $0x1, s1  }
0x8c: {  	s16 =	sshll.u32 s0, $0xA;
	s2 =	sadd.s32 s3, s2  }
0x8d: {  	s2 =	sadd.s32 s2, s16  }
0x8e: {  	[smem:$0x3FC0] =	sst s2  }
0x8f: {  	_ = 	snop  }
0x90: {  	(tm) =	ssettm $0x1  }
0x91: {  	s17 =	sld [smem:$0x3FFB];
	_ =	sdelay $0x3  }
0x92: {  	_ =	strace s17  }
0x93: {  	s2 =	sld [smem:$0x3FFC];
	_ =	sdelay $0x3  }
0x94: {  	_ =	strace s2  }
0x95: {  	s2 =	sld [smem:$0x3FFD];
	_ =	sdelay $0x3  }
0x96: {  	_ =	strace s2  }
0x97: {  	_ =	strace $0x8FFFFFFF  }
0x98: {  	s18 =	sld [smem:$0x3FDB];
	_ =	sdelay $0x1  }
0x99: {  	s19 =	simm.s32 $_scs_section_size  }
0x9a: {  	s4 =	simm.s32 $_size__tile_overlayer_lowered;
	s5 =	simm.s32 $_tile_overlayer_lowered  }
0x9b: {  	s22 =	simm.s32 $0x1BFF;
	s21 =	sshll.u32 s5, $0x1;
	s2 =	sadd.s32 s19, s18  }
0x9c: {  	s6 =	simm.s32 $0x0;
	s20 =	sshll.u32 s4, $0x1;
	s4 =	sadd.s32 s21, s2  }
0x9d: {  	[timem:s6], [sflag:s22] =	dma.local [hbm:s4], s20  }
0x9e: {  	_ =	swait.ge [sflag:s22], s20  }
0x9f: {  	s3 =	ssub.s32 $0x0, s20;
	[sflag:s22] =	ssyncset.done $0x0  }
0xa0: {  	[sflag:s22] =	ssyncadd.s32 s3;
	_ =	sdelay $0x1  }
0xa1: {  	s23 =	simm.s32 $0x1B8B  }
0xa2: {  	_ =	swait.ge [sflag:s23], $0x1  }
0xa3: {  	[sflag:s23] =	ssyncset.done $0x0  }
0xa4: {  	s25 =	simm.s32 $0x1B8E;
	s24 =	sld [smem:$0x3FFE];
	[sflag:s23] =	ssyncadd.s32 $0xFFFFFFFF  }
0xa5: {  	s26 =	simm.s32 $execute0_lowered;
	[smem:$0x3FD2] =	sst s25  }
0xa6: {  	s4 =	sshll.u32 s26, $0x1;
	_ =	strace $0x80000049;
	[dreg:$0x1] =	wrdreg $0xFFFFFFFF  }
0xa7: {  	s28 =	simm.s32 $_size_execute0_lowered;
	s2 =	sadd.s32 s2, s4;
	[dreg:$0x0] =	wrdreg $0x0  }
0xa8: {  	s4 =	sshll.u32 s28, $0x1;
	[dreg:$0x2] =	wrdreg s2  }
0xa9: {  	[dreg:$0x3] =	wrdreg s4  }
0xaa: {  	[dreg:$0x4] =	wrdreg $0xC0  }
0xab: {  	_ =	task [dreg:s6], $0x5FFFF  }
0xac: {  	[dreg:$0x1] =	wrdreg $0xFFFFFFFF  }
0xad: {  	[dreg:$0x0] =	wrdreg $0x60  }
0xae: {  	[dreg:$0x2] =	wrdreg s24  }
0xaf: {  	[dreg:$0x3] =	wrdreg $0x14E000  }
0xb0: {  	[dreg:$0x4] =	wrdreg $0x144000  }
0xb1: {  	[dreg:$0x5] =	wrdreg $0x9  }
0xb2: {  	_ =	task.clear_ibuf [dreg:s6], $0x6FFFF;
	_ =	strace $0x90000049  }
0xb3: {  	s29 =	simm.s32 $0x9;
	_ =	strace $0x8000004B  }
0xb4: {  	_ =	swait.ge [sflag:s29], $0x1  }
0xb5: {  	[sflag:s29] =	ssyncadd.s32 $0xFFFFFFFF  }
0xb6: {  	_ =	strace $0x9000004B  }
0xb7: {  	_ =	sfence  }
0xb8: {  	s30 =	sld [smem:$0x0];
	_ =	sdelay $0x2  }
0xb9: {  	s31 =	sshll.u32 s1, $0xD;
	s1 =	sshrl.u32 s1, $0x2  }
0xba: {  	s3 =	sand.u32 $0x4000, s31;
	s1 =	sadd.s32 s1, s30  }
0xbb: {  	s0 =	sor.u32 s3, s0;
	s1 =	sshll.u32 s1, $0x11  }
0xbc: {  	s0 =	sor.u32 s1, s0  }
0xbd: {  	s0 =	sadd.s32 $0x8F2B, s0  }
0xbe: {  	[sflag:s0] =	ssyncadd.remote.s32 $0x1  }
0xbf: {  	_ =	sfence.sel $0xFFFF  }
0xc0: {  	[dreg:$0x0] =	wrdreg $0xFFFFFFFF;
	(pc) =	sbr.abs _section_cstart, $3  }
0xc1: {  	[dreg:$0x1] =	wrdreg $0xFFFFFFFF  }
0xc2: {  	_ =	task.clear_ibuf [dreg:s6], $0x2FFFF;
	_ =	strace $0x9FFFFFFF  }
0xc3: {  	(tm) =	ssettm $0x7FFFFFFF  }
tec
execute0_lowered:
.L_overlay_start_1:
0x0: {  	(tag) =	ssettag $0x1  }
0x1: {  	s0 =	rddreg [dreg:$0x0]  }
0x2: {  	s2 =	rddreg [dreg:$0x1];
	s19 =	stileid.u32  }
0x3: {  	s1 =	srdreg.scid;
	s3 =	rddreg [dreg:$0x2]  }
0x4: {  	s4 =	simm.s32 $0x0;
	s28 =	simm.s32 $0x40;
	s5 =	smul.u32 $0x140, s19  }
0x5: {  	s29 =	simm.s32 $0xA000;
	s30 =	simm.s32 $0x80;
	s7 =	smul.u32 $0xA00, s19  }
0x6: {  	s31 =	simm.s32 $0x14000;
	s1 =	sand.u32 $0x1, s1;
	s12 =	smul.u32 $0x280, s19  }
0x7: {  	[smem:$0x7FF] =	sst s4;
	s22 =	sshll.u32 s19, $0x6;
	s19 =	smul.u32 $0x1400, s19  }
0x8: {  	s14 =	sadd.s32 $0x3010, s0;
	s16 =	sadd.s32 $0x3020, s0;
	s6 =	smul.u32 $0x14000, s1  }
0x9: {  	_ =	strace $0x8000004A;
	s9 =	smul.u32 $0x1400, s1;
	s1 =	ssub.s32 $0x2, s1  }
0xa: {  	s8 =	sadd.s32 s5, s0;
	s21 =	sshrl.u32 s7, $0x3;
	s11 =	sshrl.u32 s1, $0x1  }
0xb: {  	s7 =	sadd.s32 s7, s2;
	s23 =	sadd.s32 s12, s3;
	s26 =	sadd.s32 $0x2800, s12  }
0xc: {  	s15 =	sadd.s32 $0x5000, s12;
	s17 =	sadd.s32 $0x7800, s12;
	s10 =	sadd.s32 s6, s0  }
0xd: {  	s6 =	sadd.s32 s21, s0;
	s9 =	sadd.s32 s9, s0;
	s1 =	ssub.s32 s1, s11  }
0xe: {  	s8 =	sadd.s32 $0x3000, s8;
	s13 =	sadd.s32 s26, s3;
	s20 =	sadd.s32 s15, s3  }
0xf: {  	s21 =	sadd.s32 s17, s3;
	s0 =	sadd.s32 $0x3030, s0;
	s24 =	sadd.s32 s15, s2  }
0x10: {  	s25 =	sadd.s32 s17, s2;
	s15 =	sshrl.u32 s7, $0x3;
	s7 =	simm.s32 $0x2  }
0x11: {  	s6 =	sadd.s32 $0x4400, s6;
	[dreg:$0x5] =	wrdreg s8;
	s18 =	sadd.s32 $0x35000, s10  }
0x12: {  	s10 =	sadd.s32 $0xD000, s10;
	s9 =	sadd.s32 $0x5800, s9;
	s8 =	sadd.s32 s26, s2  }
0x13: {  	s1 =	smax.u32 s1, $0x1;
	[dreg:$0x7] =	wrdreg s15;
	s26 =	sadd.s32 s5, s16  }
0x14: {  	s0 =	sadd.s32 s5, s0;
	s20 =	sshrl.u32 s20, $0x3;
	[dreg:$0x4] =	wrdreg s6  }
0x15: {  	s21 =	sshrl.u32 s21, $0x3;
	s24 =	sshrl.u32 s24, $0x3;
	[dreg:$0x6] =	wrdreg s1  }
0x16: {  	s25 =	sshrl.u32 s25, $0x3;
	s6 =	sor.u32 $0x1C03, s22;
	[dreg:$0xc] =	wrdreg s26  }
0x17: {  	s22 =	sadd.s32 s12, s2;
	s17 =	sadd.s32 s19, s18;
	[dreg:$0xd] =	wrdreg s0  }
0x18: {  	s18 =	sadd.s32 s19, s10;
	s12 =	simm.s32 $0x3;
	[dreg:$0x8] =	wrdreg s17  }
0x19: {  	s19 =	sshrl.u32 s23, $0x3;
	s23 =	sadd.s32 s5, s14;
	[dreg:$0x9] =	wrdreg s18  }
0x1a: {  	s26 =	simm.s32 $0x10;
	s1 =	simm.s32 $0x14080;
	[dreg:$0xa] =	wrdreg s19  }
0x1b: {  	s0 =	simm.s32 $0x14100;
	[dreg:$0xb] =	wrdreg s23;
	s17 =	sadd.s32 s5, s9  }
0x1c: {  	s18 =	simm.s32 $0x1;
	s19 =	sshrl.u32 s13, $0x3;
	s22 =	sshrl.u32 s22, $0x3  }
0x1d: {  	s23 =	sshrl.u32 s8, $0x3;
	s5 =	simm.s32 $0x14180;
	s8 =	simm.s32 $0x0  }
.LBB2_1:
0x1e: {  	s9 =	rddreg [dreg:$0x4]  }
0x1f: {  	s10 =	rddreg [dreg:$0x7]  }
0x20: {  	[spmem:s10], [sflag:s6] =	dma.local [hbm:s9], $0x140  }
0x21: {  	_ =	swait.ge [sflag:s12], $0x140  }
0x22: {  	[sflag:s12] =	ssyncset.done $0x0;
	s11 =	rddreg [dreg:$0x5]  }
0x23: {  	s13 =	rddreg [dreg:$0xa];
	[sflag:s12] =	ssyncadd.s32 $0xFFFFFEC0  }
0x24: {  	[spmem:s13@s26], [sflag:s6] =	dma.strided [hbm:s11@s28], $0x50, s18, $0x10   }
0x25: {  	_ =	swait.ge [sflag:s12], $0x50  }
0x26: {  	[sflag:s12] =	ssyncset.done $0x0  }
0x27: {  	s14 =	rddreg [dreg:$0xb];
	[sflag:s12] =	ssyncadd.s32 $0xFFFFFFB0  }
0x28: {  	[spmem:s19@s26], [sflag:s6] =	dma.strided [hbm:s14@s28], $0x50, s18, $0x10   }
0x29: {  	_ =	swait.ge [sflag:s12], $0x50  }
0x2a: {  	[sflag:s12] =	ssyncset.done $0x0  }
0x2b: {  	s15 =	rddreg [dreg:$0xc];
	[sflag:s12] =	ssyncadd.s32 $0xFFFFFFB0  }
0x2c: {  	[spmem:s20@s26], [sflag:s6] =	dma.strided [hbm:s15@s28], $0x50, s18, $0x10   }
0x2d: {  	_ =	swait.ge [sflag:s12], $0x50  }
0x2e: {  	[sflag:s12] =	ssyncset.done $0x0  }
0x2f: {  	s16 =	rddreg [dreg:$0xd];
	[sflag:s12] =	ssyncadd.s32 $0xFFFFFFB0  }
0x30: {  	[spmem:s21@s26], [sflag:s6] =	dma.strided [hbm:s16@s28], $0x50, s18, $0x10   }
0x31: {  	_ =	swait.ge [sflag:s12], $0x50  }
0x32: {  	[sflag:s12] =	ssyncset.done $0x0  }
0x33: {  	s10 =	rddreg [dreg:$0x8];
	[sflag:s12] =	ssyncadd.s32 $0xFFFFFFB0  }
0x34: {  	[tilespmem:s4], [sflag:$0x3] =	stream.linear.gather [hbm4b:s10+s4], $0xA000, $0x38;
	[tilespmem:$0x15800] =	vst v63  }
0x35: {  	_ =	swait.ge [sflag:s12], $0xA000  }
0x36: {  	[sflag:s12] =	ssyncset.done $0x0  }
0x37: {  	s11 =	rddreg [dreg:$0x9];
	[sflag:s12] =	ssyncadd.s32 $0xFFFF6000  }
0x38: {  	[tilespmem:s29], [sflag:$0x3] =	stream.linear.gather [hbm4b:s11+s4], $0xA000, $0x38;
	[tilespmem:$0x15800] =	vst v63  }
0x39: {  	_ =	swait.ge [sflag:s12], $0xA000  }
0x3a: {  	[sflag:s12] =	ssyncset.done $0x0  }
0x3b: {  	[sflag:s12] =	ssyncadd.s32 $0xFFFF6000  }
0x3c: {  	[bflag:$0x0] =	sbarrier.arrive $0xFFFF  }
0x3d: {  	[tilespmem:s31], [sflag:$0x1] =	stream.indirect.gather [spmem:s3], $0x1, s4, s30, $0xb8;
	[tilespmem:$0x15800] =	vst v63  }
0x3e: {  	_ = 	snop  }
0x3f: {  	[tilespmem:s1], [sflag:$0x1] =	stream.indirect.gather [spmem:s3], $0x1, s30, s30, $0xb8;
	[tilespmem:$0x15800] =	vst v63  }
0x40: {  	s13 =	simm.s32 $0x100  }
0x41: {  	[tilespmem:s0], [sflag:$0x1] =	stream.indirect.gather [spmem:s3], $0x1, s13, s30, $0xb8;
	[tilespmem:$0x15800] =	vst v63  }
0x42: {  	s14 =	simm.s32 $0x180  }
0x43: {  	[tilespmem:s5], [sflag:$0x1] =	stream.indirect.gather [spmem:s3], $0x1, s14, s30, $0xb8;
	[tilespmem:$0x15800] =	vst v63  }
0x44: {  	s15 =	simm.s32 $0x200;
	s16 =	simm.s32 $0x14200  }
0x45: {  	[tilespmem:s16], [sflag:$0x1] =	stream.indirect.gather [spmem:s3], $0x1, s15, s30, $0xb8;
	[tilespmem:$0x15800] =	vst v63  }
0x46: {  	_ =	swait.ge [sflag:s18], $0x80  }
0x47: {  	[sflag:s18] =	ssyncset.done $0x0  }
0x48: {  	[sflag:s18] =	ssyncadd.s32 $0xFFFFFF80  }
0x49: {  	[spmem:s2] =	stream.indirect.scatter.add.f32 [tilespmem:s31], [sflag:$0x2], $0x1, s29, s30, $0xb8;
	[tilespmem:$0x15800] =	vst v63  }
0x4a: {  	s11 =	simm.s32 $0x280;
	s13 =	simm.s32 $0x14280  }
0x4b: {  	[tilespmem:s13], [sflag:$0x1] =	stream.indirect.gather [spmem:s3], $0x1, s11, s30, $0xb8;
	[tilespmem:$0x15800] =	vst v63  }
0x4c: {  	_ =	swait.ge [sflag:s18], $0x80  }
0x4d: {  	[sflag:s18] =	ssyncset.done $0x0  }
0x4e: {  	s14 =	simm.s32 $0xA080;
	[sflag:s18] =	ssyncadd.s32 $0xFFFFFF80  }
0x4f: {  	[spmem:s2] =	stream.indirect.scatter.add.f32 [tilespmem:s1], [sflag:$0x2], $0x1, s14, s30, $0xb8;
	[tilespmem:$0x15800] =	vst v63  }
0x50: {  	s15 =	simm.s32 $0x300;
	s16 =	simm.s32 $0x14300  }
0x51: {  	[tilespmem:s16], [sflag:$0x1] =	stream.indirect.gather [spmem:s3], $0x1, s15, s30, $0xb8;
	[tilespmem:$0x15800] =	vst v63  }
0x52: {  	_ =	swait.ge [sflag:s18], $0x80  }
0x53: {  	[sflag:s18] =	ssyncset.done $0x0  }
0x54: {  	s10 =	simm.s32 $0xA100;
	[sflag:s18] =	ssyncadd.s32 $0xFFFFFF80  }
0x55: {  	[spmem:s2] =	stream.indirect.scatter.add.f32 [tilespmem:s0], [sflag:$0x2], $0x1, s10, s30, $0xb8;
	[tilespmem:$0x15800] =	vst v63  }
0x56: {  	s11 =	simm.s32 $0x380;
	s13 =	simm.s32 $0x14380  }
0x57: {  	[tilespmem:s13], [sflag:$0x1] =	stream.indirect.gather [spmem:s3], $0x1, s11, s30, $0xb8;
	[tilespmem:$0x15800] =	vst v63  }
0x58: {  	p0 =	por $0x0, $0x0;
	_ =	swait.ge [sflag:s18], $0x80  }
0x59: {  	s9 =	simm.s32 @!p0 $0x1000;
	[sflag:s18] =	ssyncset.done $0x0  }
0x5a: {  	s9 =	sand.u32 @!p0 $0xE00, s9;
	s14 =	simm.s32 $0xA180;
	[sflag:s18] =	ssyncadd.s32 $0xFFFFFF80  }
0x5b: {  	[spmem:s2] =	stream.indirect.scatter.add.f32 [tilespmem:s5], [sflag:$0x2], $0x1, s14, s30, $0xb8;
	[tilespmem:$0x15800] =	vst v63  }
0x5c: {  	s9 =	sshrl.u32 @!p0 s9, $0x2;
	_ =	swait.ge [sflag:s7], $0x80  }
0x5d: {  	s9 =	sor.u32 @!p0 $0x14000, s9;
	s15 =	simm.s32 $0x800;
	[sflag:s7] =	ssyncset.done $0x0  }
0x5e: {  	s11 =	simm.s32 @!p0 $0x400;
	s13 =	simm.s32 @!p0 $0x80;
	[sflag:s7] =	ssyncadd.s32 $0xFFFFFF80  }
0x5f: {  	[tilespmem:s9], [sflag:$0x1] =	stream.indirect.gather @!p0 [spmem:s3], $0x1, s11, s13, $0xb8;
	[tilespmem:$0x15800] =	vst v63  }
0x60: {  	s16 =	sand.u32 $0xE00, s15;
	s10 =	simm.s32 $0x200;
	_ =	swait.ge [sflag:s18], $0x80  }
0x61: {  	s9 =	simm.s32 $0x5;
	s11 =	sshrl.u32 s16, $0x2;
	[sflag:s18] =	ssyncset.done $0x0  }
0x62: {  	s13 =	simm.s32 $0xA200;
	s11 =	sor.u32 $0x14000, s11;
	[sflag:s18] =	ssyncadd.s32 $0xFFFFFF80  }
.LBB2_2:
0x63: {  	[spmem:s2] =	stream.indirect.scatter.add.f32 [tilespmem:s11], [sflag:$0x2], $0x1, s13, s30, $0xb8;
	[tilespmem:$0x15800] =	vst v63  }
0x64: {  	s11 =	smov.u32 s10  }
0x65: {  	p0 =	sgt.u32 s9, $0x13B;
	s9 =	sadd.s32 $0x1, s9;
	s10 =	sadd.s32 $0x200, s10  }
0x66: {  	s13 =	sadd.s32 $0x800, s11;
	s14 =	sadd.s32 @!p0 $0x1000, s11;
	s15 =	sshra.s32 @!p0 s11, $0x2  }
0x67: {  	s14 =	sand.u32 @!p0 $0xE00, s14;
	s15 =	sadd.s32 @!p0 $0x400, s15;
	_ =	swait.ge [sflag:s7], $0x80  }
0x68: {  	s16 =	simm.s32 @!p0 $0x80;
	s14 =	sshrl.u32 @!p0 s14, $0x2;
	[sflag:s7] =	ssyncset.done $0x0  }
0x69: {  	s14 =	sor.u32 @!p0 $0x14000, s14;
	[sflag:s7] =	ssyncadd.s32 $0xFFFFFF80  }
0x6a: {  	[tilespmem:s14], [sflag:$0x1] =	stream.indirect.gather @!p0 [spmem:s3], $0x1, s15, s16, $0xb8;
	[tilespmem:$0x15800] =	vst v63  }
0x6b: {  	p0 =	sne.s32 s9, $0x140  }
.Ltmp0:
0x6c: {  	_ = 	snop;
	(pc) =	sbr.rel @p0 .LBB2_2-.Ltmp0, $4  }
0x6d: {  	_ = 	snop  }
0x6e: {  	s13 =	sand.u32 $0xE00, s13;
	_ =	swait.ge [sflag:s18], $0x80  }
0x6f: {  	s13 =	sshrl.u32 s13, $0x2;
	s14 =	sshra.s32 s11, $0x2;
	[sflag:s18] =	ssyncset.done $0x0  }
0x70: {  	s11 =	sor.u32 $0x14000, s13;
	s13 =	sadd.s32 $0xA200, s14;
	[sflag:s18] =	ssyncadd.s32 $0xFFFFFF80  }
0x71: {  	[spmem:s2] =	stream.indirect.scatter.add.f32 [tilespmem:s11], [sflag:$0x2], $0x1, s13, s30, $0xb8;
	[tilespmem:$0x15800] =	vst v63  }
0x72: {  	_ =	swait.ge [sflag:s7], $0x80  }
0x73: {  	[sflag:s7] =	ssyncset.done $0x0  }
0x74: {  	[sflag:s7] =	ssyncadd.s32 $0xFFFFFF80  }
0x75: {  	_ =	swait.ge [sflag:s7], $0x80  }
0x76: {  	[sflag:s7] =	ssyncset.done $0x0  }
0x77: {  	[sflag:s7] =	ssyncadd.s32 $0xFFFFFF80  }
0x78: {  	_ =	swait.ge [sflag:s7], $0x80  }
0x79: {  	[sflag:s7] =	ssyncset.done $0x0  }
0x7a: {  	[sflag:s7] =	ssyncadd.s32 $0xFFFFFF80  }
0x7b: {  	_ =	swait.ge [sflag:s7], $0x80  }
0x7c: {  	[sflag:s7] =	ssyncset.done $0x0  }
0x7d: {  	[sflag:s7] =	ssyncadd.s32 $0xFFFFFF80  }
0x7e: {  	[bflag:$0x0] =	sbarrier.arrive $0xFFFF  }
0x7f: {  	[hbm:s17@s28], [sflag:s6] =	dma.strided [spmem:s22@s26], $0x50, s18, $0x10   }
0x80: {  	_ =	swait.ge [sflag:s12], $0x50  }
0x81: {  	[sflag:s12] =	ssyncset.done $0x0  }
0x82: {  	s9 =	sadd.s32 $0x10, s17;
	[sflag:s12] =	ssyncadd.s32 $0xFFFFFFB0  }
0x83: {  	[hbm:s9@s28], [sflag:s6] =	dma.strided [spmem:s23@s26], $0x50, s18, $0x10   }
0x84: {  	_ =	swait.ge [sflag:s12], $0x50  }
0x85: {  	[sflag:s12] =	ssyncset.done $0x0  }
0x86: {  	s14 =	sadd.s32 $0x20, s17;
	[sflag:s12] =	ssyncadd.s32 $0xFFFFFFB0  }
0x87: {  	[hbm:s14@s28], [sflag:s6] =	dma.strided [spmem:s24@s26], $0x50, s18, $0x10   }
0x88: {  	_ =	swait.ge [sflag:s12], $0x50  }
0x89: {  	[sflag:s12] =	ssyncset.done $0x0  }
0x8a: {  	s15 =	sadd.s32 $0x30, s17;
	[sflag:s12] =	ssyncadd.s32 $0xFFFFFFB0  }
0x8b: {  	[hbm:s15@s28], [sflag:s6] =	dma.strided [spmem:s25@s26], $0x50, s18, $0x10   }
0x8c: {  	_ =	swait.ge [sflag:s12], $0x50  }
0x8d: {  	s8 =	sadd.s32 $0x1, s8;
	s16 =	rddreg [dreg:$0x6]  }
0x8e: {  	p0 =	sne.s32 s8, s16  }
.Ltmp1:
0x8f: {  	_ = 	snop;
	(pc) =	sbr.rel @p0 .LBB2_1-.Ltmp1, $3  }
0x90: {  	_ =	sdelay $0x1  }
0x91: {  	[sflag:s12] =	ssyncset.done $0x0  }
0x92: {  	[sflag:s12] =	ssyncadd.s32 $0xFFFFFFB0  }
0x93: {  	_ =	sfence.sel $0x180000  }
0x94: {  	[bflag:$0x0] =	sbarrier.arrive $0xFFFF  }
0x95: {  	_ =	strace $0x9000004A  }
0x96: {  	s0 =	stileid.u32;
	[bflag:$0x2] =	sbarrier.arrive $0xFFFF  }
0x97: {  	p0 =	sne.s32 s0, $0x0;
	s0 =	rddreg [dreg:$0x3]  }
0x98: {  	s0 =	sadd.s32 @!p0 $0x100000, s0  }
0x99: {  	[sflag:s0] =	ssyncadd.tile.s32 @!p0 $0x1;
	_ =	shalt  }
.Lfunc_end2:
_tile_overlayer_lowered:
.L_overlay_start_2:
0x9a: {  	(tag) =	ssettag $0x2  }
0x9b: {  	s0 =	rddreg [dreg:$0x0];
	s2 =	stileid.u32  }
0x9c: {  	s1 =	rddreg [dreg:$0x1];
	p0 =	sne.s32 s2, $0x0  }
0x9d: {  	s3 =	rddreg [dreg:$0x2];
	[bflag:$0x3] =	sbarrier.arrive $0xFFFF;
	s2 =	simm.s32 @!p0 $0x1C03  }
0x9e: {  	[timem:s3], [sflag:s2] =	dma.local @!p0 [hbm:s0], s1  }
0x9f: {  	s0 =	simm.s32 @!p0 $0x3  }
0xa0: {  	_ =	swait.ge @!p0 [sflag:s0], s1  }
0xa1: {  	s1 =	ssub.s32 @!p0 $0x0, s1;
	[sflag:s0] =	ssyncset.done @!p0 $0x0  }
0xa2: {  	[sflag:s0] =	ssyncadd.s32 @!p0 s1  }
0xa3: {  	[bflag:$0x3] =	sbarrier.arrive $0xFFFF  }
0xa4: {  	_ =	shalt  }

// kernel: kernel.14.cloned.1.call-start
scs
__scs_entry_jumppad:
0x0: {  	(pc) =	sbr.rel $0x88, $3  }
0x1: {  	(tag) =	ssettag $0x0;
	lr =	simm.s32 $0x1  }
0x2: {  	[smem:$0x3F99] =	sst lr;
	_ =	strace $0xD0000000  }
0x3: {  	_ = 	snop  }
0x4: {  	_ = 	snop  }
0x5: {  	_ = 	snop  }
0x6: {  	_ = 	snop  }
0x7: {  	_ = 	snop  }
__scs_overlays_trampoline_lowered:
0x8: {  	[smem:$0x3FA8] =	sst s0  }
0x9: {  	[smem:$0x3FA9] =	sst s1  }
0xa: {  	[smem:$0x3FAA] =	sst s2  }
0xb: {  	[smem:$0x3FAB] =	sst s3  }
0xc: {  	[smem:$0x3FAC] =	sst s4  }
0xd: {  	[smem:$0x3FAD] =	sst s5  }
0xe: {  	[smem:$0x3FAE] =	sst s6  }
0xf: {  	[smem:$0x3FAF] =	sst s7  }
0x10: {  	[smem:$0x3FB0] =	sst s8  }
0x11: {  	[smem:$0x3FB1] =	sst s9;
	s0 =	simm.s32 @!p0 $0x0  }
0x12: {  	s1 =	sld [smem:$0x3F97];
	s0 =	simm.s32 @p0 $0x1  }
0x13: {  	[smem:$0x3FB2] =	sst s0;
	s0 =	simm.s32 @!p1 $0x0  }
0x14: {  	s2 =	sld [smem:$0x3F96];
	s0 =	simm.s32 @p1 $0x1  }
0x15: {  	[smem:$0x3FB3] =	sst s0;
	s0 =	simm.s32 @!p2 $0x0  }
0x16: {  	s3 =	sld [smem:$0x3FDB];
	s0 =	simm.s32 @p2 $0x1  }
0x17: {  	s4 =	simm.s32 $0x1BF5;
	[smem:$0x3FB5] =	sst s0  }
0x18: {  	s0 =	sld [smem:$0x3F98];
	_ =	swait.ge [sflag:s4], $0x0  }
0x19: {  	s7 =	sld [smem:$0x3F99]  }
0x1a: {  	s8 =	sadd.s32 $0xFFFFE003, lr  }
0x1b: {  	s9 =	sadd.s32 $0xFFFFFEF7, lr;
	s5 =	simm.s32 $0xFFFFFFFF;
	p2 =	slt.u32 s8, $0xFFFFF086  }
0x1c: {  	p1 =	slt.u32 s9, $0xF7A;
	s5 =	simm.s32 @!p2 $0x0  }
0x1d: {  	s5 =	simm.s32 @p1 $0x1;
	p0 =	seq.s32 s7, s2  }
0x1e: {  	s7 =	smul.u32 @!p0 $0xF7A, s2;
	p2 =	seq.s32 @!p0 s5, $0x0  }
0x1f: {  	s9 =	smul.u32 $0xF7A, s1;
	s8 =	simm.s32 @!p0 $0x1BF5;
	p2 =	por !p2, p0  }
0x20: {  	[sflag:s8] =	ssyncset.s32 @!p0 $0xFFFFF086;
	s6 =	sadd.s32 @!p0 s3, s7;
	s7 =	simm.s32 @!p0 $0x108  }
0x21: {  	s3 =	sadd.s32 s3, s9;
	s6 =	sadd.s32 @!p0 $0x88, s6;
	s7 =	simm.s32 @p2 $0x1082  }
0x22: {  	[simem:s7], [sflag:s8] =	dma.local @!p0 [hbm:s6], $0xF7A  }
0x23: {  	s9 =	sor.u32 $0xD0000000, s2;
	s6 =	simm.s32 $0x108;
	_ =	swait.ge @!p0 [sflag:s8], $0x0  }
0x24: {  	s3 =	sadd.s32 $0x88, s3;
	s6 =	simm.s32 @!p1 $0x1082;
	[sflag:s4] =	ssyncset.s32 $0xFFFFF086  }
0x25: {  	[simem:s6], [sflag:s4] =	dma.local [hbm:s3], $0xF7A  }
0x26: {  	[smem:$0x3F99] =	sst s1;
	(tag) =	ssettag s2;
	_ =	strace s9  }
0x27: {  	s1 =	sld [smem:$0x3FA9]  }
0x28: {  	s2 =	sld [smem:$0x3FAA]  }
0x29: {  	s4 =	sld [smem:$0x3FAC]  }
0x2a: {  	p0 =	seq.s32 s5, $0x0;
	s5 =	sld [smem:$0x3FAD]  }
0x2b: {  	s6 =	sld [smem:$0x3FAE]  }
0x2c: {  	s7 =	sld [smem:$0x3FAF]  }
0x2d: {  	s3 =	simm.s32 $0x108;
	s8 =	sld [smem:$0x3FB0]  }
0x2e: {  	s3 =	simm.s32 @!p0 $0x1082;
	s9 =	sld [smem:$0x3FB1]  }
0x2f: {  	lr =	sadd.s32 s0, s3;
	s0 =	sld [smem:$0x3FA8]  }
0x30: {  	s3 =	sld [smem:$0x3FAB]  }
0x31: {  	[smem:$0x3FB4] =	sst s10  }
0x32: {  	s10 =	sld [smem:$0x3FB2];
	_ =	sdelay $0x3  }
0x33: {  	p0 =	seq.s32 s10, $0x1;
	s10 =	sld [smem:$0x3FB4];
	_ =	sdelay $0x3  }
0x34: {  	[smem:$0x3FB4] =	sst s10  }
0x35: {  	s10 =	sld [smem:$0x3FB3];
	_ =	sdelay $0x3  }
0x36: {  	p1 =	seq.s32 s10, $0x1;
	s10 =	sld [smem:$0x3FB4];
	_ =	sdelay $0x3  }
0x37: {  	[smem:$0x3FB4] =	sst s10  }
0x38: {  	s10 =	sld [smem:$0x3FB5]  }
0x39: {  	_ = 	snop;
	(pc) =	sbr.ind lr, $3  }
0x3a: {  	_ = 	snop  }
0x3b: {  	_ = 	snop  }
0x3c: {  	p2 =	seq.s32 s10, $0x1;
	s10 =	sld [smem:$0x3FB4]  }
0x3d: {  	_ =	shalt  }
0x3e: {  	_ =	shalt  }
0x3f: {  	_ =	shalt  }
0x40: {  	_ =	shalt  }
0x41: {  	_ =	shalt  }
0x42: {  	_ =	shalt  }
0x43: {  	_ =	shalt  }
0x44: {  	_ =	shalt  }
0x45: {  	_ =	shalt  }
0x46: {  	_ =	shalt  }
0x47: {  	_ =	shalt  }
0x48: {  	_ =	shalt  }
0x49: {  	_ =	shalt  }
0x4a: {  	_ =	shalt  }
0x4b: {  	_ =	shalt  }
0x4c: {  	_ =	shalt  }
0x4d: {  	_ =	shalt  }
0x4e: {  	_ =	shalt  }
0x4f: {  	_ =	shalt  }
0x50: {  	_ =	shalt  }
0x51: {  	_ =	shalt  }
0x52: {  	_ =	shalt  }
0x53: {  	_ =	shalt  }
0x54: {  	_ =	shalt  }
0x55: {  	_ =	shalt  }
0x56: {  	_ =	shalt  }
0x57: {  	_ =	shalt  }
0x58: {  	_ =	shalt  }
0x59: {  	_ =	shalt  }
0x5a: {  	_ =	shalt  }
0x5b: {  	_ =	shalt  }
0x5c: {  	_ =	shalt  }
0x5d: {  	_ =	shalt  }
0x5e: {  	_ =	shalt  }
0x5f: {  	_ =	shalt  }
0x60: {  	_ =	shalt  }
0x61: {  	_ =	shalt  }
0x62: {  	_ =	shalt  }
0x63: {  	_ =	shalt  }
0x64: {  	_ =	shalt  }
0x65: {  	_ =	shalt  }
0x66: {  	_ =	shalt  }
0x67: {  	_ =	shalt  }
0x68: {  	_ =	shalt  }
0x69: {  	_ =	shalt  }
0x6a: {  	_ =	shalt  }
0x6b: {  	_ =	shalt  }
0x6c: {  	_ =	shalt  }
0x6d: {  	_ =	shalt  }
0x6e: {  	_ =	shalt  }
0x6f: {  	_ =	shalt  }
0x70: {  	_ =	shalt  }
0x71: {  	_ =	shalt  }
0x72: {  	_ =	shalt  }
0x73: {  	_ =	shalt  }
0x74: {  	_ =	shalt  }
0x75: {  	_ =	shalt  }
0x76: {  	_ =	shalt  }
0x77: {  	_ =	shalt  }
0x78: {  	_ =	shalt  }
0x79: {  	_ =	shalt  }
0x7a: {  	_ =	shalt  }
0x7b: {  	_ =	shalt  }
0x7c: {  	_ =	shalt  }
0x7d: {  	_ =	shalt  }
0x7e: {  	_ =	shalt  }
0x7f: {  	_ =	shalt  }
0x80: {  	_ =	shalt  }
0x81: {  	_ =	shalt  }
0x82: {  	_ =	shalt  }
0x83: {  	_ =	shalt  }
0x84: {  	_ =	shalt  }
0x85: {  	_ =	shalt  }
0x86: {  	_ =	shalt  }
0x87: {  	_ =	shalt  }
.Lfunc_end0:
.L_simem_size_0:
called_computation.2_lowered:
.L_overlay_start_0:
0x88: {  	s2 =	sld [smem:$0x3FD9]  }
0x89: {  	s3 =	sld [smem:$0x3FFE];
	_ =	sdelay $0x1  }
0x8a: {  	s1 =	srdreg.scid  }
0x8b: {  	s0 =	sand.u32 $0x1, s1  }
0x8c: {  	s16 =	sshll.u32 s0, $0xA;
	s2 =	sadd.s32 s3, s2  }
0x8d: {  	s2 =	sadd.s32 s2, s16  }
0x8e: {  	[smem:$0x3FC0] =	sst s2  }
0x8f: {  	_ = 	snop  }
0x90: {  	(tm) =	ssettm $0x1  }
0x91: {  	s17 =	sld [smem:$0x3FFB];
	_ =	sdelay $0x3  }
0x92: {  	_ =	strace s17  }
0x93: {  	s2 =	sld [smem:$0x3FFC];
	_ =	sdelay $0x3  }
0x94: {  	_ =	strace s2  }
0x95: {  	s2 =	sld [smem:$0x3FFD];
	_ =	sdelay $0x3  }
0x96: {  	_ =	strace s2  }
0x97: {  	_ =	strace $0x8FFFFFFF  }
0x98: {  	s18 =	sld [smem:$0x3FDB];
	_ =	sdelay $0x1  }
0x99: {  	s19 =	simm.s32 $_scs_section_size  }
0x9a: {  	s4 =	simm.s32 $_size__tile_overlayer_lowered;
	s5 =	simm.s32 $_tile_overlayer_lowered  }
0x9b: {  	s22 =	simm.s32 $0x1BFF;
	s21 =	sshll.u32 s5, $0x1;
	s2 =	sadd.s32 s19, s18  }
0x9c: {  	s6 =	simm.s32 $0x0;
	s20 =	sshll.u32 s4, $0x1;
	s4 =	sadd.s32 s21, s2  }
0x9d: {  	[timem:s6], [sflag:s22] =	dma.local [hbm:s4], s20  }
0x9e: {  	_ =	swait.ge [sflag:s22], s20  }
0x9f: {  	s3 =	ssub.s32 $0x0, s20;
	[sflag:s22] =	ssyncset.done $0x0  }
0xa0: {  	[sflag:s22] =	ssyncadd.s32 s3;
	_ =	sdelay $0x1  }
0xa1: {  	s23 =	simm.s32 $0x1B8B  }
0xa2: {  	_ =	swait.ge [sflag:s23], $0x1  }
0xa3: {  	[sflag:s23] =	ssyncset.done $0x0  }
0xa4: {  	s25 =	simm.s32 $0x1B8E;
	s24 =	sld [smem:$0x3FFE];
	[sflag:s23] =	ssyncadd.s32 $0xFFFFFFFF  }
0xa5: {  	s26 =	simm.s32 $execute0_lowered;
	[smem:$0x3FD2] =	sst s25  }
0xa6: {  	s4 =	sshll.u32 s26, $0x1;
	_ =	strace $0x8000004C;
	[dreg:$0x1] =	wrdreg $0xFFFFFFFF  }
0xa7: {  	s28 =	simm.s32 $_size_execute0_lowered;
	s2 =	sadd.s32 s2, s4;
	[dreg:$0x0] =	wrdreg $0x0  }
0xa8: {  	s4 =	sshll.u32 s28, $0x1;
	[dreg:$0x2] =	wrdreg s2  }
0xa9: {  	[dreg:$0x3] =	wrdreg s4  }
0xaa: {  	[dreg:$0x4] =	wrdreg $0xC0  }
0xab: {  	_ =	task [dreg:s6], $0x5FFFF  }
0xac: {  	[dreg:$0x1] =	wrdreg $0xFFFFFFFF  }
0xad: {  	[dreg:$0x0] =	wrdreg $0x60  }
0xae: {  	[dreg:$0x2] =	wrdreg s24  }
0xaf: {  	[dreg:$0x3] =	wrdreg $0x14E000  }
0xb0: {  	[dreg:$0x4] =	wrdreg $0x144000  }
0xb1: {  	[dreg:$0x5] =	wrdreg $0x9  }
0xb2: {  	_ =	task.clear_ibuf [dreg:s6], $0x6FFFF;
	_ =	strace $0x9000004C  }
0xb3: {  	s29 =	simm.s32 $0x9;
	_ =	strace $0x8000004E  }
0xb4: {  	_ =	swait.ge [sflag:s29], $0x1  }
0xb5: {  	[sflag:s29] =	ssyncadd.s32 $0xFFFFFFFF  }
0xb6: {  	_ =	strace $0x9000004E  }
0xb7: {  	_ =	sfence  }
0xb8: {  	s30 =	sld [smem:$0x0];
	_ =	sdelay $0x2  }
0xb9: {  	s31 =	sshll.u32 s1, $0xD;
	s1 =	sshrl.u32 s1, $0x2  }
0xba: {  	s3 =	sand.u32 $0x4000, s31;
	s1 =	sadd.s32 s1, s30  }
0xbb: {  	s0 =	sor.u32 s3, s0;
	s1 =	sshll.u32 s1, $0x11  }
0xbc: {  	s0 =	sor.u32 s1, s0  }
0xbd: {  	s0 =	sadd.s32 $0x8F2B, s0  }
0xbe: {  	[sflag:s0] =	ssyncadd.remote.s32 $0x1  }
0xbf: {  	_ =	sfence.sel $0xFFFF  }
0xc0: {  	[dreg:$0x0] =	wrdreg $0xFFFFFFFF;
	(pc) =	sbr.abs _section_cstart, $3  }
0xc1: {  	[dreg:$0x1] =	wrdreg $0xFFFFFFFF  }
0xc2: {  	_ =	task.clear_ibuf [dreg:s6], $0x2FFFF;
	_ =	strace $0x9FFFFFFF  }
0xc3: {  	(tm) =	ssettm $0x7FFFFFFF  }
tec
execute0_lowered:
.L_overlay_start_1:
0x0: {  	(tag) =	ssettag $0x1  }
0x1: {  	s0 =	rddreg [dreg:$0x0]  }
0x2: {  	s2 =	rddreg [dreg:$0x1];
	s19 =	stileid.u32  }
0x3: {  	s1 =	srdreg.scid;
	s3 =	rddreg [dreg:$0x2]  }
0x4: {  	s4 =	simm.s32 $0x0;
	s28 =	simm.s32 $0x40;
	s5 =	smul.u32 $0x140, s19  }
0x5: {  	s29 =	simm.s32 $0xA000;
	s30 =	simm.s32 $0x80;
	s7 =	smul.u32 $0xA00, s19  }
0x6: {  	s31 =	simm.s32 $0x14000;
	s1 =	sand.u32 $0x1, s1;
	s12 =	smul.u32 $0x280, s19  }
0x7: {  	[smem:$0x7FF] =	sst s4;
	s22 =	sshll.u32 s19, $0x6;
	s19 =	smul.u32 $0x1400, s19  }
0x8: {  	s14 =	sadd.s32 $0x3010, s0;
	s16 =	sadd.s32 $0x3020, s0;
	s6 =	smul.u32 $0x14000, s1  }
0x9: {  	_ =	strace $0x8000004D;
	s9 =	smul.u32 $0x1400, s1;
	s1 =	ssub.s32 $0x2, s1  }
0xa: {  	s8 =	sadd.s32 s5, s0;
	s21 =	sshrl.u32 s7, $0x3;
	s11 =	sshrl.u32 s1, $0x1  }
0xb: {  	s7 =	sadd.s32 s7, s2;
	s23 =	sadd.s32 s12, s3;
	s26 =	sadd.s32 $0x2800, s12  }
0xc: {  	s15 =	sadd.s32 $0x5000, s12;
	s17 =	sadd.s32 $0x7800, s12;
	s10 =	sadd.s32 s6, s0  }
0xd: {  	s6 =	sadd.s32 s21, s0;
	s9 =	sadd.s32 s9, s0;
	s1 =	ssub.s32 s1, s11  }
0xe: {  	s8 =	sadd.s32 $0x3000, s8;
	s13 =	sadd.s32 s26, s3;
	s20 =	sadd.s32 s15, s3  }
0xf: {  	s21 =	sadd.s32 s17, s3;
	s0 =	sadd.s32 $0x3030, s0;
	s24 =	sadd.s32 s15, s2  }
0x10: {  	s25 =	sadd.s32 s17, s2;
	s15 =	sshrl.u32 s7, $0x3;
	s7 =	simm.s32 $0x2  }
0x11: {  	s6 =	sadd.s32 $0x4400, s6;
	[dreg:$0x5] =	wrdreg s8;
	s18 =	sadd.s32 $0x35000, s10  }
0x12: {  	s10 =	sadd.s32 $0xD000, s10;
	s9 =	sadd.s32 $0x5800, s9;
	s8 =	sadd.s32 s26, s2  }
0x13: {  	s1 =	smax.u32 s1, $0x1;
	[dreg:$0x7] =	wrdreg s15;
	s26 =	sadd.s32 s5, s16  }
0x14: {  	s0 =	sadd.s32 s5, s0;
	s20 =	sshrl.u32 s20, $0x3;
	[dreg:$0x4] =	wrdreg s6  }
0x15: {  	s21 =	sshrl.u32 s21, $0x3;
	s24 =	sshrl.u32 s24, $0x3;
	[dreg:$0x6] =	wrdreg s1  }
0x16: {  	s25 =	sshrl.u32 s25, $0x3;
	s6 =	sor.u32 $0x1C03, s22;
	[dreg:$0xc] =	wrdreg s26  }
0x17: {  	s22 =	sadd.s32 s12, s2;
	s17 =	sadd.s32 s19, s18;
	[dreg:$0xd] =	wrdreg s0  }
0x18: {  	s18 =	sadd.s32 s19, s10;
	s12 =	simm.s32 $0x3;
	[dreg:$0x8] =	wrdreg s17  }
0x19: {  	s19 =	sshrl.u32 s23, $0x3;
	s23 =	sadd.s32 s5, s14;
	[dreg:$0x9] =	wrdreg s18  }
0x1a: {  	s26 =	simm.s32 $0x10;
	s1 =	simm.s32 $0x14080;
	[dreg:$0xa] =	wrdreg s19  }
0x1b: {  	s0 =	simm.s32 $0x14100;
	[dreg:$0xb] =	wrdreg s23;
	s17 =	sadd.s32 s5, s9  }
0x1c: {  	s18 =	simm.s32 $0x1;
	s19 =	sshrl.u32 s13, $0x3;
	s22 =	sshrl.u32 s22, $0x3  }
0x1d: {  	s23 =	sshrl.u32 s8, $0x3;
	s5 =	simm.s32 $0x14180;
	s8 =	simm.s32 $0x0  }
.LBB2_1:
0x1e: {  	s9 =	rddreg [dreg:$0x4]  }
0x1f: {  	s10 =	rddreg [dreg:$0x7]  }
0x20: {  	[spmem:s10], [sflag:s6] =	dma.local [hbm:s9], $0x140  }
0x21: {  	_ =	swait.ge [sflag:s12], $0x140  }
0x22: {  	[sflag:s12] =	ssyncset.done $0x0;
	s11 =	rddreg [dreg:$0x5]  }
0x23: {  	s13 =	rddreg [dreg:$0xa];
	[sflag:s12] =	ssyncadd.s32 $0xFFFFFEC0  }
0x24: {  	[spmem:s13@s26], [sflag:s6] =	dma.strided [hbm:s11@s28], $0x50, s18, $0x10   }
0x25: {  	_ =	swait.ge [sflag:s12], $0x50  }
0x26: {  	[sflag:s12] =	ssyncset.done $0x0  }
0x27: {  	s14 =	rddreg [dreg:$0xb];
	[sflag:s12] =	ssyncadd.s32 $0xFFFFFFB0  }
0x28: {  	[spmem:s19@s26], [sflag:s6] =	dma.strided [hbm:s14@s28], $0x50, s18, $0x10   }
0x29: {  	_ =	swait.ge [sflag:s12], $0x50  }
0x2a: {  	[sflag:s12] =	ssyncset.done $0x0  }
0x2b: {  	s15 =	rddreg [dreg:$0xc];
	[sflag:s12] =	ssyncadd.s32 $0xFFFFFFB0  }
0x2c: {  	[spmem:s20@s26], [sflag:s6] =	dma.strided [hbm:s15@s28], $0x50, s18, $0x10   }
0x2d: {  	_ =	swait.ge [sflag:s12], $0x50  }
0x2e: {  	[sflag:s12] =	ssyncset.done $0x0  }
0x2f: {  	s16 =	rddreg [dreg:$0xd];
	[sflag:s12] =	ssyncadd.s32 $0xFFFFFFB0  }
0x30: {  	[spmem:s21@s26], [sflag:s6] =	dma.strided [hbm:s16@s28], $0x50, s18, $0x10   }
0x31: {  	_ =	swait.ge [sflag:s12], $0x50  }
0x32: {  	[sflag:s12] =	ssyncset.done $0x0  }
0x33: {  	s10 =	rddreg [dreg:$0x8];
	[sflag:s12] =	ssyncadd.s32 $0xFFFFFFB0  }
0x34: {  	[tilespmem:s4], [sflag:$0x3] =	stream.linear.gather [hbm4b:s10+s4], $0xA000, $0x38;
	[tilespmem:$0x15800] =	vst v63  }
0x35: {  	_ =	swait.ge [sflag:s12], $0xA000  }
0x36: {  	[sflag:s12] =	ssyncset.done $0x0  }
0x37: {  	s11 =	rddreg [dreg:$0x9];
	[sflag:s12] =	ssyncadd.s32 $0xFFFF6000  }
0x38: {  	[tilespmem:s29], [sflag:$0x3] =	stream.linear.gather [hbm4b:s11+s4], $0xA000, $0x38;
	[tilespmem:$0x15800] =	vst v63  }
0x39: {  	_ =	swait.ge [sflag:s12], $0xA000  }
0x3a: {  	[sflag:s12] =	ssyncset.done $0x0  }
0x3b: {  	[sflag:s12] =	ssyncadd.s32 $0xFFFF6000  }
0x3c: {  	[bflag:$0x0] =	sbarrier.arrive $0xFFFF  }
0x3d: {  	[tilespmem:s31], [sflag:$0x1] =	stream.indirect.gather [spmem:s3], $0x1, s4, s30, $0xb8;
	[tilespmem:$0x15800] =	vst v63  }
0x3e: {  	_ = 	snop  }
0x3f: {  	[tilespmem:s1], [sflag:$0x1] =	stream.indirect.gather [spmem:s3], $0x1, s30, s30, $0xb8;
	[tilespmem:$0x15800] =	vst v63  }
0x40: {  	s13 =	simm.s32 $0x100  }
0x41: {  	[tilespmem:s0], [sflag:$0x1] =	stream.indirect.gather [spmem:s3], $0x1, s13, s30, $0xb8;
	[tilespmem:$0x15800] =	vst v63  }
0x42: {  	s14 =	simm.s32 $0x180  }
0x43: {  	[tilespmem:s5], [sflag:$0x1] =	stream.indirect.gather [spmem:s3], $0x1, s14, s30, $0xb8;
	[tilespmem:$0x15800] =	vst v63  }
0x44: {  	s15 =	simm.s32 $0x200;
	s16 =	simm.s32 $0x14200  }
0x45: {  	[tilespmem:s16], [sflag:$0x1] =	stream.indirect.gather [spmem:s3], $0x1, s15, s30, $0xb8;
	[tilespmem:$0x15800] =	vst v63  }
0x46: {  	_ =	swait.ge [sflag:s18], $0x80  }
0x47: {  	[sflag:s18] =	ssyncset.done $0x0  }
0x48: {  	[sflag:s18] =	ssyncadd.s32 $0xFFFFFF80  }
0x49: {  	[spmem:s2] =	stream.indirect.scatter.add.f32 [tilespmem:s31], [sflag:$0x2], $0x1, s29, s30, $0xb8;
	[tilespmem:$0x15800] =	vst v63  }
0x4a: {  	s11 =	simm.s32 $0x280;
	s13 =	simm.s32 $0x14280  }
0x4b: {  	[tilespmem:s13], [sflag:$0x1] =	stream.indirect.gather [spmem:s3], $0x1, s11, s30, $0xb8;
	[tilespmem:$0x15800] =	vst v63  }
0x4c: {  	_ =	swait.ge [sflag:s18], $0x80  }
0x4d: {  	[sflag:s18] =	ssyncset.done $0x0  }
0x4e: {  	s14 =	simm.s32 $0xA080;
	[sflag:s18] =	ssyncadd.s32 $0xFFFFFF80  }
0x4f: {  	[spmem:s2] =	stream.indirect.scatter.add.f32 [tilespmem:s1], [sflag:$0x2], $0x1, s14, s30, $0xb8;
	[tilespmem:$0x15800] =	vst v63  }
0x50: {  	s15 =	simm.s32 $0x300;
	s16 =	simm.s32 $0x14300  }
0x51: {  	[tilespmem:s16], [sflag:$0x1] =	stream.indirect.gather [spmem:s3], $0x1, s15, s30, $0xb8;
	[tilespmem:$0x15800] =	vst v63  }
0x52: {  	_ =	swait.ge [sflag:s18], $0x80  }
0x53: {  	[sflag:s18] =	ssyncset.done $0x0  }
0x54: {  	s10 =	simm.s32 $0xA100;
	[sflag:s18] =	ssyncadd.s32 $0xFFFFFF80  }
0x55: {  	[spmem:s2] =	stream.indirect.scatter.add.f32 [tilespmem:s0], [sflag:$0x2], $0x1, s10, s30, $0xb8;
	[tilespmem:$0x15800] =	vst v63  }
0x56: {  	s11 =	simm.s32 $0x380;
	s13 =	simm.s32 $0x14380  }
0x57: {  	[tilespmem:s13], [sflag:$0x1] =	stream.indirect.gather [spmem:s3], $0x1, s11, s30, $0xb8;
	[tilespmem:$0x15800] =	vst v63  }
0x58: {  	p0 =	por $0x0, $0x0;
	_ =	swait.ge [sflag:s18], $0x80  }
0x59: {  	s9 =	simm.s32 @!p0 $0x1000;
	[sflag:s18] =	ssyncset.done $0x0  }
0x5a: {  	s9 =	sand.u32 @!p0 $0xE00, s9;
	s14 =	simm.s32 $0xA180;
	[sflag:s18] =	ssyncadd.s32 $0xFFFFFF80  }
0x5b: {  	[spmem:s2] =	stream.indirect.scatter.add.f32 [tilespmem:s5], [sflag:$0x2], $0x1, s14, s30, $0xb8;
	[tilespmem:$0x15800] =	vst v63  }
0x5c: {  	s9 =	sshrl.u32 @!p0 s9, $0x2;
	_ =	swait.ge [sflag:s7], $0x80  }
0x5d: {  	s9 =	sor.u32 @!p0 $0x14000, s9;
	s15 =	simm.s32 $0x800;
	[sflag:s7] =	ssyncset.done $0x0  }
0x5e: {  	s11 =	simm.s32 @!p0 $0x400;
	s13 =	simm.s32 @!p0 $0x80;
	[sflag:s7] =	ssyncadd.s32 $0xFFFFFF80  }
0x5f: {  	[tilespmem:s9], [sflag:$0x1] =	stream.indirect.gather @!p0 [spmem:s3], $0x1, s11, s13, $0xb8;
	[tilespmem:$0x15800] =	vst v63  }
0x60: {  	s16 =	sand.u32 $0xE00, s15;
	s10 =	simm.s32 $0x200;
	_ =	swait.ge [sflag:s18], $0x80  }
0x61: {  	s9 =	simm.s32 $0x5;
	s11 =	sshrl.u32 s16, $0x2;
	[sflag:s18] =	ssyncset.done $0x0  }
0x62: {  	s13 =	simm.s32 $0xA200;
	s11 =	sor.u32 $0x14000, s11;
	[sflag:s18] =	ssyncadd.s32 $0xFFFFFF80  }
.LBB2_2:
0x63: {  	[spmem:s2] =	stream.indirect.scatter.add.f32 [tilespmem:s11], [sflag:$0x2], $0x1, s13, s30, $0xb8;
	[tilespmem:$0x15800] =	vst v63  }
0x64: {  	s11 =	smov.u32 s10  }
0x65: {  	p0 =	sgt.u32 s9, $0x13B;
	s9 =	sadd.s32 $0x1, s9;
	s10 =	sadd.s32 $0x200, s10  }
0x66: {  	s13 =	sadd.s32 $0x800, s11;
	s14 =	sadd.s32 @!p0 $0x1000, s11;
	s15 =	sshra.s32 @!p0 s11, $0x2  }
0x67: {  	s14 =	sand.u32 @!p0 $0xE00, s14;
	s15 =	sadd.s32 @!p0 $0x400, s15;
	_ =	swait.ge [sflag:s7], $0x80  }
0x68: {  	s16 =	simm.s32 @!p0 $0x80;
	s14 =	sshrl.u32 @!p0 s14, $0x2;
	[sflag:s7] =	ssyncset.done $0x0  }
0x69: {  	s14 =	sor.u32 @!p0 $0x14000, s14;
	[sflag:s7] =	ssyncadd.s32 $0xFFFFFF80  }
0x6a: {  	[tilespmem:s14], [sflag:$0x1] =	stream.indirect.gather @!p0 [spmem:s3], $0x1, s15, s16, $0xb8;
	[tilespmem:$0x15800] =	vst v63  }
0x6b: {  	p0 =	sne.s32 s9, $0x140  }
.Ltmp0:
0x6c: {  	_ = 	snop;
	(pc) =	sbr.rel @p0 .LBB2_2-.Ltmp0, $4  }
0x6d: {  	_ = 	snop  }
0x6e: {  	s13 =	sand.u32 $0xE00, s13;
	_ =	swait.ge [sflag:s18], $0x80  }
0x6f: {  	s13 =	sshrl.u32 s13, $0x2;
	s14 =	sshra.s32 s11, $0x2;
	[sflag:s18] =	ssyncset.done $0x0  }
0x70: {  	s11 =	sor.u32 $0x14000, s13;
	s13 =	sadd.s32 $0xA200, s14;
	[sflag:s18] =	ssyncadd.s32 $0xFFFFFF80  }
0x71: {  	[spmem:s2] =	stream.indirect.scatter.add.f32 [tilespmem:s11], [sflag:$0x2], $0x1, s13, s30, $0xb8;
	[tilespmem:$0x15800] =	vst v63  }
0x72: {  	_ =	swait.ge [sflag:s7], $0x80  }
0x73: {  	[sflag:s7] =	ssyncset.done $0x0  }
0x74: {  	[sflag:s7] =	ssyncadd.s32 $0xFFFFFF80  }
0x75: {  	_ =	swait.ge [sflag:s7], $0x80  }
0x76: {  	[sflag:s7] =	ssyncset.done $0x0  }
0x77: {  	[sflag:s7] =	ssyncadd.s32 $0xFFFFFF80  }
0x78: {  	_ =	swait.ge [sflag:s7], $0x80  }
0x79: {  	[sflag:s7] =	ssyncset.done $0x0  }
0x7a: {  	[sflag:s7] =	ssyncadd.s32 $0xFFFFFF80  }
0x7b: {  	_ =	swait.ge [sflag:s7], $0x80  }
0x7c: {  	[sflag:s7] =	ssyncset.done $0x0  }
0x7d: {  	[sflag:s7] =	ssyncadd.s32 $0xFFFFFF80  }
0x7e: {  	[bflag:$0x0] =	sbarrier.arrive $0xFFFF  }
0x7f: {  	[hbm:s17@s28], [sflag:s6] =	dma.strided [spmem:s22@s26], $0x50, s18, $0x10   }
0x80: {  	_ =	swait.ge [sflag:s12], $0x50  }
0x81: {  	[sflag:s12] =	ssyncset.done $0x0  }
0x82: {  	s9 =	sadd.s32 $0x10, s17;
	[sflag:s12] =	ssyncadd.s32 $0xFFFFFFB0  }
0x83: {  	[hbm:s9@s28], [sflag:s6] =	dma.strided [spmem:s23@s26], $0x50, s18, $0x10   }
0x84: {  	_ =	swait.ge [sflag:s12], $0x50  }
0x85: {  	[sflag:s12] =	ssyncset.done $0x0  }
0x86: {  	s14 =	sadd.s32 $0x20, s17;
	[sflag:s12] =	ssyncadd.s32 $0xFFFFFFB0  }
0x87: {  	[hbm:s14@s28], [sflag:s6] =	dma.strided [spmem:s24@s26], $0x50, s18, $0x10   }
0x88: {  	_ =	swait.ge [sflag:s12], $0x50  }
0x89: {  	[sflag:s12] =	ssyncset.done $0x0  }
0x8a: {  	s15 =	sadd.s32 $0x30, s17;
	[sflag:s12] =	ssyncadd.s32 $0xFFFFFFB0  }
0x8b: {  	[hbm:s15@s28], [sflag:s6] =	dma.strided [spmem:s25@s26], $0x50, s18, $0x10   }
0x8c: {  	_ =	swait.ge [sflag:s12], $0x50  }
0x8d: {  	s8 =	sadd.s32 $0x1, s8;
	s16 =	rddreg [dreg:$0x6]  }
0x8e: {  	p0 =	sne.s32 s8, s16  }
.Ltmp1:
0x8f: {  	_ = 	snop;
	(pc) =	sbr.rel @p0 .LBB2_1-.Ltmp1, $3  }
0x90: {  	_ =	sdelay $0x1  }
0x91: {  	[sflag:s12] =	ssyncset.done $0x0  }
0x92: {  	[sflag:s12] =	ssyncadd.s32 $0xFFFFFFB0  }
0x93: {  	_ =	sfence.sel $0x180000  }
0x94: {  	[bflag:$0x0] =	sbarrier.arrive $0xFFFF  }
0x95: {  	_ =	strace $0x9000004D  }
0x96: {  	s0 =	stileid.u32;
	[bflag:$0x2] =	sbarrier.arrive $0xFFFF  }
0x97: {  	p0 =	sne.s32 s0, $0x0;
	s0 =	rddreg [dreg:$0x3]  }
0x98: {  	s0 =	sadd.s32 @!p0 $0x100000, s0  }
0x99: {  	[sflag:s0] =	ssyncadd.tile.s32 @!p0 $0x1;
	_ =	shalt  }
.Lfunc_end2:
_tile_overlayer_lowered:
.L_overlay_start_2:
0x9a: {  	(tag) =	ssettag $0x2  }
0x9b: {  	s0 =	rddreg [dreg:$0x0];
	s2 =	stileid.u32  }
0x9c: {  	s1 =	rddreg [dreg:$0x1];
	p0 =	sne.s32 s2, $0x0  }
0x9d: {  	s3 =	rddreg [dreg:$0x2];
	[bflag:$0x3] =	sbarrier.arrive $0xFFFF;
	s2 =	simm.s32 @!p0 $0x1C03  }
0x9e: {  	[timem:s3], [sflag:s2] =	dma.local @!p0 [hbm:s0], s1  }
0x9f: {  	s0 =	simm.s32 @!p0 $0x3  }
0xa0: {  	_ =	swait.ge @!p0 [sflag:s0], s1  }
0xa1: {  	s1 =	ssub.s32 @!p0 $0x0, s1;
	[sflag:s0] =	ssyncset.done @!p0 $0x0  }
0xa2: {  	[sflag:s0] =	ssyncadd.s32 @!p0 s1  }
0xa3: {  	[bflag:$0x3] =	sbarrier.arrive $0xFFFF  }
0xa4: {  	_ =	shalt  }

// kernel: kernel.8.cloned.1.call-start
scs
__scs_entry_jumppad:
0x0: {  	(pc) =	sbr.rel $0x88, $3  }
0x1: {  	(tag) =	ssettag $0x0;
	lr =	simm.s32 $0x1  }
0x2: {  	[smem:$0x3F99] =	sst lr;
	_ =	strace $0xD0000000  }
0x3: {  	_ = 	snop  }
0x4: {  	_ = 	snop  }
0x5: {  	_ = 	snop  }
0x6: {  	_ = 	snop  }
0x7: {  	_ = 	snop  }
__scs_overlays_trampoline_lowered:
0x8: {  	[smem:$0x3FA8] =	sst s0  }
0x9: {  	[smem:$0x3FA9] =	sst s1  }
0xa: {  	[smem:$0x3FAA] =	sst s2  }
0xb: {  	[smem:$0x3FAB] =	sst s3  }
0xc: {  	[smem:$0x3FAC] =	sst s4  }
0xd: {  	[smem:$0x3FAD] =	sst s5  }
0xe: {  	[smem:$0x3FAE] =	sst s6  }
0xf: {  	[smem:$0x3FAF] =	sst s7  }
0x10: {  	[smem:$0x3FB0] =	sst s8  }
0x11: {  	[smem:$0x3FB1] =	sst s9;
	s0 =	simm.s32 @!p0 $0x0  }
0x12: {  	s1 =	sld [smem:$0x3F97];
	s0 =	simm.s32 @p0 $0x1  }
0x13: {  	[smem:$0x3FB2] =	sst s0;
	s0 =	simm.s32 @!p1 $0x0  }
0x14: {  	s2 =	sld [smem:$0x3F96];
	s0 =	simm.s32 @p1 $0x1  }
0x15: {  	[smem:$0x3FB3] =	sst s0;
	s0 =	simm.s32 @!p2 $0x0  }
0x16: {  	s3 =	sld [smem:$0x3FDB];
	s0 =	simm.s32 @p2 $0x1  }
0x17: {  	s4 =	simm.s32 $0x1BF5;
	[smem:$0x3FB5] =	sst s0  }
0x18: {  	s0 =	sld [smem:$0x3F98];
	_ =	swait.ge [sflag:s4], $0x0  }
0x19: {  	s7 =	sld [smem:$0x3F99]  }
0x1a: {  	s8 =	sadd.s32 $0xFFFFE003, lr  }
0x1b: {  	s9 =	sadd.s32 $0xFFFFFEF7, lr;
	s5 =	simm.s32 $0xFFFFFFFF;
	p2 =	slt.u32 s8, $0xFFFFF086  }
0x1c: {  	p1 =	slt.u32 s9, $0xF7A;
	s5 =	simm.s32 @!p2 $0x0  }
0x1d: {  	s5 =	simm.s32 @p1 $0x1;
	p0 =	seq.s32 s7, s2  }
0x1e: {  	s7 =	smul.u32 @!p0 $0xF7A, s2;
	p2 =	seq.s32 @!p0 s5, $0x0  }
0x1f: {  	s9 =	smul.u32 $0xF7A, s1;
	s8 =	simm.s32 @!p0 $0x1BF5;
	p2 =	por !p2, p0  }
0x20: {  	[sflag:s8] =	ssyncset.s32 @!p0 $0xFFFFF086;
	s6 =	sadd.s32 @!p0 s3, s7;
	s7 =	simm.s32 @!p0 $0x108  }
0x21: {  	s3 =	sadd.s32 s3, s9;
	s6 =	sadd.s32 @!p0 $0x88, s6;
	s7 =	simm.s32 @p2 $0x1082  }
0x22: {  	[simem:s7], [sflag:s8] =	dma.local @!p0 [hbm:s6], $0xF7A  }
0x23: {  	s9 =	sor.u32 $0xD0000000, s2;
	s6 =	simm.s32 $0x108;
	_ =	swait.ge @!p0 [sflag:s8], $0x0  }
0x24: {  	s3 =	sadd.s32 $0x88, s3;
	s6 =	simm.s32 @!p1 $0x1082;
	[sflag:s4] =	ssyncset.s32 $0xFFFFF086  }
0x25: {  	[simem:s6], [sflag:s4] =	dma.local [hbm:s3], $0xF7A  }
0x26: {  	[smem:$0x3F99] =	sst s1;
	(tag) =	ssettag s2;
	_ =	strace s9  }
0x27: {  	s1 =	sld [smem:$0x3FA9]  }
0x28: {  	s2 =	sld [smem:$0x3FAA]  }
0x29: {  	s4 =	sld [smem:$0x3FAC]  }
0x2a: {  	p0 =	seq.s32 s5, $0x0;
	s5 =	sld [smem:$0x3FAD]  }
0x2b: {  	s6 =	sld [smem:$0x3FAE]  }
0x2c: {  	s7 =	sld [smem:$0x3FAF]  }
0x2d: {  	s3 =	simm.s32 $0x108;
	s8 =	sld [smem:$0x3FB0]  }
0x2e: {  	s3 =	simm.s32 @!p0 $0x1082;
	s9 =	sld [smem:$0x3FB1]  }
0x2f: {  	lr =	sadd.s32 s0, s3;
	s0 =	sld [smem:$0x3FA8]  }
0x30: {  	s3 =	sld [smem:$0x3FAB]  }
0x31: {  	[smem:$0x3FB4] =	sst s10  }
0x32: {  	s10 =	sld [smem:$0x3FB2];
	_ =	sdelay $0x3  }
0x33: {  	p0 =	seq.s32 s10, $0x1;
	s10 =	sld [smem:$0x3FB4];
	_ =	sdelay $0x3  }
0x34: {  	[smem:$0x3FB4] =	sst s10  }
0x35: {  	s10 =	sld [smem:$0x3FB3];
	_ =	sdelay $0x3  }
0x36: {  	p1 =	seq.s32 s10, $0x1;
	s10 =	sld [smem:$0x3FB4];
	_ =	sdelay $0x3  }
0x37: {  	[smem:$0x3FB4] =	sst s10  }
0x38: {  	s10 =	sld [smem:$0x3FB5]  }
0x39: {  	_ = 	snop;
	(pc) =	sbr.ind lr, $3  }
0x3a: {  	_ = 	snop  }
0x3b: {  	_ = 	snop  }
0x3c: {  	p2 =	seq.s32 s10, $0x1;
	s10 =	sld [smem:$0x3FB4]  }
0x3d: {  	_ =	shalt  }
0x3e: {  	_ =	shalt  }
0x3f: {  	_ =	shalt  }
0x40: {  	_ =	shalt  }
0x41: {  	_ =	shalt  }
0x42: {  	_ =	shalt  }
0x43: {  	_ =	shalt  }
0x44: {  	_ =	shalt  }
0x45: {  	_ =	shalt  }
0x46: {  	_ =	shalt  }
0x47: {  	_ =	shalt  }
0x48: {  	_ =	shalt  }
0x49: {  	_ =	shalt  }
0x4a: {  	_ =	shalt  }
0x4b: {  	_ =	shalt  }
0x4c: {  	_ =	shalt  }
0x4d: {  	_ =	shalt  }
0x4e: {  	_ =	shalt  }
0x4f: {  	_ =	shalt  }
0x50: {  	_ =	shalt  }
0x51: {  	_ =	shalt  }
0x52: {  	_ =	shalt  }
0x53: {  	_ =	shalt  }
0x54: {  	_ =	shalt  }
0x55: {  	_ =	shalt  }
0x56: {  	_ =	shalt  }
0x57: {  	_ =	shalt  }
0x58: {  	_ =	shalt  }
0x59: {  	_ =	shalt  }
0x5a: {  	_ =	shalt  }
0x5b: {  	_ =	shalt  }
0x5c: {  	_ =	shalt  }
0x5d: {  	_ =	shalt  }
0x5e: {  	_ =	shalt  }
0x5f: {  	_ =	shalt  }
0x60: {  	_ =	shalt  }
0x61: {  	_ =	shalt  }
0x62: {  	_ =	shalt  }
0x63: {  	_ =	shalt  }
0x64: {  	_ =	shalt  }
0x65: {  	_ =	shalt  }
0x66: {  	_ =	shalt  }
0x67: {  	_ =	shalt  }
0x68: {  	_ =	shalt  }
0x69: {  	_ =	shalt  }
0x6a: {  	_ =	shalt  }
0x6b: {  	_ =	shalt  }
0x6c: {  	_ =	shalt  }
0x6d: {  	_ =	shalt  }
0x6e: {  	_ =	shalt  }
0x6f: {  	_ =	shalt  }
0x70: {  	_ =	shalt  }
0x71: {  	_ =	shalt  }
0x72: {  	_ =	shalt  }
0x73: {  	_ =	shalt  }
0x74: {  	_ =	shalt  }
0x75: {  	_ =	shalt  }
0x76: {  	_ =	shalt  }
0x77: {  	_ =	shalt  }
0x78: {  	_ =	shalt  }
0x79: {  	_ =	shalt  }
0x7a: {  	_ =	shalt  }
0x7b: {  	_ =	shalt  }
0x7c: {  	_ =	shalt  }
0x7d: {  	_ =	shalt  }
0x7e: {  	_ =	shalt  }
0x7f: {  	_ =	shalt  }
0x80: {  	_ =	shalt  }
0x81: {  	_ =	shalt  }
0x82: {  	_ =	shalt  }
0x83: {  	_ =	shalt  }
0x84: {  	_ =	shalt  }
0x85: {  	_ =	shalt  }
0x86: {  	_ =	shalt  }
0x87: {  	_ =	shalt  }
.Lfunc_end0:
.L_simem_size_0:
called_computation_lowered:
.L_overlay_start_0:
0x88: {  	s2 =	sld [smem:$0x3FD9]  }
0x89: {  	s3 =	sld [smem:$0x3FFE];
	_ =	sdelay $0x1  }
0x8a: {  	s1 =	srdreg.scid  }
0x8b: {  	s0 =	sand.u32 $0x1, s1  }
0x8c: {  	s14 =	sshll.u32 s0, $0xA;
	s2 =	sadd.s32 s3, s2  }
0x8d: {  	s2 =	sadd.s32 s2, s14  }
0x8e: {  	[smem:$0x3FC0] =	sst s2  }
0x8f: {  	_ = 	snop  }
0x90: {  	s2 =	sld [smem:$0x3FD0];
	_ =	sdelay $0x2  }
0x91: {  	s15 =	simm.s32 $0xA;
	s4 =	simm.s32 $0x10  }
0x92: {  	[smem:s4], [sflag:s15] =	dma.local [hbm:s2], $0x1  }
0x93: {  	_ =	swait.eq [sflag:s15], $0x1  }
0x94: {  	[sflag:s15] =	ssyncset.done $0x0  }
0x95: {  	s16 =	sld [smem:$0x10];
	[sflag:s15] =	ssyncadd.s32 $0xFFFFFFFF  }
0x96: {  	s17 =	sld [smem:$0x11];
	(tm) =	ssettm $0x1  }
0x97: {  	s18 =	sld [smem:$0x3FFB];
	_ =	sdelay $0x3  }
0x98: {  	_ =	strace s18  }
0x99: {  	s4 =	sld [smem:$0x3FFC];
	_ =	sdelay $0x3  }
0x9a: {  	_ =	strace s4  }
0x9b: {  	s4 =	sld [smem:$0x3FFD];
	_ =	sdelay $0x3  }
0x9c: {  	_ =	strace s4  }
0x9d: {  	_ =	strace $0x8FFFFFFF  }
0x9e: {  	s19 =	sld [smem:$0x3FDB];
	_ =	sdelay $0x1  }
0x9f: {  	s5 =	simm.s32 $_scs_section_size  }
0xa0: {  	s6 =	simm.s32 $_size__tile_overlayer_lowered;
	s7 =	simm.s32 $_tile_overlayer_lowered  }
0xa1: {  	s22 =	simm.s32 $0x1BFF;
	s21 =	sshll.u32 s7, $0x1;
	s4 =	sadd.s32 s5, s19  }
0xa2: {  	s8 =	simm.s32 $0x0;
	s20 =	sshll.u32 s6, $0x1;
	s6 =	sadd.s32 s21, s4  }
0xa3: {  	[timem:s8], [sflag:s22] =	dma.local [hbm:s6], s20  }
0xa4: {  	_ =	swait.ge [sflag:s22], s20  }
0xa5: {  	s5 =	ssub.s32 $0x0, s20;
	[sflag:s22] =	ssyncset.done $0x0  }
0xa6: {  	[sflag:s22] =	ssyncadd.s32 s5;
	_ =	sdelay $0x1  }
0xa7: {  	s23 =	simm.s32 $0x1B8B  }
0xa8: {  	_ =	swait.ge [sflag:s23], $0x1  }
0xa9: {  	[sflag:s23] =	ssyncset.done $0x0  }
0xaa: {  	s25 =	simm.s32 $0x1B8E;
	s24 =	sld [smem:$0x3FFE];
	[sflag:s23] =	ssyncadd.s32 $0xFFFFFFFF  }
0xab: {  	s26 =	simm.s32 $execute0_lowered;
	[smem:$0x3FD2] =	sst s25  }
0xac: {  	s6 =	sshll.u32 s26, $0x1;
	_ =	strace $0x80000046;
	[dreg:$0x1] =	wrdreg $0xFFFFFFFF  }
0xad: {  	s28 =	simm.s32 $_size_execute0_lowered;
	s4 =	sadd.s32 s4, s6;
	[dreg:$0x0] =	wrdreg $0x0  }
0xae: {  	s6 =	sshll.u32 s28, $0x1;
	[dreg:$0x2] =	wrdreg s4  }
0xaf: {  	[dreg:$0x3] =	wrdreg s6  }
0xb0: {  	[dreg:$0x4] =	wrdreg $0xC0  }
0xb1: {  	_ =	task [dreg:s8], $0x5FFFF  }
0xb2: {  	[dreg:$0x1] =	wrdreg $0xFFFFFFFF  }
0xb3: {  	[dreg:$0x0] =	wrdreg $0x60  }
0xb4: {  	[dreg:$0x2] =	wrdreg s24  }
0xb5: {  	[dreg:$0x3] =	wrdreg s16  }
0xb6: {  	[dreg:$0x4] =	wrdreg s17  }
0xb7: {  	[dreg:$0x5] =	wrdreg $0x28800  }
0xb8: {  	[dreg:$0x6] =	wrdreg $0x9  }
0xb9: {  	_ =	task.clear_ibuf [dreg:s8], $0x7FFFF;
	_ =	strace $0x90000046  }
0xba: {  	s29 =	simm.s32 $0x9;
	_ =	strace $0x80000048  }
0xbb: {  	_ =	swait.ge [sflag:s29], $0x1  }
0xbc: {  	[sflag:s29] =	ssyncadd.s32 $0xFFFFFFFF  }
0xbd: {  	_ =	strace $0x90000048  }
0xbe: {  	_ =	sfence  }
0xbf: {  	s30 =	sld [smem:$0x0];
	_ =	sdelay $0x2  }
0xc0: {  	s31 =	sshll.u32 s1, $0xD;
	s1 =	sshrl.u32 s1, $0x2  }
0xc1: {  	s3 =	sand.u32 $0x4000, s31;
	s1 =	sadd.s32 s1, s30  }
0xc2: {  	s0 =	sor.u32 s3, s0;
	s1 =	sshll.u32 s1, $0x11  }
0xc3: {  	s0 =	sor.u32 s1, s0  }
0xc4: {  	s0 =	sadd.s32 $0x8F2B, s0  }
0xc5: {  	[sflag:s0] =	ssyncadd.remote.s32 $0x1  }
0xc6: {  	_ =	sfence.sel $0xFFFF  }
0xc7: {  	[dreg:$0x0] =	wrdreg $0xFFFFFFFF;
	(pc) =	sbr.abs _section_cstart, $3  }
0xc8: {  	[dreg:$0x1] =	wrdreg $0xFFFFFFFF  }
0xc9: {  	_ =	task.clear_ibuf [dreg:s8], $0x2FFFF;
	_ =	strace $0x9FFFFFFF  }
0xca: {  	(tm) =	ssettm $0x7FFFFFFF  }
0xcb: {  	_ =	shalt  }
tec
execute0_lowered:
.L_overlay_start_1:
0x0: {  	(tag) =	ssettag $0x1  }
0x1: {  	s4 =	rddreg [dreg:$0x0]  }
0x2: {  	s5 =	rddreg [dreg:$0x1]  }
0x3: {  	s6 =	rddreg [dreg:$0x2]  }
0x4: {  	s1 =	rddreg [dreg:$0x3];
	s2 =	srdreg.scid  }
0x5: {  	s0 =	rddreg [dreg:$0x4];
	s7 =	sand.u32 $0x1, s2  }
0x6: {  	s3 =	simm.s32 $0x0;
	s2 =	stileid.u32;
	s8 =	smul.u32 $0x5000, s7  }
0x7: {  	s15 =	simm.s32 $0x0;
	[smem:$0x7FF] =	sst s3;
	s10 =	smul.u32 $0x280, s2  }
0x8: {  	s9 =	ssub.s32 $0x2, s7;
	_ =	strace $0x80000047;
	s12 =	smul.u32 $0x500, s2  }
0x9: {  	s11 =	sshll.u32 s2, $0x6;
	s7 =	sshll.u32 s7, $0x4;
	s14 =	smul.u32 $0xA0, s2  }
0xa: {  	s29 =	sshrl.u32 s9, $0x1;
	s13 =	sadd.s32 s6, s7;
	s8 =	sadd.s32 s8, s4  }
0xb: {  	s9 =	ssub.s32 s9, s29;
	s30 =	sshrl.u32 s10, $0x3;
	s10 =	sadd.s32 s10, s1  }
0xc: {  	s4 =	sadd.s32 s5, s30;
	s5 =	sor.u32 $0x1C01, s11;
	s31 =	sadd.s32 $0x3000, s8  }
0xd: {  	s6 =	smax.u32 s9, $0x1;
	s7 =	sshrl.u32 s10, $0x3;
	s8 =	simm.s32 $0x1  }
0xe: {  	s10 =	simm.s32 $0x80;
	s11 =	simm.s32 $0x2800;
	s9 =	sadd.s32 s12, s31  }
0xf: {  	v0 =	vimm.f32 $1.000000000e+00;
	s12 =	sadd.s32 s14, s13;
	s13 =	simm.s32 $0x20;
	s14 =	simm.s32 $0x10  }
.LBB2_1:
0x10: {  	[spmem:s7], [sflag:s5] =	dma.local [hbm:s4], $0x50  }
0x11: {  	_ =	swait.ge [sflag:s8], $0x50  }
0x12: {  	[sflag:s8] =	ssyncset.done $0x0  }
0x13: {  	[sflag:s8] =	ssyncadd.s32 $0xFFFFFFB0  }
0x14: {  	[tilespmem:s3], [sflag:$0x1] =	stream.linear.gather [hbm4b:s9+s3], $0x2800, $0x38;
	[tilespmem:$0x2B00] =	vst v63  }
0x15: {  	_ =	swait.ge [sflag:s8], $0x2800  }
0x16: {  	[sflag:s8] =	ssyncset.done $0x0  }
0x17: {  	[sflag:s8] =	ssyncadd.s32 $0xFFFFD800  }
0x18: {  	[tilespmem:$0x2800] =	vst v0  }
0x19: {  	[tilespmem:$0x2810] =	vst v0  }
0x1a: {  	[tilespmem:$0x2820] =	vst v0  }
0x1b: {  	[tilespmem:$0x2830] =	vst v0  }
0x1c: {  	[tilespmem:$0x2840] =	vst v0  }
0x1d: {  	[tilespmem:$0x2850] =	vst v0  }
0x1e: {  	[tilespmem:$0x2860] =	vst v0  }
0x1f: {  	[tilespmem:$0x2870] =	vst v0  }
0x20: {  	s16 =	simm.s32 $0x0;
	[bflag:$0x0] =	sbarrier.arrive $0xFFFF  }
0x21: {  	[spmem:s1] =	stream.indirect.scatter.add.f32 [tilespmem:s11], [sflag:$0x1], $0x1, s16, s10, $0xb8;
	[tilespmem:$0x2B00] =	vst v63  }
0x22: {  	_ =	swait.ge [sflag:s8], $0x80  }
0x23: {  	s16 =	simm.s32 $0x200;
	[sflag:s8] =	ssyncset.done $0x0  }
.LBB2_2:
0x24: {  	s17 =	sshra.s32 s16, $0x2;
	[sflag:s8] =	ssyncadd.s32 $0xFFFFFF80;
	p0 =	sne.s32 s16, $0x9E00  }
0x25: {  	[spmem:s1] =	stream.indirect.scatter.add.f32 [tilespmem:s11], [sflag:$0x1], $0x1, s17, s10, $0xb8;
	[tilespmem:$0x2B00] =	vst v63  }
.Ltmp0:
0x26: {  	_ = 	snop;
	(pc) =	sbr.rel @p0 .LBB2_2-.Ltmp0, $4  }
0x27: {  	_ = 	snop  }
0x28: {  	s16 =	sadd.s32 $0x200, s16  }
0x29: {  	_ =	swait.ge [sflag:s8], $0x80  }
0x2a: {  	[sflag:s8] =	ssyncset.done $0x0  }
0x2b: {  	s15 =	sadd.s32 $0x1, s15  }
0x2c: {  	[sflag:s8] =	ssyncadd.s32 $0xFFFFFF80;
	p0 =	sne.s32 s15, s6  }
.Ltmp1:
0x2d: {  	[bflag:$0x0] =	sbarrier.arrive $0xFFFF;
	(pc) =	sbr.rel @p0 .LBB2_1-.Ltmp1, $4  }
0x2e: {  	[hbm:s12@s13], [sflag:s5] =	dma.strided [spmem:s7@s14], $0x50, s8, $0x10   }
0x2f: {  	_ =	swait.ge [sflag:s8], $0x50  }
0x30: {  	[sflag:s8] =	ssyncset.done $0x0  }
0x31: {  	[sflag:s8] =	ssyncadd.s32 $0xFFFFFFB0  }
0x32: {  	_ =	sfence.sel $0x180000  }
0x33: {  	[bflag:$0x0] =	sbarrier.arrive $0xFFFF  }
0x34: {  	p0 =	sne.s32 s2, $0x0;
	_ =	strace $0x90000047  }
0x35: {  	s0 =	sadd.s32 @!p0 $0x100000, s0;
	[bflag:$0x2] =	sbarrier.arrive $0xFFFF  }
0x36: {  	[sflag:s0] =	ssyncadd.tile.s32 @!p0 $0x1;
	_ =	shalt  }
.Lfunc_end2:
_tile_overlayer_lowered:
.L_overlay_start_2:
0x37: {  	(tag) =	ssettag $0x2  }
0x38: {  	s0 =	rddreg [dreg:$0x0];
	s2 =	stileid.u32  }
0x39: {  	s1 =	rddreg [dreg:$0x1];
	p0 =	sne.s32 s2, $0x0  }
0x3a: {  	s3 =	rddreg [dreg:$0x2];
	[bflag:$0x3] =	sbarrier.arrive $0xFFFF;
	s2 =	simm.s32 @!p0 $0x1C01  }
0x3b: {  	[timem:s3], [sflag:s2] =	dma.local @!p0 [hbm:s0], s1  }
0x3c: {  	s0 =	simm.s32 @!p0 $0x1  }
0x3d: {  	_ =	swait.ge @!p0 [sflag:s0], s1  }
0x3e: {  	s1 =	ssub.s32 @!p0 $0x0, s1;
	[sflag:s0] =	ssyncset.done @!p0 $0x0  }
0x3f: {  	[sflag:s0] =	ssyncadd.s32 @!p0 s1  }
0x40: {  	[bflag:$0x3] =	sbarrier.arrive $0xFFFF  }
0x41: {  	_ =	shalt  }

</sc_bundles>
